<compile_context>
chip_gen: v7x
topology: tpu7x:2x2x1
jax: 0.10.2.dev20260603
libtpu: 0.0.44.dev20260713+nightly
codegen_flags: <defaults>
</compile_context>

<pallas_src>
import functools

import jax
import jax.numpy as jnp
from jax import lax
from jax.experimental import pallas as pl
from jax.experimental.pallas import tpu as pltpu
from jax.experimental.pallas import tpu_sc as plsc

_LANES = 16
_NC = 2
_NS = 16
_NW = _NC * _NS
_IDX_CHUNK = 128


def _tc_body(x_ref, t_ref, g_ref, bce_ref, *, c, cpad):
    i = pl.program_id(0)
    x = x_ref[...]
    t = t_ref[...]
    e = jnp.exp(-jnp.abs(x))
    bce = jnp.sum(jnp.maximum(x, 0.0) - x * t + jnp.log1p(e))
    s = 1.0 / (1.0 + e)
    pred = jnp.where(x >= 0, s, 1.0 - s)
    g = lax.dot_general(pred, pred, (((1,), (1,)), ((), ())),
                        preferred_element_type=jnp.float32,
                        precision=lax.Precision.DEFAULT)
    cs = jnp.sum(pred, axis=1, keepdims=True)
    nslab = g_ref.shape[0] - 1

    @pl.when(i == 0)
    def _init():
        for j in range(nslab):
            w = min(128, c - j * 128)
            g_ref[j, pl.ds(0, c), pl.ds(0, w)] = g[:, j * 128:j * 128 + w]
        g_ref[nslab, pl.ds(0, c), pl.ds(0, 1)] = cs
        bce_ref[...] = jnp.reshape(bce, (1, 1))

    @pl.when(i > 0)
    def _acc():
        for j in range(nslab):
            w = min(128, c - j * 128)
            g_ref[j, pl.ds(0, c), pl.ds(0, w)] += g[:, j * 128:j * 128 + w]
        g_ref[nslab, pl.ds(0, c), pl.ds(0, 1)] += cs
        bce_ref[...] += jnp.reshape(bce, (1, 1))


def _tc_stage(xt, tt, col_tile):
    c, b = xt.shape
    cpad = _ceil_to(c, 8)
    nslab = -(-c // 128)
    return pl.pallas_call(
        functools.partial(_tc_body, c=c, cpad=cpad),
        grid=(b // col_tile,),
        in_specs=[pl.BlockSpec((c, col_tile), lambda i: (0, i)),
                  pl.BlockSpec((c, col_tile), lambda i: (0, i))],
        out_specs=[pl.BlockSpec((nslab + 1, cpad, 128), lambda i: (0, 0, 0)),
                   pl.BlockSpec((1, 1), lambda i: (0, 0))],
        out_shape=[jax.ShapeDtypeStruct((nslab + 1, cpad, 128), jnp.float32),
                   jax.ShapeDtypeStruct((1, 1), jnp.float32)],
    )(xt, tt)


def _make_sc_gather(slab_stride, cs_off, n_impl, n_dis, impl_pw, dis_pw):
    mesh = plsc.VectorSubcoreMesh(core_axis_name="c", subcore_axis_name="s")

    @functools.partial(
        pl.kernel,
        mesh=mesh,
        out_type=jax.ShapeDtypeStruct((_NW, 3 * _LANES), jnp.float32),
        scratch_types=[
            pltpu.VMEM((impl_pw,), jnp.int32),
            pltpu.VMEM((impl_pw,), jnp.int32),
            pltpu.VMEM((dis_pw,), jnp.int32),
            pltpu.VMEM((dis_pw,), jnp.int32),
            pltpu.VMEM((impl_pw,), jnp.int32),
            pltpu.VMEM((impl_pw,), jnp.int32),
            pltpu.VMEM((dis_pw,), jnp.int32),
            pltpu.VMEM((impl_pw,), jnp.float32),
            pltpu.VMEM((impl_pw,), jnp.float32),
            pltpu.VMEM((dis_pw,), jnp.float32),
            pltpu.VMEM((3 * _LANES,), jnp.float32),
            pltpu.SemaphoreType.DMA,
        ],
    )
    def sc_gather(gflat_hbm, il_hbm, ir_hbm, dl_hbm, dr_hbm, out_hbm,
                  il_v, ir_v, dl_v, dr_v, gi_v, ci_v, di_v,
                  vg_v, vc_v, vd_v, part_v, sem):
        wid = lax.axis_index("s") * _NC + lax.axis_index("c")
        ib = wid * impl_pw
        db = wid * dis_pw
        ibc = jnp.minimum(ib, (n_impl - impl_pw) & ~7)
        dbc = jnp.minimum(db, (n_dis - dis_pw) & ~7)
        loads = [
            pltpu.async_copy(il_hbm.at[pl.ds(ibc, impl_pw)], il_v, sem),
            pltpu.async_copy(ir_hbm.at[pl.ds(ibc, impl_pw)], ir_v, sem),
            pltpu.async_copy(dl_hbm.at[pl.ds(dbc, dis_pw)], dl_v, sem),
            pltpu.async_copy(dr_hbm.at[pl.ds(dbc, dis_pw)], dr_v, sem),
        ]
        for ld in loads:
            ld.wait()
        for i in range(impl_pw // _LANES):
            sl = pl.ds(i * _LANES, _LANES)
            l = il_v[sl]
            r = ir_v[sl]
            gi_v[sl] = (r >> 7) * slab_stride + (l << 7) + (r & 127)
            ci_v[sl] = (l << 7) + cs_off
        for i in range(dis_pw // _LANES):
            sl = pl.ds(i * _LANES, _LANES)
            r = dr_v[sl]
            di_v[sl] = (r >> 7) * slab_stride + (dl_v[sl] << 7) + (r & 127)
        copies = []
        for j in range(impl_pw // _IDX_CHUNK):
            sl = pl.ds(j * _IDX_CHUNK, _IDX_CHUNK)
            copies.append(pltpu.async_copy(
                gflat_hbm.at[gi_v.at[sl]], vg_v.at[sl], sem))
            copies.append(pltpu.async_copy(
                gflat_hbm.at[ci_v.at[sl]], vc_v.at[sl], sem))
        for j in range(dis_pw // _IDX_CHUNK):
            sl = pl.ds(j * _IDX_CHUNK, _IDX_CHUNK)
            copies.append(pltpu.async_copy(
                gflat_hbm.at[di_v.at[sl]], vd_v.at[sl], sem))
        for cp_ in copies:
            cp_.wait()
        lane = lax.iota(jnp.int32, _LANES)
        zero = jnp.zeros((_LANES,), jnp.float32)
        accg = zero
        accc = zero
        accd = zero
        for i in range(impl_pw // _LANES):
            sl = pl.ds(i * _LANES, _LANES)
            pos = ibc + i * _LANES + lane
            valid = (pos >= ib) & (pos < n_impl)
            accg = accg + jnp.where(valid, vg_v[sl], 0.0)
            accc = accc + jnp.where(valid, vc_v[sl], 0.0)
        for i in range(dis_pw // _LANES):
            sl = pl.ds(i * _LANES, _LANES)
            pos = dbc + i * _LANES + lane
            valid = (pos >= db) & (pos < n_dis)
            accd = accd + jnp.where(valid, vd_v[sl], 0.0)
        part_v[pl.ds(0, _LANES)] = accg
        part_v[pl.ds(_LANES, _LANES)] = accc
        part_v[pl.ds(2 * _LANES, _LANES)] = accd
        pltpu.sync_copy(part_v, out_hbm.at[wid])

    return sc_gather


def _ceil_to(n, m):
    return -(-n // m) * m


def kernel(input, target, impl_l, impl_r, dis_l, dis_r):
    b, c = input.shape

    n_impl = impl_l.shape[0]
    n_dis = dis_l.shape[0]
    impl_pw = _ceil_to(-(-n_impl // _NW), _IDX_CHUNK)
    dis_pw = _ceil_to(-(-n_dis // _NW), _IDX_CHUNK)

    g, bce = _tc_stage(input.T, target.T, col_tile=512)
    nslab1, cpad, _ = g.shape
    gflat = jnp.reshape(g, (nslab1 * cpad * 128,))
    cs_off = (nslab1 - 1) * cpad * 128
    parts = _make_sc_gather(cpad * 128, cs_off, n_impl, n_dis,
                            impl_pw, dis_pw)(
        gflat, impl_l, impl_r, dis_l, dis_r)

    sums = jnp.sum(jnp.reshape(parts, (_NW, 3, _LANES)), axis=(0, 2))
    base_loss = bce[0, 0] / (b * c)
    implication_loss = (sums[1] - sums[0]) / b
    disjointness_loss = sums[2] / b
    loss = base_loss + 0.1 * implication_loss
    total = loss + 100.0 * disjointness_loss
    return (total, base_loss, implication_loss, disjointness_loss)

# --- scband reference (transcript-rebuilt; emitter-appended) ---
"""Pipeline reference for scband-disjoint-loss-30666066494135 (READ-ONLY COPY).

The authoritative reference and input builder live on the scoring server;
editing this copy changes nothing except your own understanding.
"""

import jax, jax.numpy as jnp
import numpy as np

B = 2048
C = 1500
N_IMPL = 10000
N_DIS = 4000
IMPL_WEIGHT = 0.1
DIS_WEIGHT = 100.0


def setup_inputs(seed: int = 0) -> dict:
    key = jax.random.key(seed)
    ks = jax.random.split(key, 6)
    inp = jax.random.normal(ks[0], (B, C), dtype=jnp.float32)
    target = jax.random.uniform(ks[1], (B, C), dtype=jnp.float32)
    impl_l = jax.random.randint(ks[2], (N_IMPL,), 0, C, dtype=jnp.int32)
    impl_r = jax.random.randint(ks[3], (N_IMPL,), 0, C, dtype=jnp.int32)
    dis_l = jax.random.randint(ks[4], (N_DIS,), 0, C, dtype=jnp.int32)
    dis_r = jax.random.randint(ks[5], (N_DIS,), 0, C, dtype=jnp.int32)
    return {"input": inp, "target": target, "impl_l": impl_l, "impl_r": impl_r, "dis_l": dis_l, "dis_r": dis_r}


def _bce_with_logits_mean(x, t):
    # numerically-stable BCEWithLogitsLoss with mean reduction
    return jnp.mean(jnp.maximum(x, 0.0) - x * t + jnp.log1p(jnp.exp(-jnp.abs(x))))


def _calculate_implication_loss(l, r):
    # tnorm='product', pos_scalar=1, multiply_by_softmax=False
    one_min_r = 1.0 - r
    individual_loss = l * one_min_r
    return jnp.mean(jnp.sum(individual_loss, axis=-1), axis=0)


def reference(input, target, impl_l, impl_r, dis_l, dis_r):
    # base loss (BCEWithLogits, mean)
    base_loss = _bce_with_logits_mean(input, target)
    pred = jax.nn.sigmoid(input)
    # implication loss: gather columns by pair indices
    l_i = jnp.take(pred, impl_l, axis=1)
    r_i = jnp.take(pred, impl_r, axis=1)
    implication_loss = _calculate_implication_loss(l_i, r_i)
    loss = base_loss + IMPL_WEIGHT * implication_loss
    # disjointness loss: note r is passed as (1 - r)
    l_d = jnp.take(pred, dis_l, axis=1)
    r_d = jnp.take(pred, dis_r, axis=1)
    disjointness_loss = _calculate_implication_loss(l_d, 1.0 - r_d)
    total = loss + DIS_WEIGHT * disjointness_loss
    return (total, base_loss, implication_loss, disjointness_loss)

if __name__ == "__main__":
    import jax
    _d = setup_inputs()
    print(jax.jit(kernel)(*tuple(_d.values())))

</pallas_src>

<mosaic_0001>
#map = affine_map<(d0, d1) -> (0)>
#map1 = affine_map<(d0, d1) -> (0, 0)>
module attributes {stable_mosaic.version = 14 : i64} {
  func.func @sc_gather(%arg0: i32, %arg1: i32, %arg2: memref<2502656xf32, #tpu.memory_space<hbm>>, %arg3: memref<10000xi32, #tpu.memory_space<hbm>>, %arg4: memref<10000xi32, #tpu.memory_space<hbm>>, %arg5: memref<4000xi32, #tpu.memory_space<hbm>>, %arg6: memref<4000xi32, #tpu.memory_space<hbm>>, %arg7: memref<32x48xf32, #tpu.memory_space<hbm>>, %arg8: memref<384xi32, #tpu.memory_space<vmem>>, %arg9: memref<384xi32, #tpu.memory_space<vmem>>, %arg10: memref<128xi32, #tpu.memory_space<vmem>>, %arg11: memref<128xi32, #tpu.memory_space<vmem>>, %arg12: memref<384xi32, #tpu.memory_space<vmem>>, %arg13: memref<384xi32, #tpu.memory_space<vmem>>, %arg14: memref<128xi32, #tpu.memory_space<vmem>>, %arg15: memref<384xf32, #tpu.memory_space<vmem>>, %arg16: memref<384xf32, #tpu.memory_space<vmem>>, %arg17: memref<128xf32, #tpu.memory_space<vmem>>, %arg18: memref<48xf32, #tpu.memory_space<vmem>>, %arg19: memref<!tpu.dma_semaphore, #tpu.memory_space<semaphore_mem>>) attributes {dimension_semantics = [#tpu.dimension_semantics<core_parallel>, #tpu.dimension_semantics<subcore_parallel>], iteration_bounds = array<i64: 2, 16>, scalar_prefetch = 0 : i64, scratch_operands = 12 : i64, tpu.core_type = #tpu.core_type<sc_vector_subcore>, window_params = [{transform_indices = #map}, {transform_indices = #map}, {transform_indices = #map}, {transform_indices = #map}, {transform_indices = #map}, {transform_indices = #map1}]} {
    %mul3A = arith.constant 2 : i32
    %mul3A_0 = arith.muli %arg1, %mul3A : i32
    %add3A = arith.addi %mul3A_0, %arg0 : i32
    %mul3A_1 = arith.constant 384 : i32
    %mul3A_2 = arith.muli %add3A, %mul3A_1 : i32
    %mul3A_3 = arith.constant 128 : i32
    %mul3A_4 = arith.muli %add3A, %mul3A_3 : i32
    %min3A = arith.constant 9616 : i32
    %min3A_5 = arith.minsi %mul3A_2, %min3A : i32
    %min3A_6 = arith.constant 3872 : i32
    %min3A_7 = arith.minsi %mul3A_4, %min3A_6 : i32
    %dma_start3A = tpu.memref_slice %arg3[%min3A_5] : memref<10000xi32, #tpu.memory_space<hbm>> -> memref<384xi32, #tpu.memory_space<hbm>>
    %dma_start3A_8 = tpu.memref_slice %arg3[%min3A_5] : memref<10000xi32, #tpu.memory_space<hbm>> -> memref<384xi32, #tpu.memory_space<hbm>>
    tpu.enqueue_dma source(%dma_start3A_8 : memref<384xi32, #tpu.memory_space<hbm>>) target(%arg8 : memref<384xi32, #tpu.memory_space<vmem>>) target_semaphore(%arg19 : memref<!tpu.dma_semaphore, #tpu.memory_space<semaphore_mem>>)
    %dma_start3A_9 = tpu.memref_slice %arg4[%min3A_5] : memref<10000xi32, #tpu.memory_space<hbm>> -> memref<384xi32, #tpu.memory_space<hbm>>
    %dma_start3A_10 = tpu.memref_slice %arg4[%min3A_5] : memref<10000xi32, #tpu.memory_space<hbm>> -> memref<384xi32, #tpu.memory_space<hbm>>
    tpu.enqueue_dma source(%dma_start3A_10 : memref<384xi32, #tpu.memory_space<hbm>>) target(%arg9 : memref<384xi32, #tpu.memory_space<vmem>>) target_semaphore(%arg19 : memref<!tpu.dma_semaphore, #tpu.memory_space<semaphore_mem>>)
    %dma_start3A_11 = tpu.memref_slice %arg5[%min3A_7] : memref<4000xi32, #tpu.memory_space<hbm>> -> memref<128xi32, #tpu.memory_space<hbm>>
    %dma_start3A_12 = tpu.memref_slice %arg5[%min3A_7] : memref<4000xi32, #tpu.memory_space<hbm>> -> memref<128xi32, #tpu.memory_space<hbm>>
    tpu.enqueue_dma source(%dma_start3A_12 : memref<128xi32, #tpu.memory_space<hbm>>) target(%arg10 : memref<128xi32, #tpu.memory_space<vmem>>) target_semaphore(%arg19 : memref<!tpu.dma_semaphore, #tpu.memory_space<semaphore_mem>>)
    %dma_start3A_13 = tpu.memref_slice %arg6[%min3A_7] : memref<4000xi32, #tpu.memory_space<hbm>> -> memref<128xi32, #tpu.memory_space<hbm>>
    %dma_start3A_14 = tpu.memref_slice %arg6[%min3A_7] : memref<4000xi32, #tpu.memory_space<hbm>> -> memref<128xi32, #tpu.memory_space<hbm>>
    tpu.enqueue_dma source(%dma_start3A_14 : memref<128xi32, #tpu.memory_space<hbm>>) target(%arg11 : memref<128xi32, #tpu.memory_space<vmem>>) target_semaphore(%arg19 : memref<!tpu.dma_semaphore, #tpu.memory_space<semaphore_mem>>)
    %dma_wait3A = tpu.memref_slice %arg3[%min3A_5] : memref<10000xi32, #tpu.memory_space<hbm>> -> memref<384xi32, #tpu.memory_space<hbm>>
    %dma_wait3A_15 = tpu.memref_slice %arg3[%min3A_5] : memref<10000xi32, #tpu.memory_space<hbm>> -> memref<384xi32, #tpu.memory_space<hbm>>
    tpu.wait_dma2 semaphore(%arg19 : memref<!tpu.dma_semaphore, #tpu.memory_space<semaphore_mem>>) src(%dma_wait3A_15 : memref<384xi32, #tpu.memory_space<hbm>>) dst(%arg8 : memref<384xi32, #tpu.memory_space<vmem>>)
    %dma_wait3A_16 = tpu.memref_slice %arg4[%min3A_5] : memref<10000xi32, #tpu.memory_space<hbm>> -> memref<384xi32, #tpu.memory_space<hbm>>
    %dma_wait3A_17 = tpu.memref_slice %arg4[%min3A_5] : memref<10000xi32, #tpu.memory_space<hbm>> -> memref<384xi32, #tpu.memory_space<hbm>>
    tpu.wait_dma2 semaphore(%arg19 : memref<!tpu.dma_semaphore, #tpu.memory_space<semaphore_mem>>) src(%dma_wait3A_17 : memref<384xi32, #tpu.memory_space<hbm>>) dst(%arg9 : memref<384xi32, #tpu.memory_space<vmem>>)
    %dma_wait3A_18 = tpu.memref_slice %arg5[%min3A_7] : memref<4000xi32, #tpu.memory_space<hbm>> -> memref<128xi32, #tpu.memory_space<hbm>>
    %dma_wait3A_19 = tpu.memref_slice %arg5[%min3A_7] : memref<4000xi32, #tpu.memory_space<hbm>> -> memref<128xi32, #tpu.memory_space<hbm>>
    tpu.wait_dma2 semaphore(%arg19 : memref<!tpu.dma_semaphore, #tpu.memory_space<semaphore_mem>>) src(%dma_wait3A_19 : memref<128xi32, #tpu.memory_space<hbm>>) dst(%arg10 : memref<128xi32, #tpu.memory_space<vmem>>)
    %dma_wait3A_20 = tpu.memref_slice %arg6[%min3A_7] : memref<4000xi32, #tpu.memory_space<hbm>> -> memref<128xi32, #tpu.memory_space<hbm>>
    %dma_wait3A_21 = tpu.memref_slice %arg6[%min3A_7] : memref<4000xi32, #tpu.memory_space<hbm>> -> memref<128xi32, #tpu.memory_space<hbm>>
    tpu.wait_dma2 semaphore(%arg19 : memref<!tpu.dma_semaphore, #tpu.memory_space<semaphore_mem>>) src(%dma_wait3A_21 : memref<128xi32, #tpu.memory_space<hbm>>) dst(%arg11 : memref<128xi32, #tpu.memory_space<vmem>>)
    %get3A = arith.constant 0 : index
    %get3A_22 = tpu.vector_load %arg8[%get3A] {strides = array<i32>} : memref<384xi32, #tpu.memory_space<vmem>>, vector<16xi32>,
    %get3A_23 = vector.shape_cast %get3A_22 : vector<16xi32> to vector<16xi32>
    %get3A_24 = arith.constant 0 : index
    %get3A_25 = tpu.vector_load %arg9[%get3A_24] {strides = array<i32>} : memref<384xi32, #tpu.memory_space<vmem>>, vector<16xi32>,
    %get3A_26 = vector.shape_cast %get3A_25 : vector<16xi32> to vector<16xi32>
    %shift_right_arithmetic3A = arith.constant 7 : i32
    %shift_right_arithmetic3A_27 = vector.broadcast %shift_right_arithmetic3A : i32 to vector<16xi32>
    %shift_right_arithmetic3A_28 = arith.shrsi %get3A_26, %shift_right_arithmetic3A_27 : vector<16xi32>
    %mul3A_29 = arith.constant 192512 : i32
    %mul3A_30 = vector.broadcast %mul3A_29 : i32 to vector<16xi32>
    %mul3A_31 = arith.muli %shift_right_arithmetic3A_28, %mul3A_30 : vector<16xi32>
    %shift_left3A = arith.constant 7 : i32
    %shift_left3A_32 = vector.broadcast %shift_left3A : i32 to vector<16xi32>
    %shift_left3A_33 = arith.shli %get3A_23, %shift_left3A_32 : vector<16xi32>
    %add3A_34 = arith.addi %mul3A_31, %shift_left3A_33 : vector<16xi32>
    %and3A = arith.constant 127 : i32
    %and3A_35 = vector.broadcast %and3A : i32 to vector<16xi32>
    %and3A_36 = arith.andi %get3A_26, %and3A_35 : vector<16xi32>
    %add3A_37 = arith.addi %add3A_34, %and3A_36 : vector<16xi32>
    %swap3A = arith.constant 0 : index
    %swap3A_38 = tpu.vector_load %arg12[%swap3A] {strides = array<i32>} : memref<384xi32, #tpu.memory_space<vmem>>, vector<16xi32>,
    %swap3A_39 = vector.shape_cast %swap3A_38 : vector<16xi32> to vector<16xi32>
    %swap3A_40 = vector.shape_cast %add3A_37 : vector<16xi32> to vector<16xi32>
    tpu.vector_store %arg12[%swap3A], %swap3A_40 {strides = array<i32>} : memref<384xi32, #tpu.memory_space<vmem>>, vector<16xi32>,
    %shift_left3A_41 = arith.constant 7 : i32
    %shift_left3A_42 = vector.broadcast %shift_left3A_41 : i32 to vector<16xi32>
    %shift_left3A_43 = arith.shli %get3A_23, %shift_left3A_42 : vector<16xi32>
    %add3A_44 = arith.constant 2310144 : i32
    %add3A_45 = vector.broadcast %add3A_44 : i32 to vector<16xi32>
    %add3A_46 = arith.addi %shift_left3A_43, %add3A_45 : vector<16xi32>
    %swap3A_47 = arith.constant 0 : index
    %swap3A_48 = tpu.vector_load %arg13[%swap3A_47] {strides = array<i32>} : memref<384xi32, #tpu.memory_space<vmem>>, vector<16xi32>,
    %swap3A_49 = vector.shape_cast %swap3A_48 : vector<16xi32> to vector<16xi32>
    %swap3A_50 = vector.shape_cast %add3A_46 : vector<16xi32> to vector<16xi32>
    tpu.vector_store %arg13[%swap3A_47], %swap3A_50 {strides = array<i32>} : memref<384xi32, #tpu.memory_space<vmem>>, vector<16xi32>,
    %get3A_51 = arith.constant 16 : index
    %get3A_52 = tpu.vector_load %arg8[%get3A_51] {strides = array<i32>} : memref<384xi32, #tpu.memory_space<vmem>>, vector<16xi32>,
    %get3A_53 = vector.shape_cast %get3A_52 : vector<16xi32> to vector<16xi32>
    %get3A_54 = arith.constant 16 : index
    %get3A_55 = tpu.vector_load %arg9[%get3A_54] {strides = array<i32>} : memref<384xi32, #tpu.memory_space<vmem>>, vector<16xi32>,
    %get3A_56 = vector.shape_cast %get3A_55 : vector<16xi32> to vector<16xi32>
    %shift_right_arithmetic3A_57 = arith.constant 7 : i32
    %shift_right_arithmetic3A_58 = vector.broadcast %shift_right_arithmetic3A_57 : i32 to vector<16xi32>
    %shift_right_arithmetic3A_59 = arith.shrsi %get3A_56, %shift_right_arithmetic3A_58 : vector<16xi32>
    %mul3A_60 = arith.constant 192512 : i32
    %mul3A_61 = vector.broadcast %mul3A_60 : i32 to vector<16xi32>
    %mul3A_62 = arith.muli %shift_right_arithmetic3A_59, %mul3A_61 : vector<16xi32>
    %shift_left3A_63 = arith.constant 7 : i32
    %shift_left3A_64 = vector.broadcast %shift_left3A_63 : i32 to vector<16xi32>
    %shift_left3A_65 = arith.shli %get3A_53, %shift_left3A_64 : vector<16xi32>
    %add3A_66 = arith.addi %mul3A_62, %shift_left3A_65 : vector<16xi32>
    %and3A_67 = arith.constant 127 : i32
    %and3A_68 = vector.broadcast %and3A_67 : i32 to vector<16xi32>
    %and3A_69 = arith.andi %get3A_56, %and3A_68 : vector<16xi32>
    %add3A_70 = arith.addi %add3A_66, %and3A_69 : vector<16xi32>
    %swap3A_71 = arith.constant 16 : index
    %swap3A_72 = tpu.vector_load %arg12[%swap3A_71] {strides = array<i32>} : memref<384xi32, #tpu.memory_space<vmem>>, vector<16xi32>,
    %swap3A_73 = vector.shape_cast %swap3A_72 : vector<16xi32> to vector<16xi32>
    %swap3A_74 = vector.shape_cast %add3A_70 : vector<16xi32> to vector<16xi32>
    tpu.vector_store %arg12[%swap3A_71], %swap3A_74 {strides = array<i32>} : memref<384xi32, #tpu.memory_space<vmem>>, vector<16xi32>,
    %shift_left3A_75 = arith.constant 7 : i32
    %shift_left3A_76 = vector.broadcast %shift_left3A_75 : i32 to vector<16xi32>
    %shift_left3A_77 = arith.shli %get3A_53, %shift_left3A_76 : vector<16xi32>
    %add3A_78 = arith.constant 2310144 : i32
    %add3A_79 = vector.broadcast %add3A_78 : i32 to vector<16xi32>
    %add3A_80 = arith.addi %shift_left3A_77, %add3A_79 : vector<16xi32>
    %swap3A_81 = arith.constant 16 : index
    %swap3A_82 = tpu.vector_load %arg13[%swap3A_81] {strides = array<i32>} : memref<384xi32, #tpu.memory_space<vmem>>, vector<16xi32>,
    %swap3A_83 = vector.shape_cast %swap3A_82 : vector<16xi32> to vector<16xi32>
    %swap3A_84 = vector.shape_cast %add3A_80 : vector<16xi32> to vector<16xi32>
    tpu.vector_store %arg13[%swap3A_81], %swap3A_84 {strides = array<i32>} : memref<384xi32, #tpu.memory_space<vmem>>, vector<16xi32>,
    %get3A_85 = arith.constant 32 : index
    %get3A_86 = tpu.vector_load %arg8[%get3A_85] {strides = array<i32>} : memref<384xi32, #tpu.memory_space<vmem>>, vector<16xi32>,
    %get3A_87 = vector.shape_cast %get3A_86 : vector<16xi32> to vector<16xi32>
    %get3A_88 = arith.constant 32 : index
    %get3A_89 = tpu.vector_load %arg9[%get3A_88] {strides = array<i32>} : memref<384xi32, #tpu.memory_space<vmem>>, vector<16xi32>,
    %get3A_90 = vector.shape_cast %get3A_89 : vector<16xi32> to vector<16xi32>
    %shift_right_arithmetic3A_91 = arith.constant 7 : i32
    %shift_right_arithmetic3A_92 = vector.broadcast %shift_right_arithmetic3A_91 : i32 to vector<16xi32>
    %shift_right_arithmetic3A_93 = arith.shrsi %get3A_90, %shift_right_arithmetic3A_92 : vector<16xi32>
    %mul3A_94 = arith.constant 192512 : i32
    %mul3A_95 = vector.broadcast %mul3A_94 : i32 to vector<16xi32>
    %mul3A_96 = arith.muli %shift_right_arithmetic3A_93, %mul3A_95 : vector<16xi32>
    %shift_left3A_97 = arith.constant 7 : i32
    %shift_left3A_98 = vector.broadcast %shift_left3A_97 : i32 to vector<16xi32>
    %shift_left3A_99 = arith.shli %get3A_87, %shift_left3A_98 : vector<16xi32>
    %add3A_100 = arith.addi %mul3A_96, %shift_left3A_99 : vector<16xi32>
    %and3A_101 = arith.constant 127 : i32
    %and3A_102 = vector.broadcast %and3A_101 : i32 to vector<16xi32>
    %and3A_103 = arith.andi %get3A_90, %and3A_102 : vector<16xi32>
    %add3A_104 = arith.addi %add3A_100, %and3A_103 : vector<16xi32>
    %swap3A_105 = arith.constant 32 : index
    %swap3A_106 = tpu.vector_load %arg12[%swap3A_105] {strides = array<i32>} : memref<384xi32, #tpu.memory_space<vmem>>, vector<16xi32>,
    %swap3A_107 = vector.shape_cast %swap3A_106 : vector<16xi32> to vector<16xi32>
    %swap3A_108 = vector.shape_cast %add3A_104 : vector<16xi32> to vector<16xi32>
    tpu.vector_store %arg12[%swap3A_105], %swap3A_108 {strides = array<i32>} : memref<384xi32, #tpu.memory_space<vmem>>, vector<16xi32>,
    %shift_left3A_109 = arith.constant 7 : i32
    %shift_left3A_110 = vector.broadcast %shift_left3A_109 : i32 to vector<16xi32>
    %shift_left3A_111 = arith.shli %get3A_87, %shift_left3A_110 : vector<16xi32>
    %add3A_112 = arith.constant 2310144 : i32
    %add3A_113 = vector.broadcast %add3A_112 : i32 to vector<16xi32>
    %add3A_114 = arith.addi %shift_left3A_111, %add3A_113 : vector<16xi32>
    %swap3A_115 = arith.constant 32 : index
    %swap3A_116 = tpu.vector_load %arg13[%swap3A_115] {strides = array<i32>} : memref<384xi32, #tpu.memory_space<vmem>>, vector<16xi32>,
    %swap3A_117 = vector.shape_cast %swap3A_116 : vector<16xi32> to vector<16xi32>
    %swap3A_118 = vector.shape_cast %add3A_114 : vector<16xi32> to vector<16xi32>
    tpu.vector_store %arg13[%swap3A_115], %swap3A_118 {strides = array<i32>} : memref<384xi32, #tpu.memory_space<vmem>>, vector<16xi32>,
    %get3A_119 = arith.constant 48 : index
    %get3A_120 = tpu.vector_load %arg8[%get3A_119] {strides = array<i32>} : memref<384xi32, #tpu.memory_space<vmem>>, vector<16xi32>,
    %get3A_121 = vector.shape_cast %get3A_120 : vector<16xi32> to vector<16xi32>
    %get3A_122 = arith.constant 48 : index
    %get3A_123 = tpu.vector_load %arg9[%get3A_122] {strides = array<i32>} : memref<384xi32, #tpu.memory_space<vmem>>, vector<16xi32>,
    %get3A_124 = vector.shape_cast %get3A_123 : vector<16xi32> to vector<16xi32>
    %shift_right_arithmetic3A_125 = arith.constant 7 : i32
    %shift_right_arithmetic3A_126 = vector.broadcast %shift_right_arithmetic3A_125 : i32 to vector<16xi32>
    %shift_right_arithmetic3A_127 = arith.shrsi %get3A_124, %shift_right_arithmetic3A_126 : vector<16xi32>
    %mul3A_128 = arith.constant 192512 : i32
    %mul3A_129 = vector.broadcast %mul3A_128 : i32 to vector<16xi32>
    %mul3A_130 = arith.muli %shift_right_arithmetic3A_127, %mul3A_129 : vector<16xi32>
    %shift_left3A_131 = arith.constant 7 : i32
    %shift_left3A_132 = vector.broadcast %shift_left3A_131 : i32 to vector<16xi32>
    %shift_left3A_133 = arith.shli %get3A_121, %shift_left3A_132 : vector<16xi32>
    %add3A_134 = arith.addi %mul3A_130, %shift_left3A_133 : vector<16xi32>
    %and3A_135 = arith.constant 127 : i32
    %and3A_136 = vector.broadcast %and3A_135 : i32 to vector<16xi32>
    %and3A_137 = arith.andi %get3A_124, %and3A_136 : vector<16xi32>
    %add3A_138 = arith.addi %add3A_134, %and3A_137 : vector<16xi32>
    %swap3A_139 = arith.constant 48 : index
    %swap3A_140 = tpu.vector_load %arg12[%swap3A_139] {strides = array<i32>} : memref<384xi32, #tpu.memory_space<vmem>>, vector<16xi32>,
    %swap3A_141 = vector.shape_cast %swap3A_140 : vector<16xi32> to vector<16xi32>
    %swap3A_142 = vector.shape_cast %add3A_138 : vector<16xi32> to vector<16xi32>
    tpu.vector_store %arg12[%swap3A_139], %swap3A_142 {strides = array<i32>} : memref<384xi32, #tpu.memory_space<vmem>>, vector<16xi32>,
    %shift_left3A_143 = arith.constant 7 : i32
    %shift_left3A_144 = vector.broadcast %shift_left3A_143 : i32 to vector<16xi32>
    %shift_left3A_145 = arith.shli %get3A_121, %shift_left3A_144 : vector<16xi32>
    %add3A_146 = arith.constant 2310144 : i32
    %add3A_147 = vector.broadcast %add3A_146 : i32 to vector<16xi32>
    %add3A_148 = arith.addi %shift_left3A_145, %add3A_147 : vector<16xi32>
    %swap3A_149 = arith.constant 48 : index
    %swap3A_150 = tpu.vector_load %arg13[%swap3A_149] {strides = array<i32>} : memref<384xi32, #tpu.memory_space<vmem>>, vector<16xi32>,
    %swap3A_151 = vector.shape_cast %swap3A_150 : vector<16xi32> to vector<16xi32>
    %swap3A_152 = vector.shape_cast %add3A_148 : vector<16xi32> to vector<16xi32>
    tpu.vector_store %arg13[%swap3A_149], %swap3A_152 {strides = array<i32>} : memref<384xi32, #tpu.memory_space<vmem>>, vector<16xi32>,
    %get3A_153 = arith.constant 64 : index
    %get3A_154 = tpu.vector_load %arg8[%get3A_153] {strides = array<i32>} : memref<384xi32, #tpu.memory_space<vmem>>, vector<16xi32>,
    %get3A_155 = vector.shape_cast %get3A_154 : vector<16xi32> to vector<16xi32>
    %get3A_156 = arith.constant 64 : index
    %get3A_157 = tpu.vector_load %arg9[%get3A_156] {strides = array<i32>} : memref<384xi32, #tpu.memory_space<vmem>>, vector<16xi32>,
    %get3A_158 = vector.shape_cast %get3A_157 : vector<16xi32> to vector<16xi32>
    %shift_right_arithmetic3A_159 = arith.constant 7 : i32
    %shift_right_arithmetic3A_160 = vector.broadcast %shift_right_arithmetic3A_159 : i32 to vector<16xi32>
    %shift_right_arithmetic3A_161 = arith.shrsi %get3A_158, %shift_right_arithmetic3A_160 : vector<16xi32>
    %mul3A_162 = arith.constant 192512 : i32
    %mul3A_163 = vector.broadcast %mul3A_162 : i32 to vector<16xi32>
    %mul3A_164 = arith.muli %shift_right_arithmetic3A_161, %mul3A_163 : vector<16xi32>
    %shift_left3A_165 = arith.constant 7 : i32
    %shift_left3A_166 = vector.broadcast %shift_left3A_165 : i32 to vector<16xi32>
    %shift_left3A_167 = arith.shli %get3A_155, %shift_left3A_166 : vector<16xi32>
    %add3A_168 = arith.addi %mul3A_164, %shift_left3A_167 : vector<16xi32>
    %and3A_169 = arith.constant 127 : i32
    %and3A_170 = vector.broadcast %and3A_169 : i32 to vector<16xi32>
    %and3A_171 = arith.andi %get3A_158, %and3A_170 : vector<16xi32>
    %add3A_172 = arith.addi %add3A_168, %and3A_171 : vector<16xi32>
    %swap3A_173 = arith.constant 64 : index
    %swap3A_174 = tpu.vector_load %arg12[%swap3A_173] {strides = array<i32>} : memref<384xi32, #tpu.memory_space<vmem>>, vector<16xi32>,
    %swap3A_175 = vector.shape_cast %swap3A_174 : vector<16xi32> to vector<16xi32>
    %swap3A_176 = vector.shape_cast %add3A_172 : vector<16xi32> to vector<16xi32>
    tpu.vector_store %arg12[%swap3A_173], %swap3A_176 {strides = array<i32>} : memref<384xi32, #tpu.memory_space<vmem>>, vector<16xi32>,
    %shift_left3A_177 = arith.constant 7 : i32
    %shift_left3A_178 = vector.broadcast %shift_left3A_177 : i32 to vector<16xi32>
    %shift_left3A_179 = arith.shli %get3A_155, %shift_left3A_178 : vector<16xi32>
    %add3A_180 = arith.constant 2310144 : i32
    %add3A_181 = vector.broadcast %add3A_180 : i32 to vector<16xi32>
    %add3A_182 = arith.addi %shift_left3A_179, %add3A_181 : vector<16xi32>
    %swap3A_183 = arith.constant 64 : index
    %swap3A_184 = tpu.vector_load %arg13[%swap3A_183] {strides = array<i32>} : memref<384xi32, #tpu.memory_space<vmem>>, vector<16xi32>,
    %swap3A_185 = vector.shape_cast %swap3A_184 : vector<16xi32> to vector<16xi32>
    %swap3A_186 = vector.shape_cast %add3A_182 : vector<16xi32> to vector<16xi32>
    tpu.vector_store %arg13[%swap3A_183], %swap3A_186 {strides = array<i32>} : memref<384xi32, #tpu.memory_space<vmem>>, vector<16xi32>,
    %get3A_187 = arith.constant 80 : index
    %get3A_188 = tpu.vector_load %arg8[%get3A_187] {strides = array<i32>} : memref<384xi32, #tpu.memory_space<vmem>>, vector<16xi32>,
    %get3A_189 = vector.shape_cast %get3A_188 : vector<16xi32> to vector<16xi32>
    %get3A_190 = arith.constant 80 : index
    %get3A_191 = tpu.vector_load %arg9[%get3A_190] {strides = array<i32>} : memref<384xi32, #tpu.memory_space<vmem>>, vector<16xi32>,
    %get3A_192 = vector.shape_cast %get3A_191 : vector<16xi32> to vector<16xi32>
    %shift_right_arithmetic3A_193 = arith.constant 7 : i32
    %shift_right_arithmetic3A_194 = vector.broadcast %shift_right_arithmetic3A_193 : i32 to vector<16xi32>
    %shift_right_arithmetic3A_195 = arith.shrsi %get3A_192, %shift_right_arithmetic3A_194 : vector<16xi32>
    %mul3A_196 = arith.constant 192512 : i32
    %mul3A_197 = vector.broadcast %mul3A_196 : i32 to vector<16xi32>
    %mul3A_198 = arith.muli %shift_right_arithmetic3A_195, %mul3A_197 : vector<16xi32>
    %shift_left3A_199 = arith.constant 7 : i32
    %shift_left3A_200 = vector.broadcast %shift_left3A_199 : i32 to vector<16xi32>
    %shift_left3A_201 = arith.shli %get3A_189, %shift_left3A_200 : vector<16xi32>
    %add3A_202 = arith.addi %mul3A_198, %shift_left3A_201 : vector<16xi32>
    %and3A_203 = arith.constant 127 : i32
    %and3A_204 = vector.broadcast %and3A_203 : i32 to vector<16xi32>
    %and3A_205 = arith.andi %get3A_192, %and3A_204 : vector<16xi32>
    %add3A_206 = arith.addi %add3A_202, %and3A_205 : vector<16xi32>
    %swap3A_207 = arith.constant 80 : index
    %swap3A_208 = tpu.vector_load %arg12[%swap3A_207] {strides = array<i32>} : memref<384xi32, #tpu.memory_space<vmem>>, vector<16xi32>,
    %swap3A_209 = vector.shape_cast %swap3A_208 : vector<16xi32> to vector<16xi32>
    %swap3A_210 = vector.shape_cast %add3A_206 : vector<16xi32> to vector<16xi32>
    tpu.vector_store %arg12[%swap3A_207], %swap3A_210 {strides = array<i32>} : memref<384xi32, #tpu.memory_space<vmem>>, vector<16xi32>,
    %shift_left3A_211 = arith.constant 7 : i32
    %shift_left3A_212 = vector.broadcast %shift_left3A_211 : i32 to vector<16xi32>
    %shift_left3A_213 = arith.shli %get3A_189, %shift_left3A_212 : vector<16xi32>
    %add3A_214 = arith.constant 2310144 : i32
    %add3A_215 = vector.broadcast %add3A_214 : i32 to vector<16xi32>
    %add3A_216 = arith.addi %shift_left3A_213, %add3A_215 : vector<16xi32>
    %swap3A_217 = arith.constant 80 : index
    %swap3A_218 = tpu.vector_load %arg13[%swap3A_217] {strides = array<i32>} : memref<384xi32, #tpu.memory_space<vmem>>, vector<16xi32>,
    %swap3A_219 = vector.shape_cast %swap3A_218 : vector<16xi32> to vector<16xi32>
    %swap3A_220 = vector.shape_cast %add3A_216 : vector<16xi32> to vector<16xi32>
    tpu.vector_store %arg13[%swap3A_217], %swap3A_220 {strides = array<i32>} : memref<384xi32, #tpu.memory_space<vmem>>, vector<16xi32>,
    %get3A_221 = arith.constant 96 : index
    %get3A_222 = tpu.vector_load %arg8[%get3A_221] {strides = array<i32>} : memref<384xi32, #tpu.memory_space<vmem>>, vector<16xi32>,
    %get3A_223 = vector.shape_cast %get3A_222 : vector<16xi32> to vector<16xi32>
    %get3A_224 = arith.constant 96 : index
    %get3A_225 = tpu.vector_load %arg9[%get3A_224] {strides = array<i32>} : memref<384xi32, #tpu.memory_space<vmem>>, vector<16xi32>,
    %get3A_226 = vector.shape_cast %get3A_225 : vector<16xi32> to vector<16xi32>
    %shift_right_arithmetic3A_227 = arith.constant 7 : i32
    %shift_right_arithmetic3A_228 = vector.broadcast %shift_right_arithmetic3A_227 : i32 to vector<16xi32>
    %shift_right_arithmetic3A_229 = arith.shrsi %get3A_226, %shift_right_arithmetic3A_228 : vector<16xi32>
    %mul3A_230 = arith.constant 192512 : i32
    %mul3A_231 = vector.broadcast %mul3A_230 : i32 to vector<16xi32>
    %mul3A_232 = arith.muli %shift_right_arithmetic3A_229, %mul3A_231 : vector<16xi32>
    %shift_left3A_233 = arith.constant 7 : i32
    %shift_left3A_234 = vector.broadcast %shift_left3A_233 : i32 to vector<16xi32>
    %shift_left3A_235 = arith.shli %get3A_223, %shift_left3A_234 : vector<16xi32>
    %add3A_236 = arith.addi %mul3A_232, %shift_left3A_235 : vector<16xi32>
    %and3A_237 = arith.constant 127 : i32
    %and3A_238 = vector.broadcast %and3A_237 : i32 to vector<16xi32>
    %and3A_239 = arith.andi %get3A_226, %and3A_238 : vector<16xi32>
    %add3A_240 = arith.addi %add3A_236, %and3A_239 : vector<16xi32>
    %swap3A_241 = arith.constant 96 : index
    %swap3A_242 = tpu.vector_load %arg12[%swap3A_241] {strides = array<i32>} : memref<384xi32, #tpu.memory_space<vmem>>, vector<16xi32>,
    %swap3A_243 = vector.shape_cast %swap3A_242 : vector<16xi32> to vector<16xi32>
    %swap3A_244 = vector.shape_cast %add3A_240 : vector<16xi32> to vector<16xi32>
    tpu.vector_store %arg12[%swap3A_241], %swap3A_244 {strides = array<i32>} : memref<384xi32, #tpu.memory_space<vmem>>, vector<16xi32>,
    %shift_left3A_245 = arith.constant 7 : i32
    %shift_left3A_246 = vector.broadcast %shift_left3A_245 : i32 to vector<16xi32>
    %shift_left3A_247 = arith.shli %get3A_223, %shift_left3A_246 : vector<16xi32>
    %add3A_248 = arith.constant 2310144 : i32
    %add3A_249 = vector.broadcast %add3A_248 : i32 to vector<16xi32>
    %add3A_250 = arith.addi %shift_left3A_247, %add3A_249 : vector<16xi32>
    %swap3A_251 = arith.constant 96 : index
    %swap3A_252 = tpu.vector_load %arg13[%swap3A_251] {strides = array<i32>} : memref<384xi32, #tpu.memory_space<vmem>>, vector<16xi32>,
    %swap3A_253 = vector.shape_cast %swap3A_252 : vector<16xi32> to vector<16xi32>
    %swap3A_254 = vector.shape_cast %add3A_250 : vector<16xi32> to vector<16xi32>
    tpu.vector_store %arg13[%swap3A_251], %swap3A_254 {strides = array<i32>} : memref<384xi32, #tpu.memory_space<vmem>>, vector<16xi32>,
    %get3A_255 = arith.constant 112 : index
    %get3A_256 = tpu.vector_load %arg8[%get3A_255] {strides = array<i32>} : memref<384xi32, #tpu.memory_space<vmem>>, vector<16xi32>,
    %get3A_257 = vector.shape_cast %get3A_256 : vector<16xi32> to vector<16xi32>
    %get3A_258 = arith.constant 112 : index
    %get3A_259 = tpu.vector_load %arg9[%get3A_258] {strides = array<i32>} : memref<384xi32, #tpu.memory_space<vmem>>, vector<16xi32>,
    %get3A_260 = vector.shape_cast %get3A_259 : vector<16xi32> to vector<16xi32>
    %shift_right_arithmetic3A_261 = arith.constant 7 : i32
    %shift_right_arithmetic3A_262 = vector.broadcast %shift_right_arithmetic3A_261 : i32 to vector<16xi32>
    %shift_right_arithmetic3A_263 = arith.shrsi %get3A_260, %shift_right_arithmetic3A_262 : vector<16xi32>
    %mul3A_264 = arith.constant 192512 : i32
    %mul3A_265 = vector.broadcast %mul3A_264 : i32 to vector<16xi32>
    %mul3A_266 = arith.muli %shift_right_arithmetic3A_263, %mul3A_265 : vector<16xi32>
    %shift_left3A_267 = arith.constant 7 : i32
    %shift_left3A_268 = vector.broadcast %shift_left3A_267 : i32 to vector<16xi32>
    %shift_left3A_269 = arith.shli %get3A_257, %shift_left3A_268 : vector<16xi32>
    %add3A_270 = arith.addi %mul3A_266, %shift_left3A_269 : vector<16xi32>
    %and3A_271 = arith.constant 127 : i32
    %and3A_272 = vector.broadcast %and3A_271 : i32 to vector<16xi32>
    %and3A_273 = arith.andi %get3A_260, %and3A_272 : vector<16xi32>
    %add3A_274 = arith.addi %add3A_270, %and3A_273 : vector<16xi32>
    %swap3A_275 = arith.constant 112 : index
    %swap3A_276 = tpu.vector_load %arg12[%swap3A_275] {strides = array<i32>} : memref<384xi32, #tpu.memory_space<vmem>>, vector<16xi32>,
    %swap3A_277 = vector.shape_cast %swap3A_276 : vector<16xi32> to vector<16xi32>
    %swap3A_278 = vector.shape_cast %add3A_274 : vector<16xi32> to vector<16xi32>
    tpu.vector_store %arg12[%swap3A_275], %swap3A_278 {strides = array<i32>} : memref<384xi32, #tpu.memory_space<vmem>>, vector<16xi32>,
    %shift_left3A_279 = arith.constant 7 : i32
    %shift_left3A_280 = vector.broadcast %shift_left3A_279 : i32 to vector<16xi32>
    %shift_left3A_281 = arith.shli %get3A_257, %shift_left3A_280 : vector<16xi32>
    %add3A_282 = arith.constant 2310144 : i32
    %add3A_283 = vector.broadcast %add3A_282 : i32 to vector<16xi32>
    %add3A_284 = arith.addi %shift_left3A_281, %add3A_283 : vector<16xi32>
    %swap3A_285 = arith.constant 112 : index
    %swap3A_286 = tpu.vector_load %arg13[%swap3A_285] {strides = array<i32>} : memref<384xi32, #tpu.memory_space<vmem>>, vector<16xi32>,
    %swap3A_287 = vector.shape_cast %swap3A_286 : vector<16xi32> to vector<16xi32>
    %swap3A_288 = vector.shape_cast %add3A_284 : vector<16xi32> to vector<16xi32>
    tpu.vector_store %arg13[%swap3A_285], %swap3A_288 {strides = array<i32>} : memref<384xi32, #tpu.memory_space<vmem>>, vector<16xi32>,
    %get3A_289 = arith.constant 128 : index
    %get3A_290 = tpu.vector_load %arg8[%get3A_289] {strides = array<i32>} : memref<384xi32, #tpu.memory_space<vmem>>, vector<16xi32>,
    %get3A_291 = vector.shape_cast %get3A_290 : vector<16xi32> to vector<16xi32>
    %get3A_292 = arith.constant 128 : index
    %get3A_293 = tpu.vector_load %arg9[%get3A_292] {strides = array<i32>} : memref<384xi32, #tpu.memory_space<vmem>>, vector<16xi32>,
    %get3A_294 = vector.shape_cast %get3A_293 : vector<16xi32> to vector<16xi32>
    %shift_right_arithmetic3A_295 = arith.constant 7 : i32
    %shift_right_arithmetic3A_296 = vector.broadcast %shift_right_arithmetic3A_295 : i32 to vector<16xi32>
    %shift_right_arithmetic3A_297 = arith.shrsi %get3A_294, %shift_right_arithmetic3A_296 : vector<16xi32>
    %mul3A_298 = arith.constant 192512 : i32
    %mul3A_299 = vector.broadcast %mul3A_298 : i32 to vector<16xi32>
    %mul3A_300 = arith.muli %shift_right_arithmetic3A_297, %mul3A_299 : vector<16xi32>
    %shift_left3A_301 = arith.constant 7 : i32
    %shift_left3A_302 = vector.broadcast %shift_left3A_301 : i32 to vector<16xi32>
    %shift_left3A_303 = arith.shli %get3A_291, %shift_left3A_302 : vector<16xi32>
    %add3A_304 = arith.addi %mul3A_300, %shift_left3A_303 : vector<16xi32>
    %and3A_305 = arith.constant 127 : i32
    %and3A_306 = vector.broadcast %and3A_305 : i32 to vector<16xi32>
    %and3A_307 = arith.andi %get3A_294, %and3A_306 : vector<16xi32>
    %add3A_308 = arith.addi %add3A_304, %and3A_307 : vector<16xi32>
    %swap3A_309 = arith.constant 128 : index
    %swap3A_310 = tpu.vector_load %arg12[%swap3A_309] {strides = array<i32>} : memref<384xi32, #tpu.memory_space<vmem>>, vector<16xi32>,
    %swap3A_311 = vector.shape_cast %swap3A_310 : vector<16xi32> to vector<16xi32>
    %swap3A_312 = vector.shape_cast %add3A_308 : vector<16xi32> to vector<16xi32>
    tpu.vector_store %arg12[%swap3A_309], %swap3A_312 {strides = array<i32>} : memref<384xi32, #tpu.memory_space<vmem>>, vector<16xi32>,
    %shift_left3A_313 = arith.constant 7 : i32
    %shift_left3A_314 = vector.broadcast %shift_left3A_313 : i32 to vector<16xi32>
    %shift_left3A_315 = arith.shli %get3A_291, %shift_left3A_314 : vector<16xi32>
    %add3A_316 = arith.constant 2310144 : i32
    %add3A_317 = vector.broadcast %add3A_316 : i32 to vector<16xi32>
    %add3A_318 = arith.addi %shift_left3A_315, %add3A_317 : vector<16xi32>
    %swap3A_319 = arith.constant 128 : index
    %swap3A_320 = tpu.vector_load %arg13[%swap3A_319] {strides = array<i32>} : memref<384xi32, #tpu.memory_space<vmem>>, vector<16xi32>,
    %swap3A_321 = vector.shape_cast %swap3A_320 : vector<16xi32> to vector<16xi32>
    %swap3A_322 = vector.shape_cast %add3A_318 : vector<16xi32> to vector<16xi32>
    tpu.vector_store %arg13[%swap3A_319], %swap3A_322 {strides = array<i32>} : memref<384xi32, #tpu.memory_space<vmem>>, vector<16xi32>,
    %get3A_323 = arith.constant 144 : index
    %get3A_324 = tpu.vector_load %arg8[%get3A_323] {strides = array<i32>} : memref<384xi32, #tpu.memory_space<vmem>>, vector<16xi32>,
    %get3A_325 = vector.shape_cast %get3A_324 : vector<16xi32> to vector<16xi32>
    %get3A_326 = arith.constant 144 : index
    %get3A_327 = tpu.vector_load %arg9[%get3A_326] {strides = array<i32>} : memref<384xi32, #tpu.memory_space<vmem>>, vector<16xi32>,
    %get3A_328 = vector.shape_cast %get3A_327 : vector<16xi32> to vector<16xi32>
    %shift_right_arithmetic3A_329 = arith.constant 7 : i32
    %shift_right_arithmetic3A_330 = vector.broadcast %shift_right_arithmetic3A_329 : i32 to vector<16xi32>
    %shift_right_arithmetic3A_331 = arith.shrsi %get3A_328, %shift_right_arithmetic3A_330 : vector<16xi32>
    %mul3A_332 = arith.constant 192512 : i32
    %mul3A_333 = vector.broadcast %mul3A_332 : i32 to vector<16xi32>
    %mul3A_334 = arith.muli %shift_right_arithmetic3A_331, %mul3A_333 : vector<16xi32>
    %shift_left3A_335 = arith.constant 7 : i32
    %shift_left3A_336 = vector.broadcast %shift_left3A_335 : i32 to vector<16xi32>
    %shift_left3A_337 = arith.shli %get3A_325, %shift_left3A_336 : vector<16xi32>
    %add3A_338 = arith.addi %mul3A_334, %shift_left3A_337 : vector<16xi32>
    %and3A_339 = arith.constant 127 : i32
    %and3A_340 = vector.broadcast %and3A_339 : i32 to vector<16xi32>
    %and3A_341 = arith.andi %get3A_328, %and3A_340 : vector<16xi32>
    %add3A_342 = arith.addi %add3A_338, %and3A_341 : vector<16xi32>
    %swap3A_343 = arith.constant 144 : index
    %swap3A_344 = tpu.vector_load %arg12[%swap3A_343] {strides = array<i32>} : memref<384xi32, #tpu.memory_space<vmem>>, vector<16xi32>,
    %swap3A_345 = vector.shape_cast %swap3A_344 : vector<16xi32> to vector<16xi32>
    %swap3A_346 = vector.shape_cast %add3A_342 : vector<16xi32> to vector<16xi32>
    tpu.vector_store %arg12[%swap3A_343], %swap3A_346 {strides = array<i32>} : memref<384xi32, #tpu.memory_space<vmem>>, vector<16xi32>,
    %shift_left3A_347 = arith.constant 7 : i32
    %shift_left3A_348 = vector.broadcast %shift_left3A_347 : i32 to vector<16xi32>
    %shift_left3A_349 = arith.shli %get3A_325, %shift_left3A_348 : vector<16xi32>
    %add3A_350 = arith.constant 2310144 : i32
    %add3A_351 = vector.broadcast %add3A_350 : i32 to vector<16xi32>
    %add3A_352 = arith.addi %shift_left3A_349, %add3A_351 : vector<16xi32>
    %swap3A_353 = arith.constant 144 : index
    %swap3A_354 = tpu.vector_load %arg13[%swap3A_353] {strides = array<i32>} : memref<384xi32, #tpu.memory_space<vmem>>, vector<16xi32>,
    %swap3A_355 = vector.shape_cast %swap3A_354 : vector<16xi32> to vector<16xi32>
    %swap3A_356 = vector.shape_cast %add3A_352 : vector<16xi32> to vector<16xi32>
    tpu.vector_store %arg13[%swap3A_353], %swap3A_356 {strides = array<i32>} : memref<384xi32, #tpu.memory_space<vmem>>, vector<16xi32>,
    %get3A_357 = arith.constant 160 : index
    %get3A_358 = tpu.vector_load %arg8[%get3A_357] {strides = array<i32>} : memref<384xi32, #tpu.memory_space<vmem>>, vector<16xi32>,
    %get3A_359 = vector.shape_cast %get3A_358 : vector<16xi32> to vector<16xi32>
    %get3A_360 = arith.constant 160 : index
    %get3A_361 = tpu.vector_load %arg9[%get3A_360] {strides = array<i32>} : memref<384xi32, #tpu.memory_space<vmem>>, vector<16xi32>,
    %get3A_362 = vector.shape_cast %get3A_361 : vector<16xi32> to vector<16xi32>
    %shift_right_arithmetic3A_363 = arith.constant 7 : i32
    %shift_right_arithmetic3A_364 = vector.broadcast %shift_right_arithmetic3A_363 : i32 to vector<16xi32>
    %shift_right_arithmetic3A_365 = arith.shrsi %get3A_362, %shift_right_arithmetic3A_364 : vector<16xi32>
    %mul3A_366 = arith.constant 192512 : i32
    %mul3A_367 = vector.broadcast %mul3A_366 : i32 to vector<16xi32>
    %mul3A_368 = arith.muli %shift_right_arithmetic3A_365, %mul3A_367 : vector<16xi32>
    %shift_left3A_369 = arith.constant 7 : i32
    %shift_left3A_370 = vector.broadcast %shift_left3A_369 : i32 to vector<16xi32>
    %shift_left3A_371 = arith.shli %get3A_359, %shift_left3A_370 : vector<16xi32>
    %add3A_372 = arith.addi %mul3A_368, %shift_left3A_371 : vector<16xi32>
    %and3A_373 = arith.constant 127 : i32
    %and3A_374 = vector.broadcast %and3A_373 : i32 to vector<16xi32>
    %and3A_375 = arith.andi %get3A_362, %and3A_374 : vector<16xi32>
    %add3A_376 = arith.addi %add3A_372, %and3A_375 : vector<16xi32>
    %swap3A_377 = arith.constant 160 : index
    %swap3A_378 = tpu.vector_load %arg12[%swap3A_377] {strides = array<i32>} : memref<384xi32, #tpu.memory_space<vmem>>, vector<16xi32>,
    %swap3A_379 = vector.shape_cast %swap3A_378 : vector<16xi32> to vector<16xi32>
    %swap3A_380 = vector.shape_cast %add3A_376 : vector<16xi32> to vector<16xi32>
    tpu.vector_store %arg12[%swap3A_377], %swap3A_380 {strides = array<i32>} : memref<384xi32, #tpu.memory_space<vmem>>, vector<16xi32>,
    %shift_left3A_381 = arith.constant 7 : i32
    %shift_left3A_382 = vector.broadcast %shift_left3A_381 : i32 to vector<16xi32>
    %shift_left3A_383 = arith.shli %get3A_359, %shift_left3A_382 : vector<16xi32>
    %add3A_384 = arith.constant 2310144 : i32
    %add3A_385 = vector.broadcast %add3A_384 : i32 to vector<16xi32>
    %add3A_386 = arith.addi %shift_left3A_383, %add3A_385 : vector<16xi32>
    %swap3A_387 = arith.constant 160 : index
    %swap3A_388 = tpu.vector_load %arg13[%swap3A_387] {strides = array<i32>} : memref<384xi32, #tpu.memory_space<vmem>>, vector<16xi32>,
    %swap3A_389 = vector.shape_cast %swap3A_388 : vector<16xi32> to vector<16xi32>
    %swap3A_390 = vector.shape_cast %add3A_386 : vector<16xi32> to vector<16xi32>
    tpu.vector_store %arg13[%swap3A_387], %swap3A_390 {strides = array<i32>} : memref<384xi32, #tpu.memory_space<vmem>>, vector<16xi32>,
    %get3A_391 = arith.constant 176 : index
    %get3A_392 = tpu.vector_load %arg8[%get3A_391] {strides = array<i32>} : memref<384xi32, #tpu.memory_space<vmem>>, vector<16xi32>,
    %get3A_393 = vector.shape_cast %get3A_392 : vector<16xi32> to vector<16xi32>
    %get3A_394 = arith.constant 176 : index
    %get3A_395 = tpu.vector_load %arg9[%get3A_394] {strides = array<i32>} : memref<384xi32, #tpu.memory_space<vmem>>, vector<16xi32>,
    %get3A_396 = vector.shape_cast %get3A_395 : vector<16xi32> to vector<16xi32>
    %shift_right_arithmetic3A_397 = arith.constant 7 : i32
    %shift_right_arithmetic3A_398 = vector.broadcast %shift_right_arithmetic3A_397 : i32 to vector<16xi32>
    %shift_right_arithmetic3A_399 = arith.shrsi %get3A_396, %shift_right_arithmetic3A_398 : vector<16xi32>
    %mul3A_400 = arith.constant 192512 : i32
    %mul3A_401 = vector.broadcast %mul3A_400 : i32 to vector<16xi32>
    %mul3A_402 = arith.muli %shift_right_arithmetic3A_399, %mul3A_401 : vector<16xi32>
    %shift_left3A_403 = arith.constant 7 : i32
    %shift_left3A_404 = vector.broadcast %shift_left3A_403 : i32 to vector<16xi32>
    %shift_left3A_405 = arith.shli %get3A_393, %shift_left3A_404 : vector<16xi32>
    %add3A_406 = arith.addi %mul3A_402, %shift_left3A_405 : vector<16xi32>
    %and3A_407 = arith.constant 127 : i32
    %and3A_408 = vector.broadcast %and3A_407 : i32 to vector<16xi32>
    %and3A_409 = arith.andi %get3A_396, %and3A_408 : vector<16xi32>
    %add3A_410 = arith.addi %add3A_406, %and3A_409 : vector<16xi32>
    %swap3A_411 = arith.constant 176 : index
    %swap3A_412 = tpu.vector_load %arg12[%swap3A_411] {strides = array<i32>} : memref<384xi32, #tpu.memory_space<vmem>>, vector<16xi32>,
    %swap3A_413 = vector.shape_cast %swap3A_412 : vector<16xi32> to vector<16xi32>
    %swap3A_414 = vector.shape_cast %add3A_410 : vector<16xi32> to vector<16xi32>
    tpu.vector_store %arg12[%swap3A_411], %swap3A_414 {strides = array<i32>} : memref<384xi32, #tpu.memory_space<vmem>>, vector<16xi32>,
    %shift_left3A_415 = arith.constant 7 : i32
    %shift_left3A_416 = vector.broadcast %shift_left3A_415 : i32 to vector<16xi32>
    %shift_left3A_417 = arith.shli %get3A_393, %shift_left3A_416 : vector<16xi32>
    %add3A_418 = arith.constant 2310144 : i32
    %add3A_419 = vector.broadcast %add3A_418 : i32 to vector<16xi32>
    %add3A_420 = arith.addi %shift_left3A_417, %add3A_419 : vector<16xi32>
    %swap3A_421 = arith.constant 176 : index
    %swap3A_422 = tpu.vector_load %arg13[%swap3A_421] {strides = array<i32>} : memref<384xi32, #tpu.memory_space<vmem>>, vector<16xi32>,
    %swap3A_423 = vector.shape_cast %swap3A_422 : vector<16xi32> to vector<16xi32>
    %swap3A_424 = vector.shape_cast %add3A_420 : vector<16xi32> to vector<16xi32>
    tpu.vector_store %arg13[%swap3A_421], %swap3A_424 {strides = array<i32>} : memref<384xi32, #tpu.memory_space<vmem>>, vector<16xi32>,
    %get3A_425 = arith.constant 192 : index
    %get3A_426 = tpu.vector_load %arg8[%get3A_425] {strides = array<i32>} : memref<384xi32, #tpu.memory_space<vmem>>, vector<16xi32>,
    %get3A_427 = vector.shape_cast %get3A_426 : vector<16xi32> to vector<16xi32>
    %get3A_428 = arith.constant 192 : index
    %get3A_429 = tpu.vector_load %arg9[%get3A_428] {strides = array<i32>} : memref<384xi32, #tpu.memory_space<vmem>>, vector<16xi32>,
    %get3A_430 = vector.shape_cast %get3A_429 : vector<16xi32> to vector<16xi32>
    %shift_right_arithmetic3A_431 = arith.constant 7 : i32
    %shift_right_arithmetic3A_432 = vector.broadcast %shift_right_arithmetic3A_431 : i32 to vector<16xi32>
    %shift_right_arithmetic3A_433 = arith.shrsi %get3A_430, %shift_right_arithmetic3A_432 : vector<16xi32>
    %mul3A_434 = arith.constant 192512 : i32
    %mul3A_435 = vector.broadcast %mul3A_434 : i32 to vector<16xi32>
    %mul3A_436 = arith.muli %shift_right_arithmetic3A_433, %mul3A_435 : vector<16xi32>
    %shift_left3A_437 = arith.constant 7 : i32
    %shift_left3A_438 = vector.broadcast %shift_left3A_437 : i32 to vector<16xi32>
    %shift_left3A_439 = arith.shli %get3A_427, %shift_left3A_438 : vector<16xi32>
    %add3A_440 = arith.addi %mul3A_436, %shift_left3A_439 : vector<16xi32>
    %and3A_441 = arith.constant 127 : i32
    %and3A_442 = vector.broadcast %and3A_441 : i32 to vector<16xi32>
    %and3A_443 = arith.andi %get3A_430, %and3A_442 : vector<16xi32>
    %add3A_444 = arith.addi %add3A_440, %and3A_443 : vector<16xi32>
    %swap3A_445 = arith.constant 192 : index
    %swap3A_446 = tpu.vector_load %arg12[%swap3A_445] {strides = array<i32>} : memref<384xi32, #tpu.memory_space<vmem>>, vector<16xi32>,
    %swap3A_447 = vector.shape_cast %swap3A_446 : vector<16xi32> to vector<16xi32>
    %swap3A_448 = vector.shape_cast %add3A_444 : vector<16xi32> to vector<16xi32>
    tpu.vector_store %arg12[%swap3A_445], %swap3A_448 {strides = array<i32>} : memref<384xi32, #tpu.memory_space<vmem>>, vector<16xi32>,
    %shift_left3A_449 = arith.constant 7 : i32
    %shift_left3A_450 = vector.broadcast %shift_left3A_449 : i32 to vector<16xi32>
    %shift_left3A_451 = arith.shli %get3A_427, %shift_left3A_450 : vector<16xi32>
    %add3A_452 = arith.constant 2310144 : i32
    %add3A_453 = vector.broadcast %add3A_452 : i32 to vector<16xi32>
    %add3A_454 = arith.addi %shift_left3A_451, %add3A_453 : vector<16xi32>
    %swap3A_455 = arith.constant 192 : index
    %swap3A_456 = tpu.vector_load %arg13[%swap3A_455] {strides = array<i32>} : memref<384xi32, #tpu.memory_space<vmem>>, vector<16xi32>,
    %swap3A_457 = vector.shape_cast %swap3A_456 : vector<16xi32> to vector<16xi32>
    %swap3A_458 = vector.shape_cast %add3A_454 : vector<16xi32> to vector<16xi32>
    tpu.vector_store %arg13[%swap3A_455], %swap3A_458 {strides = array<i32>} : memref<384xi32, #tpu.memory_space<vmem>>, vector<16xi32>,
    %get3A_459 = arith.constant 208 : index
    %get3A_460 = tpu.vector_load %arg8[%get3A_459] {strides = array<i32>} : memref<384xi32, #tpu.memory_space<vmem>>, vector<16xi32>,
    %get3A_461 = vector.shape_cast %get3A_460 : vector<16xi32> to vector<16xi32>
    %get3A_462 = arith.constant 208 : index
    %get3A_463 = tpu.vector_load %arg9[%get3A_462] {strides = array<i32>} : memref<384xi32, #tpu.memory_space<vmem>>, vector<16xi32>,
    %get3A_464 = vector.shape_cast %get3A_463 : vector<16xi32> to vector<16xi32>
    %shift_right_arithmetic3A_465 = arith.constant 7 : i32
    %shift_right_arithmetic3A_466 = vector.broadcast %shift_right_arithmetic3A_465 : i32 to vector<16xi32>
    %shift_right_arithmetic3A_467 = arith.shrsi %get3A_464, %shift_right_arithmetic3A_466 : vector<16xi32>
    %mul3A_468 = arith.constant 192512 : i32
    %mul3A_469 = vector.broadcast %mul3A_468 : i32 to vector<16xi32>
    %mul3A_470 = arith.muli %shift_right_arithmetic3A_467, %mul3A_469 : vector<16xi32>
    %shift_left3A_471 = arith.constant 7 : i32
    %shift_left3A_472 = vector.broadcast %shift_left3A_471 : i32 to vector<16xi32>
    %shift_left3A_473 = arith.shli %get3A_461, %shift_left3A_472 : vector<16xi32>
    %add3A_474 = arith.addi %mul3A_470, %shift_left3A_473 : vector<16xi32>
    %and3A_475 = arith.constant 127 : i32
    %and3A_476 = vector.broadcast %and3A_475 : i32 to vector<16xi32>
    %and3A_477 = arith.andi %get3A_464, %and3A_476 : vector<16xi32>
    %add3A_478 = arith.addi %add3A_474, %and3A_477 : vector<16xi32>
    %swap3A_479 = arith.constant 208 : index
    %swap3A_480 = tpu.vector_load %arg12[%swap3A_479] {strides = array<i32>} : memref<384xi32, #tpu.memory_space<vmem>>, vector<16xi32>,
    %swap3A_481 = vector.shape_cast %swap3A_480 : vector<16xi32> to vector<16xi32>
    %swap3A_482 = vector.shape_cast %add3A_478 : vector<16xi32> to vector<16xi32>
    tpu.vector_store %arg12[%swap3A_479], %swap3A_482 {strides = array<i32>} : memref<384xi32, #tpu.memory_space<vmem>>, vector<16xi32>,
    %shift_left3A_483 = arith.constant 7 : i32
    %shift_left3A_484 = vector.broadcast %shift_left3A_483 : i32 to vector<16xi32>
    %shift_left3A_485 = arith.shli %get3A_461, %shift_left3A_484 : vector<16xi32>
    %add3A_486 = arith.constant 2310144 : i32
    %add3A_487 = vector.broadcast %add3A_486 : i32 to vector<16xi32>
    %add3A_488 = arith.addi %shift_left3A_485, %add3A_487 : vector<16xi32>
    %swap3A_489 = arith.constant 208 : index
    %swap3A_490 = tpu.vector_load %arg13[%swap3A_489] {strides = array<i32>} : memref<384xi32, #tpu.memory_space<vmem>>, vector<16xi32>,
    %swap3A_491 = vector.shape_cast %swap3A_490 : vector<16xi32> to vector<16xi32>
    %swap3A_492 = vector.shape_cast %add3A_488 : vector<16xi32> to vector<16xi32>
    tpu.vector_store %arg13[%swap3A_489], %swap3A_492 {strides = array<i32>} : memref<384xi32, #tpu.memory_space<vmem>>, vector<16xi32>,
    %get3A_493 = arith.constant 224 : index
    %get3A_494 = tpu.vector_load %arg8[%get3A_493] {strides = array<i32>} : memref<384xi32, #tpu.memory_space<vmem>>, vector<16xi32>,
    %get3A_495 = vector.shape_cast %get3A_494 : vector<16xi32> to vector<16xi32>
    %get3A_496 = arith.constant 224 : index
    %get3A_497 = tpu.vector_load %arg9[%get3A_496] {strides = array<i32>} : memref<384xi32, #tpu.memory_space<vmem>>, vector<16xi32>,
    %get3A_498 = vector.shape_cast %get3A_497 : vector<16xi32> to vector<16xi32>
    %shift_right_arithmetic3A_499 = arith.constant 7 : i32
    %shift_right_arithmetic3A_500 = vector.broadcast %shift_right_arithmetic3A_499 : i32 to vector<16xi32>
    %shift_right_arithmetic3A_501 = arith.shrsi %get3A_498, %shift_right_arithmetic3A_500 : vector<16xi32>
    %mul3A_502 = arith.constant 192512 : i32
    %mul3A_503 = vector.broadcast %mul3A_502 : i32 to vector<16xi32>
    %mul3A_504 = arith.muli %shift_right_arithmetic3A_501, %mul3A_503 : vector<16xi32>
    %shift_left3A_505 = arith.constant 7 : i32
    %shift_left3A_506 = vector.broadcast %shift_left3A_505 : i32 to vector<16xi32>
    %shift_left3A_507 = arith.shli %get3A_495, %shift_left3A_506 : vector<16xi32>
    %add3A_508 = arith.addi %mul3A_504, %shift_left3A_507 : vector<16xi32>
    %and3A_509 = arith.constant 127 : i32
    %and3A_510 = vector.broadcast %and3A_509 : i32 to vector<16xi32>
    %and3A_511 = arith.andi %get3A_498, %and3A_510 : vector<16xi32>
    %add3A_512 = arith.addi %add3A_508, %and3A_511 : vector<16xi32>
    %swap3A_513 = arith.constant 224 : index
    %swap3A_514 = tpu.vector_load %arg12[%swap3A_513] {strides = array<i32>} : memref<384xi32, #tpu.memory_space<vmem>>, vector<16xi32>,
    %swap3A_515 = vector.shape_cast %swap3A_514 : vector<16xi32> to vector<16xi32>
    %swap3A_516 = vector.shape_cast %add3A_512 : vector<16xi32> to vector<16xi32>
    tpu.vector_store %arg12[%swap3A_513], %swap3A_516 {strides = array<i32>} : memref<384xi32, #tpu.memory_space<vmem>>, vector<16xi32>,
    %shift_left3A_517 = arith.constant 7 : i32
    %shift_left3A_518 = vector.broadcast %shift_left3A_517 : i32 to vector<16xi32>
    %shift_left3A_519 = arith.shli %get3A_495, %shift_left3A_518 : vector<16xi32>
    %add3A_520 = arith.constant 2310144 : i32
    %add3A_521 = vector.broadcast %add3A_520 : i32 to vector<16xi32>
    %add3A_522 = arith.addi %shift_left3A_519, %add3A_521 : vector<16xi32>
    %swap3A_523 = arith.constant 224 : index
    %swap3A_524 = tpu.vector_load %arg13[%swap3A_523] {strides = array<i32>} : memref<384xi32, #tpu.memory_space<vmem>>, vector<16xi32>,
    %swap3A_525 = vector.shape_cast %swap3A_524 : vector<16xi32> to vector<16xi32>
    %swap3A_526 = vector.shape_cast %add3A_522 : vector<16xi32> to vector<16xi32>
    tpu.vector_store %arg13[%swap3A_523], %swap3A_526 {strides = array<i32>} : memref<384xi32, #tpu.memory_space<vmem>>, vector<16xi32>,
    %get3A_527 = arith.constant 240 : index
    %get3A_528 = tpu.vector_load %arg8[%get3A_527] {strides = array<i32>} : memref<384xi32, #tpu.memory_space<vmem>>, vector<16xi32>,
    %get3A_529 = vector.shape_cast %get3A_528 : vector<16xi32> to vector<16xi32>
    %get3A_530 = arith.constant 240 : index
    %get3A_531 = tpu.vector_load %arg9[%get3A_530] {strides = array<i32>} : memref<384xi32, #tpu.memory_space<vmem>>, vector<16xi32>,
    %get3A_532 = vector.shape_cast %get3A_531 : vector<16xi32> to vector<16xi32>
    %shift_right_arithmetic3A_533 = arith.constant 7 : i32
    %shift_right_arithmetic3A_534 = vector.broadcast %shift_right_arithmetic3A_533 : i32 to vector<16xi32>
    %shift_right_arithmetic3A_535 = arith.shrsi %get3A_532, %shift_right_arithmetic3A_534 : vector<16xi32>
    %mul3A_536 = arith.constant 192512 : i32
    %mul3A_537 = vector.broadcast %mul3A_536 : i32 to vector<16xi32>
    %mul3A_538 = arith.muli %shift_right_arithmetic3A_535, %mul3A_537 : vector<16xi32>
    %shift_left3A_539 = arith.constant 7 : i32
    %shift_left3A_540 = vector.broadcast %shift_left3A_539 : i32 to vector<16xi32>
    %shift_left3A_541 = arith.shli %get3A_529, %shift_left3A_540 : vector<16xi32>
    %add3A_542 = arith.addi %mul3A_538, %shift_left3A_541 : vector<16xi32>
    %and3A_543 = arith.constant 127 : i32
    %and3A_544 = vector.broadcast %and3A_543 : i32 to vector<16xi32>
    %and3A_545 = arith.andi %get3A_532, %and3A_544 : vector<16xi32>
    %add3A_546 = arith.addi %add3A_542, %and3A_545 : vector<16xi32>
    %swap3A_547 = arith.constant 240 : index
    %swap3A_548 = tpu.vector_load %arg12[%swap3A_547] {strides = array<i32>} : memref<384xi32, #tpu.memory_space<vmem>>, vector<16xi32>,
    %swap3A_549 = vector.shape_cast %swap3A_548 : vector<16xi32> to vector<16xi32>
    %swap3A_550 = vector.shape_cast %add3A_546 : vector<16xi32> to vector<16xi32>
    tpu.vector_store %arg12[%swap3A_547], %swap3A_550 {strides = array<i32>} : memref<384xi32, #tpu.memory_space<vmem>>, vector<16xi32>,
    %shift_left3A_551 = arith.constant 7 : i32
    %shift_left3A_552 = vector.broadcast %shift_left3A_551 : i32 to vector<16xi32>
    %shift_left3A_553 = arith.shli %get3A_529, %shift_left3A_552 : vector<16xi32>
    %add3A_554 = arith.constant 2310144 : i32
    %add3A_555 = vector.broadcast %add3A_554 : i32 to vector<16xi32>
    %add3A_556 = arith.addi %shift_left3A_553, %add3A_555 : vector<16xi32>
    %swap3A_557 = arith.constant 240 : index
    %swap3A_558 = tpu.vector_load %arg13[%swap3A_557] {strides = array<i32>} : memref<384xi32, #tpu.memory_space<vmem>>, vector<16xi32>,
    %swap3A_559 = vector.shape_cast %swap3A_558 : vector<16xi32> to vector<16xi32>
    %swap3A_560 = vector.shape_cast %add3A_556 : vector<16xi32> to vector<16xi32>
    tpu.vector_store %arg13[%swap3A_557], %swap3A_560 {strides = array<i32>} : memref<384xi32, #tpu.memory_space<vmem>>, vector<16xi32>,
    %get3A_561 = arith.constant 256 : index
    %get3A_562 = tpu.vector_load %arg8[%get3A_561] {strides = array<i32>} : memref<384xi32, #tpu.memory_space<vmem>>, vector<16xi32>,
    %get3A_563 = vector.shape_cast %get3A_562 : vector<16xi32> to vector<16xi32>
    %get3A_564 = arith.constant 256 : index
    %get3A_565 = tpu.vector_load %arg9[%get3A_564] {strides = array<i32>} : memref<384xi32, #tpu.memory_space<vmem>>, vector<16xi32>,
    %get3A_566 = vector.shape_cast %get3A_565 : vector<16xi32> to vector<16xi32>
    %shift_right_arithmetic3A_567 = arith.constant 7 : i32
    %shift_right_arithmetic3A_568 = vector.broadcast %shift_right_arithmetic3A_567 : i32 to vector<16xi32>
    %shift_right_arithmetic3A_569 = arith.shrsi %get3A_566, %shift_right_arithmetic3A_568 : vector<16xi32>
    %mul3A_570 = arith.constant 192512 : i32
    %mul3A_571 = vector.broadcast %mul3A_570 : i32 to vector<16xi32>
    %mul3A_572 = arith.muli %shift_right_arithmetic3A_569, %mul3A_571 : vector<16xi32>
    %shift_left3A_573 = arith.constant 7 : i32
    %shift_left3A_574 = vector.broadcast %shift_left3A_573 : i32 to vector<16xi32>
    %shift_left3A_575 = arith.shli %get3A_563, %shift_left3A_574 : vector<16xi32>
    %add3A_576 = arith.addi %mul3A_572, %shift_left3A_575 : vector<16xi32>
    %and3A_577 = arith.constant 127 : i32
    %and3A_578 = vector.broadcast %and3A_577 : i32 to vector<16xi32>
    %and3A_579 = arith.andi %get3A_566, %and3A_578 : vector<16xi32>
    %add3A_580 = arith.addi %add3A_576, %and3A_579 : vector<16xi32>
    %swap3A_581 = arith.constant 256 : index
    %swap3A_582 = tpu.vector_load %arg12[%swap3A_581] {strides = array<i32>} : memref<384xi32, #tpu.memory_space<vmem>>, vector<16xi32>,
    %swap3A_583 = vector.shape_cast %swap3A_582 : vector<16xi32> to vector<16xi32>
    %swap3A_584 = vector.shape_cast %add3A_580 : vector<16xi32> to vector<16xi32>
    tpu.vector_store %arg12[%swap3A_581], %swap3A_584 {strides = array<i32>} : memref<384xi32, #tpu.memory_space<vmem>>, vector<16xi32>,
    %shift_left3A_585 = arith.constant 7 : i32
    %shift_left3A_586 = vector.broadcast %shift_left3A_585 : i32 to vector<16xi32>
    %shift_left3A_587 = arith.shli %get3A_563, %shift_left3A_586 : vector<16xi32>
    %add3A_588 = arith.constant 2310144 : i32
    %add3A_589 = vector.broadcast %add3A_588 : i32 to vector<16xi32>
    %add3A_590 = arith.addi %shift_left3A_587, %add3A_589 : vector<16xi32>
    %swap3A_591 = arith.constant 256 : index
    %swap3A_592 = tpu.vector_load %arg13[%swap3A_591] {strides = array<i32>} : memref<384xi32, #tpu.memory_space<vmem>>, vector<16xi32>,
    %swap3A_593 = vector.shape_cast %swap3A_592 : vector<16xi32> to vector<16xi32>
    %swap3A_594 = vector.shape_cast %add3A_590 : vector<16xi32> to vector<16xi32>
    tpu.vector_store %arg13[%swap3A_591], %swap3A_594 {strides = array<i32>} : memref<384xi32, #tpu.memory_space<vmem>>, vector<16xi32>,
    %get3A_595 = arith.constant 272 : index
    %get3A_596 = tpu.vector_load %arg8[%get3A_595] {strides = array<i32>} : memref<384xi32, #tpu.memory_space<vmem>>, vector<16xi32>,
    %get3A_597 = vector.shape_cast %get3A_596 : vector<16xi32> to vector<16xi32>
    %get3A_598 = arith.constant 272 : index
    %get3A_599 = tpu.vector_load %arg9[%get3A_598] {strides = array<i32>} : memref<384xi32, #tpu.memory_space<vmem>>, vector<16xi32>,
    %get3A_600 = vector.shape_cast %get3A_599 : vector<16xi32> to vector<16xi32>
    %shift_right_arithmetic3A_601 = arith.constant 7 : i32
    %shift_right_arithmetic3A_602 = vector.broadcast %shift_right_arithmetic3A_601 : i32 to vector<16xi32>
    %shift_right_arithmetic3A_603 = arith.shrsi %get3A_600, %shift_right_arithmetic3A_602 : vector<16xi32>
    %mul3A_604 = arith.constant 192512 : i32
    %mul3A_605 = vector.broadcast %mul3A_604 : i32 to vector<16xi32>
    %mul3A_606 = arith.muli %shift_right_arithmetic3A_603, %mul3A_605 : vector<16xi32>
    %shift_left3A_607 = arith.constant 7 : i32
    %shift_left3A_608 = vector.broadcast %shift_left3A_607 : i32 to vector<16xi32>
    %shift_left3A_609 = arith.shli %get3A_597, %shift_left3A_608 : vector<16xi32>
    %add3A_610 = arith.addi %mul3A_606, %shift_left3A_609 : vector<16xi32>
    %and3A_611 = arith.constant 127 : i32
    %and3A_612 = vector.broadcast %and3A_611 : i32 to vector<16xi32>
    %and3A_613 = arith.andi %get3A_600, %and3A_612 : vector<16xi32>
    %add3A_614 = arith.addi %add3A_610, %and3A_613 : vector<16xi32>
    %swap3A_615 = arith.constant 272 : index
    %swap3A_616 = tpu.vector_load %arg12[%swap3A_615] {strides = array<i32>} : memref<384xi32, #tpu.memory_space<vmem>>, vector<16xi32>,
    %swap3A_617 = vector.shape_cast %swap3A_616 : vector<16xi32> to vector<16xi32>
    %swap3A_618 = vector.shape_cast %add3A_614 : vector<16xi32> to vector<16xi32>
    tpu.vector_store %arg12[%swap3A_615], %swap3A_618 {strides = array<i32>} : memref<384xi32, #tpu.memory_space<vmem>>, vector<16xi32>,
    %shift_left3A_619 = arith.constant 7 : i32
    %shift_left3A_620 = vector.broadcast %shift_left3A_619 : i32 to vector<16xi32>
    %shift_left3A_621 = arith.shli %get3A_597, %shift_left3A_620 : vector<16xi32>
    %add3A_622 = arith.constant 2310144 : i32
    %add3A_623 = vector.broadcast %add3A_622 : i32 to vector<16xi32>
    %add3A_624 = arith.addi %shift_left3A_621, %add3A_623 : vector<16xi32>
    %swap3A_625 = arith.constant 272 : index
    %swap3A_626 = tpu.vector_load %arg13[%swap3A_625] {strides = array<i32>} : memref<384xi32, #tpu.memory_space<vmem>>, vector<16xi32>,
    %swap3A_627 = vector.shape_cast %swap3A_626 : vector<16xi32> to vector<16xi32>
    %swap3A_628 = vector.shape_cast %add3A_624 : vector<16xi32> to vector<16xi32>
    tpu.vector_store %arg13[%swap3A_625], %swap3A_628 {strides = array<i32>} : memref<384xi32, #tpu.memory_space<vmem>>, vector<16xi32>,
    %get3A_629 = arith.constant 288 : index
    %get3A_630 = tpu.vector_load %arg8[%get3A_629] {strides = array<i32>} : memref<384xi32, #tpu.memory_space<vmem>>, vector<16xi32>,
    %get3A_631 = vector.shape_cast %get3A_630 : vector<16xi32> to vector<16xi32>
    %get3A_632 = arith.constant 288 : index
    %get3A_633 = tpu.vector_load %arg9[%get3A_632] {strides = array<i32>} : memref<384xi32, #tpu.memory_space<vmem>>, vector<16xi32>,
    %get3A_634 = vector.shape_cast %get3A_633 : vector<16xi32> to vector<16xi32>
    %shift_right_arithmetic3A_635 = arith.constant 7 : i32
    %shift_right_arithmetic3A_636 = vector.broadcast %shift_right_arithmetic3A_635 : i32 to vector<16xi32>
    %shift_right_arithmetic3A_637 = arith.shrsi %get3A_634, %shift_right_arithmetic3A_636 : vector<16xi32>
    %mul3A_638 = arith.constant 192512 : i32
    %mul3A_639 = vector.broadcast %mul3A_638 : i32 to vector<16xi32>
    %mul3A_640 = arith.muli %shift_right_arithmetic3A_637, %mul3A_639 : vector<16xi32>
    %shift_left3A_641 = arith.constant 7 : i32
    %shift_left3A_642 = vector.broadcast %shift_left3A_641 : i32 to vector<16xi32>
    %shift_left3A_643 = arith.shli %get3A_631, %shift_left3A_642 : vector<16xi32>
    %add3A_644 = arith.addi %mul3A_640, %shift_left3A_643 : vector<16xi32>
    %and3A_645 = arith.constant 127 : i32
    %and3A_646 = vector.broadcast %and3A_645 : i32 to vector<16xi32>
    %and3A_647 = arith.andi %get3A_634, %and3A_646 : vector<16xi32>
    %add3A_648 = arith.addi %add3A_644, %and3A_647 : vector<16xi32>
    %swap3A_649 = arith.constant 288 : index
    %swap3A_650 = tpu.vector_load %arg12[%swap3A_649] {strides = array<i32>} : memref<384xi32, #tpu.memory_space<vmem>>, vector<16xi32>,
    %swap3A_651 = vector.shape_cast %swap3A_650 : vector<16xi32> to vector<16xi32>
    %swap3A_652 = vector.shape_cast %add3A_648 : vector<16xi32> to vector<16xi32>
    tpu.vector_store %arg12[%swap3A_649], %swap3A_652 {strides = array<i32>} : memref<384xi32, #tpu.memory_space<vmem>>, vector<16xi32>,
    %shift_left3A_653 = arith.constant 7 : i32
    %shift_left3A_654 = vector.broadcast %shift_left3A_653 : i32 to vector<16xi32>
    %shift_left3A_655 = arith.shli %get3A_631, %shift_left3A_654 : vector<16xi32>
    %add3A_656 = arith.constant 2310144 : i32
    %add3A_657 = vector.broadcast %add3A_656 : i32 to vector<16xi32>
    %add3A_658 = arith.addi %shift_left3A_655, %add3A_657 : vector<16xi32>
    %swap3A_659 = arith.constant 288 : index
    %swap3A_660 = tpu.vector_load %arg13[%swap3A_659] {strides = array<i32>} : memref<384xi32, #tpu.memory_space<vmem>>, vector<16xi32>,
    %swap3A_661 = vector.shape_cast %swap3A_660 : vector<16xi32> to vector<16xi32>
    %swap3A_662 = vector.shape_cast %add3A_658 : vector<16xi32> to vector<16xi32>
    tpu.vector_store %arg13[%swap3A_659], %swap3A_662 {strides = array<i32>} : memref<384xi32, #tpu.memory_space<vmem>>, vector<16xi32>,
    %get3A_663 = arith.constant 304 : index
    %get3A_664 = tpu.vector_load %arg8[%get3A_663] {strides = array<i32>} : memref<384xi32, #tpu.memory_space<vmem>>, vector<16xi32>,
    %get3A_665 = vector.shape_cast %get3A_664 : vector<16xi32> to vector<16xi32>
    %get3A_666 = arith.constant 304 : index
    %get3A_667 = tpu.vector_load %arg9[%get3A_666] {strides = array<i32>} : memref<384xi32, #tpu.memory_space<vmem>>, vector<16xi32>,
    %get3A_668 = vector.shape_cast %get3A_667 : vector<16xi32> to vector<16xi32>
    %shift_right_arithmetic3A_669 = arith.constant 7 : i32
    %shift_right_arithmetic3A_670 = vector.broadcast %shift_right_arithmetic3A_669 : i32 to vector<16xi32>
    %shift_right_arithmetic3A_671 = arith.shrsi %get3A_668, %shift_right_arithmetic3A_670 : vector<16xi32>
    %mul3A_672 = arith.constant 192512 : i32
    %mul3A_673 = vector.broadcast %mul3A_672 : i32 to vector<16xi32>
    %mul3A_674 = arith.muli %shift_right_arithmetic3A_671, %mul3A_673 : vector<16xi32>
    %shift_left3A_675 = arith.constant 7 : i32
    %shift_left3A_676 = vector.broadcast %shift_left3A_675 : i32 to vector<16xi32>
    %shift_left3A_677 = arith.shli %get3A_665, %shift_left3A_676 : vector<16xi32>
    %add3A_678 = arith.addi %mul3A_674, %shift_left3A_677 : vector<16xi32>
    %and3A_679 = arith.constant 127 : i32
    %and3A_680 = vector.broadcast %and3A_679 : i32 to vector<16xi32>
    %and3A_681 = arith.andi %get3A_668, %and3A_680 : vector<16xi32>
    %add3A_682 = arith.addi %add3A_678, %and3A_681 : vector<16xi32>
    %swap3A_683 = arith.constant 304 : index
    %swap3A_684 = tpu.vector_load %arg12[%swap3A_683] {strides = array<i32>} : memref<384xi32, #tpu.memory_space<vmem>>, vector<16xi32>,
    %swap3A_685 = vector.shape_cast %swap3A_684 : vector<16xi32> to vector<16xi32>
    %swap3A_686 = vector.shape_cast %add3A_682 : vector<16xi32> to vector<16xi32>
    tpu.vector_store %arg12[%swap3A_683], %swap3A_686 {strides = array<i32>} : memref<384xi32, #tpu.memory_space<vmem>>, vector<16xi32>,
    %shift_left3A_687 = arith.constant 7 : i32
    %shift_left3A_688 = vector.broadcast %shift_left3A_687 : i32 to vector<16xi32>
    %shift_left3A_689 = arith.shli %get3A_665, %shift_left3A_688 : vector<16xi32>
    %add3A_690 = arith.constant 2310144 : i32
    %add3A_691 = vector.broadcast %add3A_690 : i32 to vector<16xi32>
    %add3A_692 = arith.addi %shift_left3A_689, %add3A_691 : vector<16xi32>
    %swap3A_693 = arith.constant 304 : index
    %swap3A_694 = tpu.vector_load %arg13[%swap3A_693] {strides = array<i32>} : memref<384xi32, #tpu.memory_space<vmem>>, vector<16xi32>,
    %swap3A_695 = vector.shape_cast %swap3A_694 : vector<16xi32> to vector<16xi32>
    %swap3A_696 = vector.shape_cast %add3A_692 : vector<16xi32> to vector<16xi32>
    tpu.vector_store %arg13[%swap3A_693], %swap3A_696 {strides = array<i32>} : memref<384xi32, #tpu.memory_space<vmem>>, vector<16xi32>,
    %get3A_697 = arith.constant 320 : index
    %get3A_698 = tpu.vector_load %arg8[%get3A_697] {strides = array<i32>} : memref<384xi32, #tpu.memory_space<vmem>>, vector<16xi32>,
    %get3A_699 = vector.shape_cast %get3A_698 : vector<16xi32> to vector<16xi32>
    %get3A_700 = arith.constant 320 : index
    %get3A_701 = tpu.vector_load %arg9[%get3A_700] {strides = array<i32>} : memref<384xi32, #tpu.memory_space<vmem>>, vector<16xi32>,
    %get3A_702 = vector.shape_cast %get3A_701 : vector<16xi32> to vector<16xi32>
    %shift_right_arithmetic3A_703 = arith.constant 7 : i32
    %shift_right_arithmetic3A_704 = vector.broadcast %shift_right_arithmetic3A_703 : i32 to vector<16xi32>
    %shift_right_arithmetic3A_705 = arith.shrsi %get3A_702, %shift_right_arithmetic3A_704 : vector<16xi32>
    %mul3A_706 = arith.constant 192512 : i32
    %mul3A_707 = vector.broadcast %mul3A_706 : i32 to vector<16xi32>
    %mul3A_708 = arith.muli %shift_right_arithmetic3A_705, %mul3A_707 : vector<16xi32>
    %shift_left3A_709 = arith.constant 7 : i32
    %shift_left3A_710 = vector.broadcast %shift_left3A_709 : i32 to vector<16xi32>
    %shift_left3A_711 = arith.shli %get3A_699, %shift_left3A_710 : vector<16xi32>
    %add3A_712 = arith.addi %mul3A_708, %shift_left3A_711 : vector<16xi32>
    %and3A_713 = arith.constant 127 : i32
    %and3A_714 = vector.broadcast %and3A_713 : i32 to vector<16xi32>
    %and3A_715 = arith.andi %get3A_702, %and3A_714 : vector<16xi32>
    %add3A_716 = arith.addi %add3A_712, %and3A_715 : vector<16xi32>
    %swap3A_717 = arith.constant 320 : index
    %swap3A_718 = tpu.vector_load %arg12[%swap3A_717] {strides = array<i32>} : memref<384xi32, #tpu.memory_space<vmem>>, vector<16xi32>,
    %swap3A_719 = vector.shape_cast %swap3A_718 : vector<16xi32> to vector<16xi32>
    %swap3A_720 = vector.shape_cast %add3A_716 : vector<16xi32> to vector<16xi32>
    tpu.vector_store %arg12[%swap3A_717], %swap3A_720 {strides = array<i32>} : memref<384xi32, #tpu.memory_space<vmem>>, vector<16xi32>,
    %shift_left3A_721 = arith.constant 7 : i32
    %shift_left3A_722 = vector.broadcast %shift_left3A_721 : i32 to vector<16xi32>
    %shift_left3A_723 = arith.shli %get3A_699, %shift_left3A_722 : vector<16xi32>
    %add3A_724 = arith.constant 2310144 : i32
    %add3A_725 = vector.broadcast %add3A_724 : i32 to vector<16xi32>
    %add3A_726 = arith.addi %shift_left3A_723, %add3A_725 : vector<16xi32>
    %swap3A_727 = arith.constant 320 : index
    %swap3A_728 = tpu.vector_load %arg13[%swap3A_727] {strides = array<i32>} : memref<384xi32, #tpu.memory_space<vmem>>, vector<16xi32>,
    %swap3A_729 = vector.shape_cast %swap3A_728 : vector<16xi32> to vector<16xi32>
    %swap3A_730 = vector.shape_cast %add3A_726 : vector<16xi32> to vector<16xi32>
    tpu.vector_store %arg13[%swap3A_727], %swap3A_730 {strides = array<i32>} : memref<384xi32, #tpu.memory_space<vmem>>, vector<16xi32>,
    %get3A_731 = arith.constant 336 : index
    %get3A_732 = tpu.vector_load %arg8[%get3A_731] {strides = array<i32>} : memref<384xi32, #tpu.memory_space<vmem>>, vector<16xi32>,
    %get3A_733 = vector.shape_cast %get3A_732 : vector<16xi32> to vector<16xi32>
    %get3A_734 = arith.constant 336 : index
    %get3A_735 = tpu.vector_load %arg9[%get3A_734] {strides = array<i32>} : memref<384xi32, #tpu.memory_space<vmem>>, vector<16xi32>,
    %get3A_736 = vector.shape_cast %get3A_735 : vector<16xi32> to vector<16xi32>
    %shift_right_arithmetic3A_737 = arith.constant 7 : i32
    %shift_right_arithmetic3A_738 = vector.broadcast %shift_right_arithmetic3A_737 : i32 to vector<16xi32>
    %shift_right_arithmetic3A_739 = arith.shrsi %get3A_736, %shift_right_arithmetic3A_738 : vector<16xi32>
    %mul3A_740 = arith.constant 192512 : i32
    %mul3A_741 = vector.broadcast %mul3A_740 : i32 to vector<16xi32>
    %mul3A_742 = arith.muli %shift_right_arithmetic3A_739, %mul3A_741 : vector<16xi32>
    %shift_left3A_743 = arith.constant 7 : i32
    %shift_left3A_744 = vector.broadcast %shift_left3A_743 : i32 to vector<16xi32>
    %shift_left3A_745 = arith.shli %get3A_733, %shift_left3A_744 : vector<16xi32>
    %add3A_746 = arith.addi %mul3A_742, %shift_left3A_745 : vector<16xi32>
    %and3A_747 = arith.constant 127 : i32
    %and3A_748 = vector.broadcast %and3A_747 : i32 to vector<16xi32>
    %and3A_749 = arith.andi %get3A_736, %and3A_748 : vector<16xi32>
    %add3A_750 = arith.addi %add3A_746, %and3A_749 : vector<16xi32>
    %swap3A_751 = arith.constant 336 : index
    %swap3A_752 = tpu.vector_load %arg12[%swap3A_751] {strides = array<i32>} : memref<384xi32, #tpu.memory_space<vmem>>, vector<16xi32>,
    %swap3A_753 = vector.shape_cast %swap3A_752 : vector<16xi32> to vector<16xi32>
    %swap3A_754 = vector.shape_cast %add3A_750 : vector<16xi32> to vector<16xi32>
    tpu.vector_store %arg12[%swap3A_751], %swap3A_754 {strides = array<i32>} : memref<384xi32, #tpu.memory_space<vmem>>, vector<16xi32>,
    %shift_left3A_755 = arith.constant 7 : i32
    %shift_left3A_756 = vector.broadcast %shift_left3A_755 : i32 to vector<16xi32>
    %shift_left3A_757 = arith.shli %get3A_733, %shift_left3A_756 : vector<16xi32>
    %add3A_758 = arith.constant 2310144 : i32
    %add3A_759 = vector.broadcast %add3A_758 : i32 to vector<16xi32>
    %add3A_760 = arith.addi %shift_left3A_757, %add3A_759 : vector<16xi32>
    %swap3A_761 = arith.constant 336 : index
    %swap3A_762 = tpu.vector_load %arg13[%swap3A_761] {strides = array<i32>} : memref<384xi32, #tpu.memory_space<vmem>>, vector<16xi32>,
    %swap3A_763 = vector.shape_cast %swap3A_762 : vector<16xi32> to vector<16xi32>
    %swap3A_764 = vector.shape_cast %add3A_760 : vector<16xi32> to vector<16xi32>
    tpu.vector_store %arg13[%swap3A_761], %swap3A_764 {strides = array<i32>} : memref<384xi32, #tpu.memory_space<vmem>>, vector<16xi32>,
    %get3A_765 = arith.constant 352 : index
    %get3A_766 = tpu.vector_load %arg8[%get3A_765] {strides = array<i32>} : memref<384xi32, #tpu.memory_space<vmem>>, vector<16xi32>,
    %get3A_767 = vector.shape_cast %get3A_766 : vector<16xi32> to vector<16xi32>
    %get3A_768 = arith.constant 352 : index
    %get3A_769 = tpu.vector_load %arg9[%get3A_768] {strides = array<i32>} : memref<384xi32, #tpu.memory_space<vmem>>, vector<16xi32>,
    %get3A_770 = vector.shape_cast %get3A_769 : vector<16xi32> to vector<16xi32>
    %shift_right_arithmetic3A_771 = arith.constant 7 : i32
    %shift_right_arithmetic3A_772 = vector.broadcast %shift_right_arithmetic3A_771 : i32 to vector<16xi32>
    %shift_right_arithmetic3A_773 = arith.shrsi %get3A_770, %shift_right_arithmetic3A_772 : vector<16xi32>
    %mul3A_774 = arith.constant 192512 : i32
    %mul3A_775 = vector.broadcast %mul3A_774 : i32 to vector<16xi32>
    %mul3A_776 = arith.muli %shift_right_arithmetic3A_773, %mul3A_775 : vector<16xi32>
    %shift_left3A_777 = arith.constant 7 : i32
    %shift_left3A_778 = vector.broadcast %shift_left3A_777 : i32 to vector<16xi32>
    %shift_left3A_779 = arith.shli %get3A_767, %shift_left3A_778 : vector<16xi32>
    %add3A_780 = arith.addi %mul3A_776, %shift_left3A_779 : vector<16xi32>
    %and3A_781 = arith.constant 127 : i32
    %and3A_782 = vector.broadcast %and3A_781 : i32 to vector<16xi32>
    %and3A_783 = arith.andi %get3A_770, %and3A_782 : vector<16xi32>
    %add3A_784 = arith.addi %add3A_780, %and3A_783 : vector<16xi32>
    %swap3A_785 = arith.constant 352 : index
    %swap3A_786 = tpu.vector_load %arg12[%swap3A_785] {strides = array<i32>} : memref<384xi32, #tpu.memory_space<vmem>>, vector<16xi32>,
    %swap3A_787 = vector.shape_cast %swap3A_786 : vector<16xi32> to vector<16xi32>
    %swap3A_788 = vector.shape_cast %add3A_784 : vector<16xi32> to vector<16xi32>
    tpu.vector_store %arg12[%swap3A_785], %swap3A_788 {strides = array<i32>} : memref<384xi32, #tpu.memory_space<vmem>>, vector<16xi32>,
    %shift_left3A_789 = arith.constant 7 : i32
    %shift_left3A_790 = vector.broadcast %shift_left3A_789 : i32 to vector<16xi32>
    %shift_left3A_791 = arith.shli %get3A_767, %shift_left3A_790 : vector<16xi32>
    %add3A_792 = arith.constant 2310144 : i32
    %add3A_793 = vector.broadcast %add3A_792 : i32 to vector<16xi32>
    %add3A_794 = arith.addi %shift_left3A_791, %add3A_793 : vector<16xi32>
    %swap3A_795 = arith.constant 352 : index
    %swap3A_796 = tpu.vector_load %arg13[%swap3A_795] {strides = array<i32>} : memref<384xi32, #tpu.memory_space<vmem>>, vector<16xi32>,
    %swap3A_797 = vector.shape_cast %swap3A_796 : vector<16xi32> to vector<16xi32>
    %swap3A_798 = vector.shape_cast %add3A_794 : vector<16xi32> to vector<16xi32>
    tpu.vector_store %arg13[%swap3A_795], %swap3A_798 {strides = array<i32>} : memref<384xi32, #tpu.memory_space<vmem>>, vector<16xi32>,
    %get3A_799 = arith.constant 368 : index
    %get3A_800 = tpu.vector_load %arg8[%get3A_799] {strides = array<i32>} : memref<384xi32, #tpu.memory_space<vmem>>, vector<16xi32>,
    %get3A_801 = vector.shape_cast %get3A_800 : vector<16xi32> to vector<16xi32>
    %get3A_802 = arith.constant 368 : index
    %get3A_803 = tpu.vector_load %arg9[%get3A_802] {strides = array<i32>} : memref<384xi32, #tpu.memory_space<vmem>>, vector<16xi32>,
    %get3A_804 = vector.shape_cast %get3A_803 : vector<16xi32> to vector<16xi32>
    %shift_right_arithmetic3A_805 = arith.constant 7 : i32
    %shift_right_arithmetic3A_806 = vector.broadcast %shift_right_arithmetic3A_805 : i32 to vector<16xi32>
    %shift_right_arithmetic3A_807 = arith.shrsi %get3A_804, %shift_right_arithmetic3A_806 : vector<16xi32>
    %mul3A_808 = arith.constant 192512 : i32
    %mul3A_809 = vector.broadcast %mul3A_808 : i32 to vector<16xi32>
    %mul3A_810 = arith.muli %shift_right_arithmetic3A_807, %mul3A_809 : vector<16xi32>
    %shift_left3A_811 = arith.constant 7 : i32
    %shift_left3A_812 = vector.broadcast %shift_left3A_811 : i32 to vector<16xi32>
    %shift_left3A_813 = arith.shli %get3A_801, %shift_left3A_812 : vector<16xi32>
    %add3A_814 = arith.addi %mul3A_810, %shift_left3A_813 : vector<16xi32>
    %and3A_815 = arith.constant 127 : i32
    %and3A_816 = vector.broadcast %and3A_815 : i32 to vector<16xi32>
    %and3A_817 = arith.andi %get3A_804, %and3A_816 : vector<16xi32>
    %add3A_818 = arith.addi %add3A_814, %and3A_817 : vector<16xi32>
    %swap3A_819 = arith.constant 368 : index
    %swap3A_820 = tpu.vector_load %arg12[%swap3A_819] {strides = array<i32>} : memref<384xi32, #tpu.memory_space<vmem>>, vector<16xi32>,
    %swap3A_821 = vector.shape_cast %swap3A_820 : vector<16xi32> to vector<16xi32>
    %swap3A_822 = vector.shape_cast %add3A_818 : vector<16xi32> to vector<16xi32>
    tpu.vector_store %arg12[%swap3A_819], %swap3A_822 {strides = array<i32>} : memref<384xi32, #tpu.memory_space<vmem>>, vector<16xi32>,
    %shift_left3A_823 = arith.constant 7 : i32
    %shift_left3A_824 = vector.broadcast %shift_left3A_823 : i32 to vector<16xi32>
    %shift_left3A_825 = arith.shli %get3A_801, %shift_left3A_824 : vector<16xi32>
    %add3A_826 = arith.constant 2310144 : i32
    %add3A_827 = vector.broadcast %add3A_826 : i32 to vector<16xi32>
    %add3A_828 = arith.addi %shift_left3A_825, %add3A_827 : vector<16xi32>
    %swap3A_829 = arith.constant 368 : index
    %swap3A_830 = tpu.vector_load %arg13[%swap3A_829] {strides = array<i32>} : memref<384xi32, #tpu.memory_space<vmem>>, vector<16xi32>,
    %swap3A_831 = vector.shape_cast %swap3A_830 : vector<16xi32> to vector<16xi32>
    %swap3A_832 = vector.shape_cast %add3A_828 : vector<16xi32> to vector<16xi32>
    tpu.vector_store %arg13[%swap3A_829], %swap3A_832 {strides = array<i32>} : memref<384xi32, #tpu.memory_space<vmem>>, vector<16xi32>,
    %get3A_833 = arith.constant 0 : index
    %get3A_834 = tpu.vector_load %arg11[%get3A_833] {strides = array<i32>} : memref<128xi32, #tpu.memory_space<vmem>>, vector<16xi32>,
    %get3A_835 = vector.shape_cast %get3A_834 : vector<16xi32> to vector<16xi32>
    %shift_right_arithmetic3A_836 = arith.constant 7 : i32
    %shift_right_arithmetic3A_837 = vector.broadcast %shift_right_arithmetic3A_836 : i32 to vector<16xi32>
    %shift_right_arithmetic3A_838 = arith.shrsi %get3A_835, %shift_right_arithmetic3A_837 : vector<16xi32>
    %mul3A_839 = arith.constant 192512 : i32
    %mul3A_840 = vector.broadcast %mul3A_839 : i32 to vector<16xi32>
    %mul3A_841 = arith.muli %shift_right_arithmetic3A_838, %mul3A_840 : vector<16xi32>
    %get3A_842 = arith.constant 0 : index
    %get3A_843 = tpu.vector_load %arg10[%get3A_842] {strides = array<i32>} : memref<128xi32, #tpu.memory_space<vmem>>, vector<16xi32>,
    %get3A_844 = vector.shape_cast %get3A_843 : vector<16xi32> to vector<16xi32>
    %shift_left3A_845 = arith.constant 7 : i32
    %shift_left3A_846 = vector.broadcast %shift_left3A_845 : i32 to vector<16xi32>
    %shift_left3A_847 = arith.shli %get3A_844, %shift_left3A_846 : vector<16xi32>
    %add3A_848 = arith.addi %mul3A_841, %shift_left3A_847 : vector<16xi32>
    %and3A_849 = arith.constant 127 : i32
    %and3A_850 = vector.broadcast %and3A_849 : i32 to vector<16xi32>
    %and3A_851 = arith.andi %get3A_835, %and3A_850 : vector<16xi32>
    %add3A_852 = arith.addi %add3A_848, %and3A_851 : vector<16xi32>
    %swap3A_853 = arith.constant 0 : index
    %swap3A_854 = tpu.vector_load %arg14[%swap3A_853] {strides = array<i32>} : memref<128xi32, #tpu.memory_space<vmem>>, vector<16xi32>,
    %swap3A_855 = vector.shape_cast %swap3A_854 : vector<16xi32> to vector<16xi32>
    %swap3A_856 = vector.shape_cast %add3A_852 : vector<16xi32> to vector<16xi32>
    tpu.vector_store %arg14[%swap3A_853], %swap3A_856 {strides = array<i32>} : memref<128xi32, #tpu.memory_space<vmem>>, vector<16xi32>,
    %get3A_857 = arith.constant 16 : index
    %get3A_858 = tpu.vector_load %arg11[%get3A_857] {strides = array<i32>} : memref<128xi32, #tpu.memory_space<vmem>>, vector<16xi32>,
    %get3A_859 = vector.shape_cast %get3A_858 : vector<16xi32> to vector<16xi32>
    %shift_right_arithmetic3A_860 = arith.constant 7 : i32
    %shift_right_arithmetic3A_861 = vector.broadcast %shift_right_arithmetic3A_860 : i32 to vector<16xi32>
    %shift_right_arithmetic3A_862 = arith.shrsi %get3A_859, %shift_right_arithmetic3A_861 : vector<16xi32>
    %mul3A_863 = arith.constant 192512 : i32
    %mul3A_864 = vector.broadcast %mul3A_863 : i32 to vector<16xi32>
    %mul3A_865 = arith.muli %shift_right_arithmetic3A_862, %mul3A_864 : vector<16xi32>
    %get3A_866 = arith.constant 16 : index
    %get3A_867 = tpu.vector_load %arg10[%get3A_866] {strides = array<i32>} : memref<128xi32, #tpu.memory_space<vmem>>, vector<16xi32>,
    %get3A_868 = vector.shape_cast %get3A_867 : vector<16xi32> to vector<16xi32>
    %shift_left3A_869 = arith.constant 7 : i32
    %shift_left3A_870 = vector.broadcast %shift_left3A_869 : i32 to vector<16xi32>
    %shift_left3A_871 = arith.shli %get3A_868, %shift_left3A_870 : vector<16xi32>
    %add3A_872 = arith.addi %mul3A_865, %shift_left3A_871 : vector<16xi32>
    %and3A_873 = arith.constant 127 : i32
    %and3A_874 = vector.broadcast %and3A_873 : i32 to vector<16xi32>
    %and3A_875 = arith.andi %get3A_859, %and3A_874 : vector<16xi32>
    %add3A_876 = arith.addi %add3A_872, %and3A_875 : vector<16xi32>
    %swap3A_877 = arith.constant 16 : index
    %swap3A_878 = tpu.vector_load %arg14[%swap3A_877] {strides = array<i32>} : memref<128xi32, #tpu.memory_space<vmem>>, vector<16xi32>,
    %swap3A_879 = vector.shape_cast %swap3A_878 : vector<16xi32> to vector<16xi32>
    %swap3A_880 = vector.shape_cast %add3A_876 : vector<16xi32> to vector<16xi32>
    tpu.vector_store %arg14[%swap3A_877], %swap3A_880 {strides = array<i32>} : memref<128xi32, #tpu.memory_space<vmem>>, vector<16xi32>,
    %get3A_881 = arith.constant 32 : index
    %get3A_882 = tpu.vector_load %arg11[%get3A_881] {strides = array<i32>} : memref<128xi32, #tpu.memory_space<vmem>>, vector<16xi32>,
    %get3A_883 = vector.shape_cast %get3A_882 : vector<16xi32> to vector<16xi32>
    %shift_right_arithmetic3A_884 = arith.constant 7 : i32
    %shift_right_arithmetic3A_885 = vector.broadcast %shift_right_arithmetic3A_884 : i32 to vector<16xi32>
    %shift_right_arithmetic3A_886 = arith.shrsi %get3A_883, %shift_right_arithmetic3A_885 : vector<16xi32>
    %mul3A_887 = arith.constant 192512 : i32
    %mul3A_888 = vector.broadcast %mul3A_887 : i32 to vector<16xi32>
    %mul3A_889 = arith.muli %shift_right_arithmetic3A_886, %mul3A_888 : vector<16xi32>
    %get3A_890 = arith.constant 32 : index
    %get3A_891 = tpu.vector_load %arg10[%get3A_890] {strides = array<i32>} : memref<128xi32, #tpu.memory_space<vmem>>, vector<16xi32>,
    %get3A_892 = vector.shape_cast %get3A_891 : vector<16xi32> to vector<16xi32>
    %shift_left3A_893 = arith.constant 7 : i32
    %shift_left3A_894 = vector.broadcast %shift_left3A_893 : i32 to vector<16xi32>
    %shift_left3A_895 = arith.shli %get3A_892, %shift_left3A_894 : vector<16xi32>
    %add3A_896 = arith.addi %mul3A_889, %shift_left3A_895 : vector<16xi32>
    %and3A_897 = arith.constant 127 : i32
    %and3A_898 = vector.broadcast %and3A_897 : i32 to vector<16xi32>
    %and3A_899 = arith.andi %get3A_883, %and3A_898 : vector<16xi32>
    %add3A_900 = arith.addi %add3A_896, %and3A_899 : vector<16xi32>
    %swap3A_901 = arith.constant 32 : index
    %swap3A_902 = tpu.vector_load %arg14[%swap3A_901] {strides = array<i32>} : memref<128xi32, #tpu.memory_space<vmem>>, vector<16xi32>,
    %swap3A_903 = vector.shape_cast %swap3A_902 : vector<16xi32> to vector<16xi32>
    %swap3A_904 = vector.shape_cast %add3A_900 : vector<16xi32> to vector<16xi32>
    tpu.vector_store %arg14[%swap3A_901], %swap3A_904 {strides = array<i32>} : memref<128xi32, #tpu.memory_space<vmem>>, vector<16xi32>,
    %get3A_905 = arith.constant 48 : index
    %get3A_906 = tpu.vector_load %arg11[%get3A_905] {strides = array<i32>} : memref<128xi32, #tpu.memory_space<vmem>>, vector<16xi32>,
    %get3A_907 = vector.shape_cast %get3A_906 : vector<16xi32> to vector<16xi32>
    %shift_right_arithmetic3A_908 = arith.constant 7 : i32
    %shift_right_arithmetic3A_909 = vector.broadcast %shift_right_arithmetic3A_908 : i32 to vector<16xi32>
    %shift_right_arithmetic3A_910 = arith.shrsi %get3A_907, %shift_right_arithmetic3A_909 : vector<16xi32>
    %mul3A_911 = arith.constant 192512 : i32
    %mul3A_912 = vector.broadcast %mul3A_911 : i32 to vector<16xi32>
    %mul3A_913 = arith.muli %shift_right_arithmetic3A_910, %mul3A_912 : vector<16xi32>
    %get3A_914 = arith.constant 48 : index
    %get3A_915 = tpu.vector_load %arg10[%get3A_914] {strides = array<i32>} : memref<128xi32, #tpu.memory_space<vmem>>, vector<16xi32>,
    %get3A_916 = vector.shape_cast %get3A_915 : vector<16xi32> to vector<16xi32>
    %shift_left3A_917 = arith.constant 7 : i32
    %shift_left3A_918 = vector.broadcast %shift_left3A_917 : i32 to vector<16xi32>
    %shift_left3A_919 = arith.shli %get3A_916, %shift_left3A_918 : vector<16xi32>
    %add3A_920 = arith.addi %mul3A_913, %shift_left3A_919 : vector<16xi32>
    %and3A_921 = arith.constant 127 : i32
    %and3A_922 = vector.broadcast %and3A_921 : i32 to vector<16xi32>
    %and3A_923 = arith.andi %get3A_907, %and3A_922 : vector<16xi32>
    %add3A_924 = arith.addi %add3A_920, %and3A_923 : vector<16xi32>
    %swap3A_925 = arith.constant 48 : index
    %swap3A_926 = tpu.vector_load %arg14[%swap3A_925] {strides = array<i32>} : memref<128xi32, #tpu.memory_space<vmem>>, vector<16xi32>,
    %swap3A_927 = vector.shape_cast %swap3A_926 : vector<16xi32> to vector<16xi32>
    %swap3A_928 = vector.shape_cast %add3A_924 : vector<16xi32> to vector<16xi32>
    tpu.vector_store %arg14[%swap3A_925], %swap3A_928 {strides = array<i32>} : memref<128xi32, #tpu.memory_space<vmem>>, vector<16xi32>,
    %get3A_929 = arith.constant 64 : index
    %get3A_930 = tpu.vector_load %arg11[%get3A_929] {strides = array<i32>} : memref<128xi32, #tpu.memory_space<vmem>>, vector<16xi32>,
    %get3A_931 = vector.shape_cast %get3A_930 : vector<16xi32> to vector<16xi32>
    %shift_right_arithmetic3A_932 = arith.constant 7 : i32
    %shift_right_arithmetic3A_933 = vector.broadcast %shift_right_arithmetic3A_932 : i32 to vector<16xi32>
    %shift_right_arithmetic3A_934 = arith.shrsi %get3A_931, %shift_right_arithmetic3A_933 : vector<16xi32>
    %mul3A_935 = arith.constant 192512 : i32
    %mul3A_936 = vector.broadcast %mul3A_935 : i32 to vector<16xi32>
    %mul3A_937 = arith.muli %shift_right_arithmetic3A_934, %mul3A_936 : vector<16xi32>
    %get3A_938 = arith.constant 64 : index
    %get3A_939 = tpu.vector_load %arg10[%get3A_938] {strides = array<i32>} : memref<128xi32, #tpu.memory_space<vmem>>, vector<16xi32>,
    %get3A_940 = vector.shape_cast %get3A_939 : vector<16xi32> to vector<16xi32>
    %shift_left3A_941 = arith.constant 7 : i32
    %shift_left3A_942 = vector.broadcast %shift_left3A_941 : i32 to vector<16xi32>
    %shift_left3A_943 = arith.shli %get3A_940, %shift_left3A_942 : vector<16xi32>
    %add3A_944 = arith.addi %mul3A_937, %shift_left3A_943 : vector<16xi32>
    %and3A_945 = arith.constant 127 : i32
    %and3A_946 = vector.broadcast %and3A_945 : i32 to vector<16xi32>
    %and3A_947 = arith.andi %get3A_931, %and3A_946 : vector<16xi32>
    %add3A_948 = arith.addi %add3A_944, %and3A_947 : vector<16xi32>
    %swap3A_949 = arith.constant 64 : index
    %swap3A_950 = tpu.vector_load %arg14[%swap3A_949] {strides = array<i32>} : memref<128xi32, #tpu.memory_space<vmem>>, vector<16xi32>,
    %swap3A_951 = vector.shape_cast %swap3A_950 : vector<16xi32> to vector<16xi32>
    %swap3A_952 = vector.shape_cast %add3A_948 : vector<16xi32> to vector<16xi32>
    tpu.vector_store %arg14[%swap3A_949], %swap3A_952 {strides = array<i32>} : memref<128xi32, #tpu.memory_space<vmem>>, vector<16xi32>,
    %get3A_953 = arith.constant 80 : index
    %get3A_954 = tpu.vector_load %arg11[%get3A_953] {strides = array<i32>} : memref<128xi32, #tpu.memory_space<vmem>>, vector<16xi32>,
    %get3A_955 = vector.shape_cast %get3A_954 : vector<16xi32> to vector<16xi32>
    %shift_right_arithmetic3A_956 = arith.constant 7 : i32
    %shift_right_arithmetic3A_957 = vector.broadcast %shift_right_arithmetic3A_956 : i32 to vector<16xi32>
    %shift_right_arithmetic3A_958 = arith.shrsi %get3A_955, %shift_right_arithmetic3A_957 : vector<16xi32>
    %mul3A_959 = arith.constant 192512 : i32
    %mul3A_960 = vector.broadcast %mul3A_959 : i32 to vector<16xi32>
    %mul3A_961 = arith.muli %shift_right_arithmetic3A_958, %mul3A_960 : vector<16xi32>
    %get3A_962 = arith.constant 80 : index
    %get3A_963 = tpu.vector_load %arg10[%get3A_962] {strides = array<i32>} : memref<128xi32, #tpu.memory_space<vmem>>, vector<16xi32>,
    %get3A_964 = vector.shape_cast %get3A_963 : vector<16xi32> to vector<16xi32>
    %shift_left3A_965 = arith.constant 7 : i32
    %shift_left3A_966 = vector.broadcast %shift_left3A_965 : i32 to vector<16xi32>
    %shift_left3A_967 = arith.shli %get3A_964, %shift_left3A_966 : vector<16xi32>
    %add3A_968 = arith.addi %mul3A_961, %shift_left3A_967 : vector<16xi32>
    %and3A_969 = arith.constant 127 : i32
    %and3A_970 = vector.broadcast %and3A_969 : i32 to vector<16xi32>
    %and3A_971 = arith.andi %get3A_955, %and3A_970 : vector<16xi32>
    %add3A_972 = arith.addi %add3A_968, %and3A_971 : vector<16xi32>
    %swap3A_973 = arith.constant 80 : index
    %swap3A_974 = tpu.vector_load %arg14[%swap3A_973] {strides = array<i32>} : memref<128xi32, #tpu.memory_space<vmem>>, vector<16xi32>,
    %swap3A_975 = vector.shape_cast %swap3A_974 : vector<16xi32> to vector<16xi32>
    %swap3A_976 = vector.shape_cast %add3A_972 : vector<16xi32> to vector<16xi32>
    tpu.vector_store %arg14[%swap3A_973], %swap3A_976 {strides = array<i32>} : memref<128xi32, #tpu.memory_space<vmem>>, vector<16xi32>,
    %get3A_977 = arith.constant 96 : index
    %get3A_978 = tpu.vector_load %arg11[%get3A_977] {strides = array<i32>} : memref<128xi32, #tpu.memory_space<vmem>>, vector<16xi32>,
    %get3A_979 = vector.shape_cast %get3A_978 : vector<16xi32> to vector<16xi32>
    %shift_right_arithmetic3A_980 = arith.constant 7 : i32
    %shift_right_arithmetic3A_981 = vector.broadcast %shift_right_arithmetic3A_980 : i32 to vector<16xi32>
    %shift_right_arithmetic3A_982 = arith.shrsi %get3A_979, %shift_right_arithmetic3A_981 : vector<16xi32>
    %mul3A_983 = arith.constant 192512 : i32
    %mul3A_984 = vector.broadcast %mul3A_983 : i32 to vector<16xi32>
    %mul3A_985 = arith.muli %shift_right_arithmetic3A_982, %mul3A_984 : vector<16xi32>
    %get3A_986 = arith.constant 96 : index
    %get3A_987 = tpu.vector_load %arg10[%get3A_986] {strides = array<i32>} : memref<128xi32, #tpu.memory_space<vmem>>, vector<16xi32>,
    %get3A_988 = vector.shape_cast %get3A_987 : vector<16xi32> to vector<16xi32>
    %shift_left3A_989 = arith.constant 7 : i32
    %shift_left3A_990 = vector.broadcast %shift_left3A_989 : i32 to vector<16xi32>
    %shift_left3A_991 = arith.shli %get3A_988, %shift_left3A_990 : vector<16xi32>
    %add3A_992 = arith.addi %mul3A_985, %shift_left3A_991 : vector<16xi32>
    %and3A_993 = arith.constant 127 : i32
    %and3A_994 = vector.broadcast %and3A_993 : i32 to vector<16xi32>
    %and3A_995 = arith.andi %get3A_979, %and3A_994 : vector<16xi32>
    %add3A_996 = arith.addi %add3A_992, %and3A_995 : vector<16xi32>
    %swap3A_997 = arith.constant 96 : index
    %swap3A_998 = tpu.vector_load %arg14[%swap3A_997] {strides = array<i32>} : memref<128xi32, #tpu.memory_space<vmem>>, vector<16xi32>,
    %swap3A_999 = vector.shape_cast %swap3A_998 : vector<16xi32> to vector<16xi32>
    %swap3A_1000 = vector.shape_cast %add3A_996 : vector<16xi32> to vector<16xi32>
    tpu.vector_store %arg14[%swap3A_997], %swap3A_1000 {strides = array<i32>} : memref<128xi32, #tpu.memory_space<vmem>>, vector<16xi32>,
    %get3A_1001 = arith.constant 112 : index
    %get3A_1002 = tpu.vector_load %arg11[%get3A_1001] {strides = array<i32>} : memref<128xi32, #tpu.memory_space<vmem>>, vector<16xi32>,
    %get3A_1003 = vector.shape_cast %get3A_1002 : vector<16xi32> to vector<16xi32>
    %shift_right_arithmetic3A_1004 = arith.constant 7 : i32
    %shift_right_arithmetic3A_1005 = vector.broadcast %shift_right_arithmetic3A_1004 : i32 to vector<16xi32>
    %shift_right_arithmetic3A_1006 = arith.shrsi %get3A_1003, %shift_right_arithmetic3A_1005 : vector<16xi32>
    %mul3A_1007 = arith.constant 192512 : i32
    %mul3A_1008 = vector.broadcast %mul3A_1007 : i32 to vector<16xi32>
    %mul3A_1009 = arith.muli %shift_right_arithmetic3A_1006, %mul3A_1008 : vector<16xi32>
    %get3A_1010 = arith.constant 112 : index
    %get3A_1011 = tpu.vector_load %arg10[%get3A_1010] {strides = array<i32>} : memref<128xi32, #tpu.memory_space<vmem>>, vector<16xi32>,
    %get3A_1012 = vector.shape_cast %get3A_1011 : vector<16xi32> to vector<16xi32>
    %shift_left3A_1013 = arith.constant 7 : i32
    %shift_left3A_1014 = vector.broadcast %shift_left3A_1013 : i32 to vector<16xi32>
    %shift_left3A_1015 = arith.shli %get3A_1012, %shift_left3A_1014 : vector<16xi32>
    %add3A_1016 = arith.addi %mul3A_1009, %shift_left3A_1015 : vector<16xi32>
    %and3A_1017 = arith.constant 127 : i32
    %and3A_1018 = vector.broadcast %and3A_1017 : i32 to vector<16xi32>
    %and3A_1019 = arith.andi %get3A_1003, %and3A_1018 : vector<16xi32>
    %add3A_1020 = arith.addi %add3A_1016, %and3A_1019 : vector<16xi32>
    %swap3A_1021 = arith.constant 112 : index
    %swap3A_1022 = tpu.vector_load %arg14[%swap3A_1021] {strides = array<i32>} : memref<128xi32, #tpu.memory_space<vmem>>, vector<16xi32>,
    %swap3A_1023 = vector.shape_cast %swap3A_1022 : vector<16xi32> to vector<16xi32>
    %swap3A_1024 = vector.shape_cast %add3A_1020 : vector<16xi32> to vector<16xi32>
    tpu.vector_store %arg14[%swap3A_1021], %swap3A_1024 {strides = array<i32>} : memref<128xi32, #tpu.memory_space<vmem>>, vector<16xi32>,
    %dma_start3A_1025 = arith.constant 0 : i32
    %dma_start3A_1026 = tpu.memref_slice %arg15[%dma_start3A_1025] : memref<384xf32, #tpu.memory_space<vmem>> -> memref<128xf32, #tpu.memory_space<vmem>>
    %dma_start3A_1027 = arith.constant 0 : i32
    %dma_start3A_1028 = tpu.memref_slice %arg12[%dma_start3A_1027] : memref<384xi32, #tpu.memory_space<vmem>> -> memref<128xi32, #tpu.memory_space<vmem>>
    %dma_start3A_1029 = arith.constant 0 : i32
    %dma_start3A_1030 = tpu.memref_slice %arg2[%dma_start3A_1029] : memref<2502656xf32, #tpu.memory_space<hbm>> -> memref<2502656xf32, #tpu.memory_space<hbm>>
    tpu.enqueue_indirect_dma source(%dma_start3A_1030 : memref<2502656xf32, #tpu.memory_space<hbm>>) target(%dma_start3A_1026 : memref<128xf32, #tpu.memory_space<vmem>>) offsets(%dma_start3A_1028 : memref<128xi32, #tpu.memory_space<vmem>>) semaphore(%arg19 : memref<!tpu.dma_semaphore, #tpu.memory_space<semaphore_mem>>)
    %dma_start3A_1031 = arith.constant 0 : i32
    %dma_start3A_1032 = tpu.memref_slice %arg16[%dma_start3A_1031] : memref<384xf32, #tpu.memory_space<vmem>> -> memref<128xf32, #tpu.memory_space<vmem>>
    %dma_start3A_1033 = arith.constant 0 : i32
    %dma_start3A_1034 = tpu.memref_slice %arg13[%dma_start3A_1033] : memref<384xi32, #tpu.memory_space<vmem>> -> memref<128xi32, #tpu.memory_space<vmem>>
    %dma_start3A_1035 = arith.constant 0 : i32
    %dma_start3A_1036 = tpu.memref_slice %arg2[%dma_start3A_1035] : memref<2502656xf32, #tpu.memory_space<hbm>> -> memref<2502656xf32, #tpu.memory_space<hbm>>
    tpu.enqueue_indirect_dma source(%dma_start3A_1036 : memref<2502656xf32, #tpu.memory_space<hbm>>) target(%dma_start3A_1032 : memref<128xf32, #tpu.memory_space<vmem>>) offsets(%dma_start3A_1034 : memref<128xi32, #tpu.memory_space<vmem>>) semaphore(%arg19 : memref<!tpu.dma_semaphore, #tpu.memory_space<semaphore_mem>>)
    %dma_start3A_1037 = arith.constant 128 : i32
    %dma_start3A_1038 = tpu.memref_slice %arg15[%dma_start3A_1037] : memref<384xf32, #tpu.memory_space<vmem>> -> memref<128xf32, #tpu.memory_space<vmem>>
    %dma_start3A_1039 = arith.constant 128 : i32
    %dma_start3A_1040 = tpu.memref_slice %arg12[%dma_start3A_1039] : memref<384xi32, #tpu.memory_space<vmem>> -> memref<128xi32, #tpu.memory_space<vmem>>
    %dma_start3A_1041 = arith.constant 0 : i32
    %dma_start3A_1042 = tpu.memref_slice %arg2[%dma_start3A_1041] : memref<2502656xf32, #tpu.memory_space<hbm>> -> memref<2502656xf32, #tpu.memory_space<hbm>>
    tpu.enqueue_indirect_dma source(%dma_start3A_1042 : memref<2502656xf32, #tpu.memory_space<hbm>>) target(%dma_start3A_1038 : memref<128xf32, #tpu.memory_space<vmem>>) offsets(%dma_start3A_1040 : memref<128xi32, #tpu.memory_space<vmem>>) semaphore(%arg19 : memref<!tpu.dma_semaphore, #tpu.memory_space<semaphore_mem>>)
    %dma_start3A_1043 = arith.constant 128 : i32
    %dma_start3A_1044 = tpu.memref_slice %arg16[%dma_start3A_1043] : memref<384xf32, #tpu.memory_space<vmem>> -> memref<128xf32, #tpu.memory_space<vmem>>
    %dma_start3A_1045 = arith.constant 128 : i32
    %dma_start3A_1046 = tpu.memref_slice %arg13[%dma_start3A_1045] : memref<384xi32, #tpu.memory_space<vmem>> -> memref<128xi32, #tpu.memory_space<vmem>>
    %dma_start3A_1047 = arith.constant 0 : i32
    %dma_start3A_1048 = tpu.memref_slice %arg2[%dma_start3A_1047] : memref<2502656xf32, #tpu.memory_space<hbm>> -> memref<2502656xf32, #tpu.memory_space<hbm>>
    tpu.enqueue_indirect_dma source(%dma_start3A_1048 : memref<2502656xf32, #tpu.memory_space<hbm>>) target(%dma_start3A_1044 : memref<128xf32, #tpu.memory_space<vmem>>) offsets(%dma_start3A_1046 : memref<128xi32, #tpu.memory_space<vmem>>) semaphore(%arg19 : memref<!tpu.dma_semaphore, #tpu.memory_space<semaphore_mem>>)
    %dma_start3A_1049 = arith.constant 256 : i32
    %dma_start3A_1050 = tpu.memref_slice %arg15[%dma_start3A_1049] : memref<384xf32, #tpu.memory_space<vmem>> -> memref<128xf32, #tpu.memory_space<vmem>>
    %dma_start3A_1051 = arith.constant 256 : i32
    %dma_start3A_1052 = tpu.memref_slice %arg12[%dma_start3A_1051] : memref<384xi32, #tpu.memory_space<vmem>> -> memref<128xi32, #tpu.memory_space<vmem>>
    %dma_start3A_1053 = arith.constant 0 : i32
    %dma_start3A_1054 = tpu.memref_slice %arg2[%dma_start3A_1053] : memref<2502656xf32, #tpu.memory_space<hbm>> -> memref<2502656xf32, #tpu.memory_space<hbm>>
    tpu.enqueue_indirect_dma source(%dma_start3A_1054 : memref<2502656xf32, #tpu.memory_space<hbm>>) target(%dma_start3A_1050 : memref<128xf32, #tpu.memory_space<vmem>>) offsets(%dma_start3A_1052 : memref<128xi32, #tpu.memory_space<vmem>>) semaphore(%arg19 : memref<!tpu.dma_semaphore, #tpu.memory_space<semaphore_mem>>)
    %dma_start3A_1055 = arith.constant 256 : i32
    %dma_start3A_1056 = tpu.memref_slice %arg16[%dma_start3A_1055] : memref<384xf32, #tpu.memory_space<vmem>> -> memref<128xf32, #tpu.memory_space<vmem>>
    %dma_start3A_1057 = arith.constant 256 : i32
    %dma_start3A_1058 = tpu.memref_slice %arg13[%dma_start3A_1057] : memref<384xi32, #tpu.memory_space<vmem>> -> memref<128xi32, #tpu.memory_space<vmem>>
    %dma_start3A_1059 = arith.constant 0 : i32
    %dma_start3A_1060 = tpu.memref_slice %arg2[%dma_start3A_1059] : memref<2502656xf32, #tpu.memory_space<hbm>> -> memref<2502656xf32, #tpu.memory_space<hbm>>
    tpu.enqueue_indirect_dma source(%dma_start3A_1060 : memref<2502656xf32, #tpu.memory_space<hbm>>) target(%dma_start3A_1056 : memref<128xf32, #tpu.memory_space<vmem>>) offsets(%dma_start3A_1058 : memref<128xi32, #tpu.memory_space<vmem>>) semaphore(%arg19 : memref<!tpu.dma_semaphore, #tpu.memory_space<semaphore_mem>>)
    %dma_start3A_1061 = arith.constant 0 : i32
    %dma_start3A_1062 = tpu.memref_slice %arg17[%dma_start3A_1061] : memref<128xf32, #tpu.memory_space<vmem>> -> memref<128xf32, #tpu.memory_space<vmem>>
    %dma_start3A_1063 = arith.constant 0 : i32
    %dma_start3A_1064 = tpu.memref_slice %arg14[%dma_start3A_1063] : memref<128xi32, #tpu.memory_space<vmem>> -> memref<128xi32, #tpu.memory_space<vmem>>
    %dma_start3A_1065 = arith.constant 0 : i32
    %dma_start3A_1066 = tpu.memref_slice %arg2[%dma_start3A_1065] : memref<2502656xf32, #tpu.memory_space<hbm>> -> memref<2502656xf32, #tpu.memory_space<hbm>>
    tpu.enqueue_indirect_dma source(%dma_start3A_1066 : memref<2502656xf32, #tpu.memory_space<hbm>>) target(%dma_start3A_1062 : memref<128xf32, #tpu.memory_space<vmem>>) offsets(%dma_start3A_1064 : memref<128xi32, #tpu.memory_space<vmem>>) semaphore(%arg19 : memref<!tpu.dma_semaphore, #tpu.memory_space<semaphore_mem>>)
    %dma_wait3A_1067 = arith.constant 0 : i32
    %dma_wait3A_1068 = tpu.memref_slice %arg15[%dma_wait3A_1067] : memref<384xf32, #tpu.memory_space<vmem>> -> memref<128xf32, #tpu.memory_space<vmem>>
    %dma_wait3A_1069 = arith.constant 0 : i32
    %dma_wait3A_1070 = tpu.memref_slice %arg12[%dma_wait3A_1069] : memref<384xi32, #tpu.memory_space<vmem>> -> memref<128xi32, #tpu.memory_space<vmem>>
    %dma_wait3A_1071 = arith.constant 0 : i32
    %dma_wait3A_1072 = tpu.memref_slice %arg2[%dma_wait3A_1071] : memref<2502656xf32, #tpu.memory_space<hbm>> -> memref<2502656xf32, #tpu.memory_space<hbm>>
    tpu.wait_indirect_dma semaphore(%arg19 : memref<!tpu.dma_semaphore, #tpu.memory_space<semaphore_mem>>) src(%dma_wait3A_1072 : memref<2502656xf32, #tpu.memory_space<hbm>>) dst(%dma_wait3A_1068 : memref<128xf32, #tpu.memory_space<vmem>>)
    %dma_wait3A_1073 = arith.constant 0 : i32
    %dma_wait3A_1074 = tpu.memref_slice %arg16[%dma_wait3A_1073] : memref<384xf32, #tpu.memory_space<vmem>> -> memref<128xf32, #tpu.memory_space<vmem>>
    %dma_wait3A_1075 = arith.constant 0 : i32
    %dma_wait3A_1076 = tpu.memref_slice %arg13[%dma_wait3A_1075] : memref<384xi32, #tpu.memory_space<vmem>> -> memref<128xi32, #tpu.memory_space<vmem>>
    %dma_wait3A_1077 = arith.constant 0 : i32
    %dma_wait3A_1078 = tpu.memref_slice %arg2[%dma_wait3A_1077] : memref<2502656xf32, #tpu.memory_space<hbm>> -> memref<2502656xf32, #tpu.memory_space<hbm>>
    tpu.wait_indirect_dma semaphore(%arg19 : memref<!tpu.dma_semaphore, #tpu.memory_space<semaphore_mem>>) src(%dma_wait3A_1078 : memref<2502656xf32, #tpu.memory_space<hbm>>) dst(%dma_wait3A_1074 : memref<128xf32, #tpu.memory_space<vmem>>)
    %dma_wait3A_1079 = arith.constant 128 : i32
    %dma_wait3A_1080 = tpu.memref_slice %arg15[%dma_wait3A_1079] : memref<384xf32, #tpu.memory_space<vmem>> -> memref<128xf32, #tpu.memory_space<vmem>>
    %dma_wait3A_1081 = arith.constant 128 : i32
    %dma_wait3A_1082 = tpu.memref_slice %arg12[%dma_wait3A_1081] : memref<384xi32, #tpu.memory_space<vmem>> -> memref<128xi32, #tpu.memory_space<vmem>>
    %dma_wait3A_1083 = arith.constant 0 : i32
    %dma_wait3A_1084 = tpu.memref_slice %arg2[%dma_wait3A_1083] : memref<2502656xf32, #tpu.memory_space<hbm>> -> memref<2502656xf32, #tpu.memory_space<hbm>>
    tpu.wait_indirect_dma semaphore(%arg19 : memref<!tpu.dma_semaphore, #tpu.memory_space<semaphore_mem>>) src(%dma_wait3A_1084 : memref<2502656xf32, #tpu.memory_space<hbm>>) dst(%dma_wait3A_1080 : memref<128xf32, #tpu.memory_space<vmem>>)
    %dma_wait3A_1085 = arith.constant 128 : i32
    %dma_wait3A_1086 = tpu.memref_slice %arg16[%dma_wait3A_1085] : memref<384xf32, #tpu.memory_space<vmem>> -> memref<128xf32, #tpu.memory_space<vmem>>
    %dma_wait3A_1087 = arith.constant 128 : i32
    %dma_wait3A_1088 = tpu.memref_slice %arg13[%dma_wait3A_1087] : memref<384xi32, #tpu.memory_space<vmem>> -> memref<128xi32, #tpu.memory_space<vmem>>
    %dma_wait3A_1089 = arith.constant 0 : i32
    %dma_wait3A_1090 = tpu.memref_slice %arg2[%dma_wait3A_1089] : memref<2502656xf32, #tpu.memory_space<hbm>> -> memref<2502656xf32, #tpu.memory_space<hbm>>
    tpu.wait_indirect_dma semaphore(%arg19 : memref<!tpu.dma_semaphore, #tpu.memory_space<semaphore_mem>>) src(%dma_wait3A_1090 : memref<2502656xf32, #tpu.memory_space<hbm>>) dst(%dma_wait3A_1086 : memref<128xf32, #tpu.memory_space<vmem>>)
    %dma_wait3A_1091 = arith.constant 256 : i32
    %dma_wait3A_1092 = tpu.memref_slice %arg15[%dma_wait3A_1091] : memref<384xf32, #tpu.memory_space<vmem>> -> memref<128xf32, #tpu.memory_space<vmem>>
    %dma_wait3A_1093 = arith.constant 256 : i32
    %dma_wait3A_1094 = tpu.memref_slice %arg12[%dma_wait3A_1093] : memref<384xi32, #tpu.memory_space<vmem>> -> memref<128xi32, #tpu.memory_space<vmem>>
    %dma_wait3A_1095 = arith.constant 0 : i32
    %dma_wait3A_1096 = tpu.memref_slice %arg2[%dma_wait3A_1095] : memref<2502656xf32, #tpu.memory_space<hbm>> -> memref<2502656xf32, #tpu.memory_space<hbm>>
    tpu.wait_indirect_dma semaphore(%arg19 : memref<!tpu.dma_semaphore, #tpu.memory_space<semaphore_mem>>) src(%dma_wait3A_1096 : memref<2502656xf32, #tpu.memory_space<hbm>>) dst(%dma_wait3A_1092 : memref<128xf32, #tpu.memory_space<vmem>>)
    %dma_wait3A_1097 = arith.constant 256 : i32
    %dma_wait3A_1098 = tpu.memref_slice %arg16[%dma_wait3A_1097] : memref<384xf32, #tpu.memory_space<vmem>> -> memref<128xf32, #tpu.memory_space<vmem>>
    %dma_wait3A_1099 = arith.constant 256 : i32
    %dma_wait3A_1100 = tpu.memref_slice %arg13[%dma_wait3A_1099] : memref<384xi32, #tpu.memory_space<vmem>> -> memref<128xi32, #tpu.memory_space<vmem>>
    %dma_wait3A_1101 = arith.constant 0 : i32
    %dma_wait3A_1102 = tpu.memref_slice %arg2[%dma_wait3A_1101] : memref<2502656xf32, #tpu.memory_space<hbm>> -> memref<2502656xf32, #tpu.memory_space<hbm>>
    tpu.wait_indirect_dma semaphore(%arg19 : memref<!tpu.dma_semaphore, #tpu.memory_space<semaphore_mem>>) src(%dma_wait3A_1102 : memref<2502656xf32, #tpu.memory_space<hbm>>) dst(%dma_wait3A_1098 : memref<128xf32, #tpu.memory_space<vmem>>)
    %dma_wait3A_1103 = arith.constant 0 : i32
    %dma_wait3A_1104 = tpu.memref_slice %arg17[%dma_wait3A_1103] : memref<128xf32, #tpu.memory_space<vmem>> -> memref<128xf32, #tpu.memory_space<vmem>>
    %dma_wait3A_1105 = arith.constant 0 : i32
    %dma_wait3A_1106 = tpu.memref_slice %arg14[%dma_wait3A_1105] : memref<128xi32, #tpu.memory_space<vmem>> -> memref<128xi32, #tpu.memory_space<vmem>>
    %dma_wait3A_1107 = arith.constant 0 : i32
    %dma_wait3A_1108 = tpu.memref_slice %arg2[%dma_wait3A_1107] : memref<2502656xf32, #tpu.memory_space<hbm>> -> memref<2502656xf32, #tpu.memory_space<hbm>>
    tpu.wait_indirect_dma semaphore(%arg19 : memref<!tpu.dma_semaphore, #tpu.memory_space<semaphore_mem>>) src(%dma_wait3A_1108 : memref<2502656xf32, #tpu.memory_space<hbm>>) dst(%dma_wait3A_1104 : memref<128xf32, #tpu.memory_space<vmem>>)
    %iota3A = tpu.iota {dimensions = array<i32: 0>} : vector<16xi32>
    %broadcast_in_dim3A = arith.constant 0.000000e+00 : f32
    %broadcast_in_dim3A_1109 = vector.broadcast %broadcast_in_dim3A : f32 to vector<16xf32>
    %add3A_1110 = arith.constant 0 : i32
    %add3A_1111 = arith.addi %min3A_5, %add3A_1110 : i32
    %add3A_1112 = vector.broadcast %add3A_1111 : i32 to vector<16xi32>
    %add3A_1113 = arith.addi %add3A_1112, %iota3A : vector<16xi32>
    %ge3A = vector.broadcast %mul3A_2 : i32 to vector<16xi32>
    %ge3A_1114 = arith.cmpi sge, %add3A_1113, %ge3A : vector<16xi32>
    %lt3A = arith.constant 10000 : i32
    %lt3A_1115 = vector.broadcast %lt3A : i32 to vector<16xi32>
    %lt3A_1116 = arith.cmpi slt, %add3A_1113, %lt3A_1115 : vector<16xi32>
    %and3A_1117 = arith.andi %ge3A_1114, %lt3A_1116 : vector<16xi1>
    %get3A_1118 = arith.constant 0 : index
    %get3A_1119 = tpu.vector_load %arg15[%get3A_1118] {strides = array<i32>} : memref<384xf32, #tpu.memory_space<vmem>>, vector<16xf32>,
    %get3A_1120 = vector.shape_cast %get3A_1119 : vector<16xf32> to vector<16xf32>
    %jit3A = arith.constant 0.000000e+00 : f32
    %broadcast_in_dim3A_1121 = vector.broadcast %jit3A : f32 to vector<16xf32>
    %select_n3A = arith.select %and3A_1117, %get3A_1120, %broadcast_in_dim3A_1121 : vector<16xi1>, vector<16xf32>
    %add3A_1122 = arith.addf %broadcast_in_dim3A_1109, %select_n3A : vector<16xf32>
    %get3A_1123 = arith.constant 0 : index
    %get3A_1124 = tpu.vector_load %arg16[%get3A_1123] {strides = array<i32>} : memref<384xf32, #tpu.memory_space<vmem>>, vector<16xf32>,
    %get3A_1125 = vector.shape_cast %get3A_1124 : vector<16xf32> to vector<16xf32>
    %jit3A_1126 = arith.constant 0.000000e+00 : f32
    %broadcast_in_dim3A_1127 = vector.broadcast %jit3A_1126 : f32 to vector<16xf32>
    %select_n3A_1128 = arith.select %and3A_1117, %get3A_1125, %broadcast_in_dim3A_1127 : vector<16xi1>, vector<16xf32>
    %add3A_1129 = arith.addf %broadcast_in_dim3A_1109, %select_n3A_1128 : vector<16xf32>
    %add3A_1130 = arith.constant 16 : i32
    %add3A_1131 = arith.addi %min3A_5, %add3A_1130 : i32
    %add3A_1132 = vector.broadcast %add3A_1131 : i32 to vector<16xi32>
    %add3A_1133 = arith.addi %add3A_1132, %iota3A : vector<16xi32>
    %ge3A_1134 = vector.broadcast %mul3A_2 : i32 to vector<16xi32>
    %ge3A_1135 = arith.cmpi sge, %add3A_1133, %ge3A_1134 : vector<16xi32>
    %lt3A_1136 = arith.constant 10000 : i32
    %lt3A_1137 = vector.broadcast %lt3A_1136 : i32 to vector<16xi32>
    %lt3A_1138 = arith.cmpi slt, %add3A_1133, %lt3A_1137 : vector<16xi32>
    %and3A_1139 = arith.andi %ge3A_1135, %lt3A_1138 : vector<16xi1>
    %get3A_1140 = arith.constant 16 : index
    %get3A_1141 = tpu.vector_load %arg15[%get3A_1140] {strides = array<i32>} : memref<384xf32, #tpu.memory_space<vmem>>, vector<16xf32>,
    %get3A_1142 = vector.shape_cast %get3A_1141 : vector<16xf32> to vector<16xf32>
    %jit3A_1143 = arith.constant 0.000000e+00 : f32
    %broadcast_in_dim3A_1144 = vector.broadcast %jit3A_1143 : f32 to vector<16xf32>
    %select_n3A_1145 = arith.select %and3A_1139, %get3A_1142, %broadcast_in_dim3A_1144 : vector<16xi1>, vector<16xf32>
    %add3A_1146 = arith.addf %add3A_1122, %select_n3A_1145 : vector<16xf32>
    %get3A_1147 = arith.constant 16 : index
    %get3A_1148 = tpu.vector_load %arg16[%get3A_1147] {strides = array<i32>} : memref<384xf32, #tpu.memory_space<vmem>>, vector<16xf32>,
    %get3A_1149 = vector.shape_cast %get3A_1148 : vector<16xf32> to vector<16xf32>
    %jit3A_1150 = arith.constant 0.000000e+00 : f32
    %broadcast_in_dim3A_1151 = vector.broadcast %jit3A_1150 : f32 to vector<16xf32>
    %select_n3A_1152 = arith.select %and3A_1139, %get3A_1149, %broadcast_in_dim3A_1151 : vector<16xi1>, vector<16xf32>
    %add3A_1153 = arith.addf %add3A_1129, %select_n3A_1152 : vector<16xf32>
    %add3A_1154 = arith.constant 32 : i32
    %add3A_1155 = arith.addi %min3A_5, %add3A_1154 : i32
    %add3A_1156 = vector.broadcast %add3A_1155 : i32 to vector<16xi32>
    %add3A_1157 = arith.addi %add3A_1156, %iota3A : vector<16xi32>
    %ge3A_1158 = vector.broadcast %mul3A_2 : i32 to vector<16xi32>
    %ge3A_1159 = arith.cmpi sge, %add3A_1157, %ge3A_1158 : vector<16xi32>
    %lt3A_1160 = arith.constant 10000 : i32
    %lt3A_1161 = vector.broadcast %lt3A_1160 : i32 to vector<16xi32>
    %lt3A_1162 = arith.cmpi slt, %add3A_1157, %lt3A_1161 : vector<16xi32>
    %and3A_1163 = arith.andi %ge3A_1159, %lt3A_1162 : vector<16xi1>
    %get3A_1164 = arith.constant 32 : index
    %get3A_1165 = tpu.vector_load %arg15[%get3A_1164] {strides = array<i32>} : memref<384xf32, #tpu.memory_space<vmem>>, vector<16xf32>,
    %get3A_1166 = vector.shape_cast %get3A_1165 : vector<16xf32> to vector<16xf32>
    %jit3A_1167 = arith.constant 0.000000e+00 : f32
    %broadcast_in_dim3A_1168 = vector.broadcast %jit3A_1167 : f32 to vector<16xf32>
    %select_n3A_1169 = arith.select %and3A_1163, %get3A_1166, %broadcast_in_dim3A_1168 : vector<16xi1>, vector<16xf32>
    %add3A_1170 = arith.addf %add3A_1146, %select_n3A_1169 : vector<16xf32>
    %get3A_1171 = arith.constant 32 : index
    %get3A_1172 = tpu.vector_load %arg16[%get3A_1171] {strides = array<i32>} : memref<384xf32, #tpu.memory_space<vmem>>, vector<16xf32>,
    %get3A_1173 = vector.shape_cast %get3A_1172 : vector<16xf32> to vector<16xf32>
    %jit3A_1174 = arith.constant 0.000000e+00 : f32
    %broadcast_in_dim3A_1175 = vector.broadcast %jit3A_1174 : f32 to vector<16xf32>
    %select_n3A_1176 = arith.select %and3A_1163, %get3A_1173, %broadcast_in_dim3A_1175 : vector<16xi1>, vector<16xf32>
    %add3A_1177 = arith.addf %add3A_1153, %select_n3A_1176 : vector<16xf32>
    %add3A_1178 = arith.constant 48 : i32
    %add3A_1179 = arith.addi %min3A_5, %add3A_1178 : i32
    %add3A_1180 = vector.broadcast %add3A_1179 : i32 to vector<16xi32>
    %add3A_1181 = arith.addi %add3A_1180, %iota3A : vector<16xi32>
    %ge3A_1182 = vector.broadcast %mul3A_2 : i32 to vector<16xi32>
    %ge3A_1183 = arith.cmpi sge, %add3A_1181, %ge3A_1182 : vector<16xi32>
    %lt3A_1184 = arith.constant 10000 : i32
    %lt3A_1185 = vector.broadcast %lt3A_1184 : i32 to vector<16xi32>
    %lt3A_1186 = arith.cmpi slt, %add3A_1181, %lt3A_1185 : vector<16xi32>
    %and3A_1187 = arith.andi %ge3A_1183, %lt3A_1186 : vector<16xi1>
    %get3A_1188 = arith.constant 48 : index
    %get3A_1189 = tpu.vector_load %arg15[%get3A_1188] {strides = array<i32>} : memref<384xf32, #tpu.memory_space<vmem>>, vector<16xf32>,
    %get3A_1190 = vector.shape_cast %get3A_1189 : vector<16xf32> to vector<16xf32>
    %jit3A_1191 = arith.constant 0.000000e+00 : f32
    %broadcast_in_dim3A_1192 = vector.broadcast %jit3A_1191 : f32 to vector<16xf32>
    %select_n3A_1193 = arith.select %and3A_1187, %get3A_1190, %broadcast_in_dim3A_1192 : vector<16xi1>, vector<16xf32>
    %add3A_1194 = arith.addf %add3A_1170, %select_n3A_1193 : vector<16xf32>
    %get3A_1195 = arith.constant 48 : index
    %get3A_1196 = tpu.vector_load %arg16[%get3A_1195] {strides = array<i32>} : memref<384xf32, #tpu.memory_space<vmem>>, vector<16xf32>,
    %get3A_1197 = vector.shape_cast %get3A_1196 : vector<16xf32> to vector<16xf32>
    %jit3A_1198 = arith.constant 0.000000e+00 : f32
    %broadcast_in_dim3A_1199 = vector.broadcast %jit3A_1198 : f32 to vector<16xf32>
    %select_n3A_1200 = arith.select %and3A_1187, %get3A_1197, %broadcast_in_dim3A_1199 : vector<16xi1>, vector<16xf32>
    %add3A_1201 = arith.addf %add3A_1177, %select_n3A_1200 : vector<16xf32>
    %add3A_1202 = arith.constant 64 : i32
    %add3A_1203 = arith.addi %min3A_5, %add3A_1202 : i32
    %add3A_1204 = vector.broadcast %add3A_1203 : i32 to vector<16xi32>
    %add3A_1205 = arith.addi %add3A_1204, %iota3A : vector<16xi32>
    %ge3A_1206 = vector.broadcast %mul3A_2 : i32 to vector<16xi32>
    %ge3A_1207 = arith.cmpi sge, %add3A_1205, %ge3A_1206 : vector<16xi32>
    %lt3A_1208 = arith.constant 10000 : i32
    %lt3A_1209 = vector.broadcast %lt3A_1208 : i32 to vector<16xi32>
    %lt3A_1210 = arith.cmpi slt, %add3A_1205, %lt3A_1209 : vector<16xi32>
    %and3A_1211 = arith.andi %ge3A_1207, %lt3A_1210 : vector<16xi1>
    %get3A_1212 = arith.constant 64 : index
    %get3A_1213 = tpu.vector_load %arg15[%get3A_1212] {strides = array<i32>} : memref<384xf32, #tpu.memory_space<vmem>>, vector<16xf32>,
    %get3A_1214 = vector.shape_cast %get3A_1213 : vector<16xf32> to vector<16xf32>
    %jit3A_1215 = arith.constant 0.000000e+00 : f32
    %broadcast_in_dim3A_1216 = vector.broadcast %jit3A_1215 : f32 to vector<16xf32>
    %select_n3A_1217 = arith.select %and3A_1211, %get3A_1214, %broadcast_in_dim3A_1216 : vector<16xi1>, vector<16xf32>
    %add3A_1218 = arith.addf %add3A_1194, %select_n3A_1217 : vector<16xf32>
    %get3A_1219 = arith.constant 64 : index
    %get3A_1220 = tpu.vector_load %arg16[%get3A_1219] {strides = array<i32>} : memref<384xf32, #tpu.memory_space<vmem>>, vector<16xf32>,
    %get3A_1221 = vector.shape_cast %get3A_1220 : vector<16xf32> to vector<16xf32>
    %jit3A_1222 = arith.constant 0.000000e+00 : f32
    %broadcast_in_dim3A_1223 = vector.broadcast %jit3A_1222 : f32 to vector<16xf32>
    %select_n3A_1224 = arith.select %and3A_1211, %get3A_1221, %broadcast_in_dim3A_1223 : vector<16xi1>, vector<16xf32>
    %add3A_1225 = arith.addf %add3A_1201, %select_n3A_1224 : vector<16xf32>
    %add3A_1226 = arith.constant 80 : i32
    %add3A_1227 = arith.addi %min3A_5, %add3A_1226 : i32
    %add3A_1228 = vector.broadcast %add3A_1227 : i32 to vector<16xi32>
    %add3A_1229 = arith.addi %add3A_1228, %iota3A : vector<16xi32>
    %ge3A_1230 = vector.broadcast %mul3A_2 : i32 to vector<16xi32>
    %ge3A_1231 = arith.cmpi sge, %add3A_1229, %ge3A_1230 : vector<16xi32>
    %lt3A_1232 = arith.constant 10000 : i32
    %lt3A_1233 = vector.broadcast %lt3A_1232 : i32 to vector<16xi32>
    %lt3A_1234 = arith.cmpi slt, %add3A_1229, %lt3A_1233 : vector<16xi32>
    %and3A_1235 = arith.andi %ge3A_1231, %lt3A_1234 : vector<16xi1>
    %get3A_1236 = arith.constant 80 : index
    %get3A_1237 = tpu.vector_load %arg15[%get3A_1236] {strides = array<i32>} : memref<384xf32, #tpu.memory_space<vmem>>, vector<16xf32>,
    %get3A_1238 = vector.shape_cast %get3A_1237 : vector<16xf32> to vector<16xf32>
    %jit3A_1239 = arith.constant 0.000000e+00 : f32
    %broadcast_in_dim3A_1240 = vector.broadcast %jit3A_1239 : f32 to vector<16xf32>
    %select_n3A_1241 = arith.select %and3A_1235, %get3A_1238, %broadcast_in_dim3A_1240 : vector<16xi1>, vector<16xf32>
    %add3A_1242 = arith.addf %add3A_1218, %select_n3A_1241 : vector<16xf32>
    %get3A_1243 = arith.constant 80 : index
    %get3A_1244 = tpu.vector_load %arg16[%get3A_1243] {strides = array<i32>} : memref<384xf32, #tpu.memory_space<vmem>>, vector<16xf32>,
    %get3A_1245 = vector.shape_cast %get3A_1244 : vector<16xf32> to vector<16xf32>
    %jit3A_1246 = arith.constant 0.000000e+00 : f32
    %broadcast_in_dim3A_1247 = vector.broadcast %jit3A_1246 : f32 to vector<16xf32>
    %select_n3A_1248 = arith.select %and3A_1235, %get3A_1245, %broadcast_in_dim3A_1247 : vector<16xi1>, vector<16xf32>
    %add3A_1249 = arith.addf %add3A_1225, %select_n3A_1248 : vector<16xf32>
    %add3A_1250 = arith.constant 96 : i32
    %add3A_1251 = arith.addi %min3A_5, %add3A_1250 : i32
    %add3A_1252 = vector.broadcast %add3A_1251 : i32 to vector<16xi32>
    %add3A_1253 = arith.addi %add3A_1252, %iota3A : vector<16xi32>
    %ge3A_1254 = vector.broadcast %mul3A_2 : i32 to vector<16xi32>
    %ge3A_1255 = arith.cmpi sge, %add3A_1253, %ge3A_1254 : vector<16xi32>
    %lt3A_1256 = arith.constant 10000 : i32
    %lt3A_1257 = vector.broadcast %lt3A_1256 : i32 to vector<16xi32>
    %lt3A_1258 = arith.cmpi slt, %add3A_1253, %lt3A_1257 : vector<16xi32>
    %and3A_1259 = arith.andi %ge3A_1255, %lt3A_1258 : vector<16xi1>
    %get3A_1260 = arith.constant 96 : index
    %get3A_1261 = tpu.vector_load %arg15[%get3A_1260] {strides = array<i32>} : memref<384xf32, #tpu.memory_space<vmem>>, vector<16xf32>,
    %get3A_1262 = vector.shape_cast %get3A_1261 : vector<16xf32> to vector<16xf32>
    %jit3A_1263 = arith.constant 0.000000e+00 : f32
    %broadcast_in_dim3A_1264 = vector.broadcast %jit3A_1263 : f32 to vector<16xf32>
    %select_n3A_1265 = arith.select %and3A_1259, %get3A_1262, %broadcast_in_dim3A_1264 : vector<16xi1>, vector<16xf32>
    %add3A_1266 = arith.addf %add3A_1242, %select_n3A_1265 : vector<16xf32>
    %get3A_1267 = arith.constant 96 : index
    %get3A_1268 = tpu.vector_load %arg16[%get3A_1267] {strides = array<i32>} : memref<384xf32, #tpu.memory_space<vmem>>, vector<16xf32>,
    %get3A_1269 = vector.shape_cast %get3A_1268 : vector<16xf32> to vector<16xf32>
    %jit3A_1270 = arith.constant 0.000000e+00 : f32
    %broadcast_in_dim3A_1271 = vector.broadcast %jit3A_1270 : f32 to vector<16xf32>
    %select_n3A_1272 = arith.select %and3A_1259, %get3A_1269, %broadcast_in_dim3A_1271 : vector<16xi1>, vector<16xf32>
    %add3A_1273 = arith.addf %add3A_1249, %select_n3A_1272 : vector<16xf32>
    %add3A_1274 = arith.constant 112 : i32
    %add3A_1275 = arith.addi %min3A_5, %add3A_1274 : i32
    %add3A_1276 = vector.broadcast %add3A_1275 : i32 to vector<16xi32>
    %add3A_1277 = arith.addi %add3A_1276, %iota3A : vector<16xi32>
    %ge3A_1278 = vector.broadcast %mul3A_2 : i32 to vector<16xi32>
    %ge3A_1279 = arith.cmpi sge, %add3A_1277, %ge3A_1278 : vector<16xi32>
    %lt3A_1280 = arith.constant 10000 : i32
    %lt3A_1281 = vector.broadcast %lt3A_1280 : i32 to vector<16xi32>
    %lt3A_1282 = arith.cmpi slt, %add3A_1277, %lt3A_1281 : vector<16xi32>
    %and3A_1283 = arith.andi %ge3A_1279, %lt3A_1282 : vector<16xi1>
    %get3A_1284 = arith.constant 112 : index
    %get3A_1285 = tpu.vector_load %arg15[%get3A_1284] {strides = array<i32>} : memref<384xf32, #tpu.memory_space<vmem>>, vector<16xf32>,
    %get3A_1286 = vector.shape_cast %get3A_1285 : vector<16xf32> to vector<16xf32>
    %jit3A_1287 = arith.constant 0.000000e+00 : f32
    %broadcast_in_dim3A_1288 = vector.broadcast %jit3A_1287 : f32 to vector<16xf32>
    %select_n3A_1289 = arith.select %and3A_1283, %get3A_1286, %broadcast_in_dim3A_1288 : vector<16xi1>, vector<16xf32>
    %add3A_1290 = arith.addf %add3A_1266, %select_n3A_1289 : vector<16xf32>
    %get3A_1291 = arith.constant 112 : index
    %get3A_1292 = tpu.vector_load %arg16[%get3A_1291] {strides = array<i32>} : memref<384xf32, #tpu.memory_space<vmem>>, vector<16xf32>,
    %get3A_1293 = vector.shape_cast %get3A_1292 : vector<16xf32> to vector<16xf32>
    %jit3A_1294 = arith.constant 0.000000e+00 : f32
    %broadcast_in_dim3A_1295 = vector.broadcast %jit3A_1294 : f32 to vector<16xf32>
    %select_n3A_1296 = arith.select %and3A_1283, %get3A_1293, %broadcast_in_dim3A_1295 : vector<16xi1>, vector<16xf32>
    %add3A_1297 = arith.addf %add3A_1273, %select_n3A_1296 : vector<16xf32>
    %add3A_1298 = arith.constant 128 : i32
    %add3A_1299 = arith.addi %min3A_5, %add3A_1298 : i32
    %add3A_1300 = vector.broadcast %add3A_1299 : i32 to vector<16xi32>
    %add3A_1301 = arith.addi %add3A_1300, %iota3A : vector<16xi32>
    %ge3A_1302 = vector.broadcast %mul3A_2 : i32 to vector<16xi32>
    %ge3A_1303 = arith.cmpi sge, %add3A_1301, %ge3A_1302 : vector<16xi32>
    %lt3A_1304 = arith.constant 10000 : i32
    %lt3A_1305 = vector.broadcast %lt3A_1304 : i32 to vector<16xi32>
    %lt3A_1306 = arith.cmpi slt, %add3A_1301, %lt3A_1305 : vector<16xi32>
    %and3A_1307 = arith.andi %ge3A_1303, %lt3A_1306 : vector<16xi1>
    %get3A_1308 = arith.constant 128 : index
    %get3A_1309 = tpu.vector_load %arg15[%get3A_1308] {strides = array<i32>} : memref<384xf32, #tpu.memory_space<vmem>>, vector<16xf32>,
    %get3A_1310 = vector.shape_cast %get3A_1309 : vector<16xf32> to vector<16xf32>
    %jit3A_1311 = arith.constant 0.000000e+00 : f32
    %broadcast_in_dim3A_1312 = vector.broadcast %jit3A_1311 : f32 to vector<16xf32>
    %select_n3A_1313 = arith.select %and3A_1307, %get3A_1310, %broadcast_in_dim3A_1312 : vector<16xi1>, vector<16xf32>
    %add3A_1314 = arith.addf %add3A_1290, %select_n3A_1313 : vector<16xf32>
    %get3A_1315 = arith.constant 128 : index
    %get3A_1316 = tpu.vector_load %arg16[%get3A_1315] {strides = array<i32>} : memref<384xf32, #tpu.memory_space<vmem>>, vector<16xf32>,
    %get3A_1317 = vector.shape_cast %get3A_1316 : vector<16xf32> to vector<16xf32>
    %jit3A_1318 = arith.constant 0.000000e+00 : f32
    %broadcast_in_dim3A_1319 = vector.broadcast %jit3A_1318 : f32 to vector<16xf32>
    %select_n3A_1320 = arith.select %and3A_1307, %get3A_1317, %broadcast_in_dim3A_1319 : vector<16xi1>, vector<16xf32>
    %add3A_1321 = arith.addf %add3A_1297, %select_n3A_1320 : vector<16xf32>
    %add3A_1322 = arith.constant 144 : i32
    %add3A_1323 = arith.addi %min3A_5, %add3A_1322 : i32
    %add3A_1324 = vector.broadcast %add3A_1323 : i32 to vector<16xi32>
    %add3A_1325 = arith.addi %add3A_1324, %iota3A : vector<16xi32>
    %ge3A_1326 = vector.broadcast %mul3A_2 : i32 to vector<16xi32>
    %ge3A_1327 = arith.cmpi sge, %add3A_1325, %ge3A_1326 : vector<16xi32>
    %lt3A_1328 = arith.constant 10000 : i32
    %lt3A_1329 = vector.broadcast %lt3A_1328 : i32 to vector<16xi32>
    %lt3A_1330 = arith.cmpi slt, %add3A_1325, %lt3A_1329 : vector<16xi32>
    %and3A_1331 = arith.andi %ge3A_1327, %lt3A_1330 : vector<16xi1>
    %get3A_1332 = arith.constant 144 : index
    %get3A_1333 = tpu.vector_load %arg15[%get3A_1332] {strides = array<i32>} : memref<384xf32, #tpu.memory_space<vmem>>, vector<16xf32>,
    %get3A_1334 = vector.shape_cast %get3A_1333 : vector<16xf32> to vector<16xf32>
    %jit3A_1335 = arith.constant 0.000000e+00 : f32
    %broadcast_in_dim3A_1336 = vector.broadcast %jit3A_1335 : f32 to vector<16xf32>
    %select_n3A_1337 = arith.select %and3A_1331, %get3A_1334, %broadcast_in_dim3A_1336 : vector<16xi1>, vector<16xf32>
    %add3A_1338 = arith.addf %add3A_1314, %select_n3A_1337 : vector<16xf32>
    %get3A_1339 = arith.constant 144 : index
    %get3A_1340 = tpu.vector_load %arg16[%get3A_1339] {strides = array<i32>} : memref<384xf32, #tpu.memory_space<vmem>>, vector<16xf32>,
    %get3A_1341 = vector.shape_cast %get3A_1340 : vector<16xf32> to vector<16xf32>
    %jit3A_1342 = arith.constant 0.000000e+00 : f32
    %broadcast_in_dim3A_1343 = vector.broadcast %jit3A_1342 : f32 to vector<16xf32>
    %select_n3A_1344 = arith.select %and3A_1331, %get3A_1341, %broadcast_in_dim3A_1343 : vector<16xi1>, vector<16xf32>
    %add3A_1345 = arith.addf %add3A_1321, %select_n3A_1344 : vector<16xf32>
    %add3A_1346 = arith.constant 160 : i32
    %add3A_1347 = arith.addi %min3A_5, %add3A_1346 : i32
    %add3A_1348 = vector.broadcast %add3A_1347 : i32 to vector<16xi32>
    %add3A_1349 = arith.addi %add3A_1348, %iota3A : vector<16xi32>
    %ge3A_1350 = vector.broadcast %mul3A_2 : i32 to vector<16xi32>
    %ge3A_1351 = arith.cmpi sge, %add3A_1349, %ge3A_1350 : vector<16xi32>
    %lt3A_1352 = arith.constant 10000 : i32
    %lt3A_1353 = vector.broadcast %lt3A_1352 : i32 to vector<16xi32>
    %lt3A_1354 = arith.cmpi slt, %add3A_1349, %lt3A_1353 : vector<16xi32>
    %and3A_1355 = arith.andi %ge3A_1351, %lt3A_1354 : vector<16xi1>
    %get3A_1356 = arith.constant 160 : index
    %get3A_1357 = tpu.vector_load %arg15[%get3A_1356] {strides = array<i32>} : memref<384xf32, #tpu.memory_space<vmem>>, vector<16xf32>,
    %get3A_1358 = vector.shape_cast %get3A_1357 : vector<16xf32> to vector<16xf32>
    %jit3A_1359 = arith.constant 0.000000e+00 : f32
    %broadcast_in_dim3A_1360 = vector.broadcast %jit3A_1359 : f32 to vector<16xf32>
    %select_n3A_1361 = arith.select %and3A_1355, %get3A_1358, %broadcast_in_dim3A_1360 : vector<16xi1>, vector<16xf32>
    %add3A_1362 = arith.addf %add3A_1338, %select_n3A_1361 : vector<16xf32>
    %get3A_1363 = arith.constant 160 : index
    %get3A_1364 = tpu.vector_load %arg16[%get3A_1363] {strides = array<i32>} : memref<384xf32, #tpu.memory_space<vmem>>, vector<16xf32>,
    %get3A_1365 = vector.shape_cast %get3A_1364 : vector<16xf32> to vector<16xf32>
    %jit3A_1366 = arith.constant 0.000000e+00 : f32
    %broadcast_in_dim3A_1367 = vector.broadcast %jit3A_1366 : f32 to vector<16xf32>
    %select_n3A_1368 = arith.select %and3A_1355, %get3A_1365, %broadcast_in_dim3A_1367 : vector<16xi1>, vector<16xf32>
    %add3A_1369 = arith.addf %add3A_1345, %select_n3A_1368 : vector<16xf32>
    %add3A_1370 = arith.constant 176 : i32
    %add3A_1371 = arith.addi %min3A_5, %add3A_1370 : i32
    %add3A_1372 = vector.broadcast %add3A_1371 : i32 to vector<16xi32>
    %add3A_1373 = arith.addi %add3A_1372, %iota3A : vector<16xi32>
    %ge3A_1374 = vector.broadcast %mul3A_2 : i32 to vector<16xi32>
    %ge3A_1375 = arith.cmpi sge, %add3A_1373, %ge3A_1374 : vector<16xi32>
    %lt3A_1376 = arith.constant 10000 : i32
    %lt3A_1377 = vector.broadcast %lt3A_1376 : i32 to vector<16xi32>
    %lt3A_1378 = arith.cmpi slt, %add3A_1373, %lt3A_1377 : vector<16xi32>
    %and3A_1379 = arith.andi %ge3A_1375, %lt3A_1378 : vector<16xi1>
    %get3A_1380 = arith.constant 176 : index
    %get3A_1381 = tpu.vector_load %arg15[%get3A_1380] {strides = array<i32>} : memref<384xf32, #tpu.memory_space<vmem>>, vector<16xf32>,
    %get3A_1382 = vector.shape_cast %get3A_1381 : vector<16xf32> to vector<16xf32>
    %jit3A_1383 = arith.constant 0.000000e+00 : f32
    %broadcast_in_dim3A_1384 = vector.broadcast %jit3A_1383 : f32 to vector<16xf32>
    %select_n3A_1385 = arith.select %and3A_1379, %get3A_1382, %broadcast_in_dim3A_1384 : vector<16xi1>, vector<16xf32>
    %add3A_1386 = arith.addf %add3A_1362, %select_n3A_1385 : vector<16xf32>
    %get3A_1387 = arith.constant 176 : index
    %get3A_1388 = tpu.vector_load %arg16[%get3A_1387] {strides = array<i32>} : memref<384xf32, #tpu.memory_space<vmem>>, vector<16xf32>,
    %get3A_1389 = vector.shape_cast %get3A_1388 : vector<16xf32> to vector<16xf32>
    %jit3A_1390 = arith.constant 0.000000e+00 : f32
    %broadcast_in_dim3A_1391 = vector.broadcast %jit3A_1390 : f32 to vector<16xf32>
    %select_n3A_1392 = arith.select %and3A_1379, %get3A_1389, %broadcast_in_dim3A_1391 : vector<16xi1>, vector<16xf32>
    %add3A_1393 = arith.addf %add3A_1369, %select_n3A_1392 : vector<16xf32>
    %add3A_1394 = arith.constant 192 : i32
    %add3A_1395 = arith.addi %min3A_5, %add3A_1394 : i32
    %add3A_1396 = vector.broadcast %add3A_1395 : i32 to vector<16xi32>
    %add3A_1397 = arith.addi %add3A_1396, %iota3A : vector<16xi32>
    %ge3A_1398 = vector.broadcast %mul3A_2 : i32 to vector<16xi32>
    %ge3A_1399 = arith.cmpi sge, %add3A_1397, %ge3A_1398 : vector<16xi32>
    %lt3A_1400 = arith.constant 10000 : i32
    %lt3A_1401 = vector.broadcast %lt3A_1400 : i32 to vector<16xi32>
    %lt3A_1402 = arith.cmpi slt, %add3A_1397, %lt3A_1401 : vector<16xi32>
    %and3A_1403 = arith.andi %ge3A_1399, %lt3A_1402 : vector<16xi1>
    %get3A_1404 = arith.constant 192 : index
    %get3A_1405 = tpu.vector_load %arg15[%get3A_1404] {strides = array<i32>} : memref<384xf32, #tpu.memory_space<vmem>>, vector<16xf32>,
    %get3A_1406 = vector.shape_cast %get3A_1405 : vector<16xf32> to vector<16xf32>
    %jit3A_1407 = arith.constant 0.000000e+00 : f32
    %broadcast_in_dim3A_1408 = vector.broadcast %jit3A_1407 : f32 to vector<16xf32>
    %select_n3A_1409 = arith.select %and3A_1403, %get3A_1406, %broadcast_in_dim3A_1408 : vector<16xi1>, vector<16xf32>
    %add3A_1410 = arith.addf %add3A_1386, %select_n3A_1409 : vector<16xf32>
    %get3A_1411 = arith.constant 192 : index
    %get3A_1412 = tpu.vector_load %arg16[%get3A_1411] {strides = array<i32>} : memref<384xf32, #tpu.memory_space<vmem>>, vector<16xf32>,
    %get3A_1413 = vector.shape_cast %get3A_1412 : vector<16xf32> to vector<16xf32>
    %jit3A_1414 = arith.constant 0.000000e+00 : f32
    %broadcast_in_dim3A_1415 = vector.broadcast %jit3A_1414 : f32 to vector<16xf32>
    %select_n3A_1416 = arith.select %and3A_1403, %get3A_1413, %broadcast_in_dim3A_1415 : vector<16xi1>, vector<16xf32>
    %add3A_1417 = arith.addf %add3A_1393, %select_n3A_1416 : vector<16xf32>
    %add3A_1418 = arith.constant 208 : i32
    %add3A_1419 = arith.addi %min3A_5, %add3A_1418 : i32
    %add3A_1420 = vector.broadcast %add3A_1419 : i32 to vector<16xi32>
    %add3A_1421 = arith.addi %add3A_1420, %iota3A : vector<16xi32>
    %ge3A_1422 = vector.broadcast %mul3A_2 : i32 to vector<16xi32>
    %ge3A_1423 = arith.cmpi sge, %add3A_1421, %ge3A_1422 : vector<16xi32>
    %lt3A_1424 = arith.constant 10000 : i32
    %lt3A_1425 = vector.broadcast %lt3A_1424 : i32 to vector<16xi32>
    %lt3A_1426 = arith.cmpi slt, %add3A_1421, %lt3A_1425 : vector<16xi32>
    %and3A_1427 = arith.andi %ge3A_1423, %lt3A_1426 : vector<16xi1>
    %get3A_1428 = arith.constant 208 : index
    %get3A_1429 = tpu.vector_load %arg15[%get3A_1428] {strides = array<i32>} : memref<384xf32, #tpu.memory_space<vmem>>, vector<16xf32>,
    %get3A_1430 = vector.shape_cast %get3A_1429 : vector<16xf32> to vector<16xf32>
    %jit3A_1431 = arith.constant 0.000000e+00 : f32
    %broadcast_in_dim3A_1432 = vector.broadcast %jit3A_1431 : f32 to vector<16xf32>
    %select_n3A_1433 = arith.select %and3A_1427, %get3A_1430, %broadcast_in_dim3A_1432 : vector<16xi1>, vector<16xf32>
    %add3A_1434 = arith.addf %add3A_1410, %select_n3A_1433 : vector<16xf32>
    %get3A_1435 = arith.constant 208 : index
    %get3A_1436 = tpu.vector_load %arg16[%get3A_1435] {strides = array<i32>} : memref<384xf32, #tpu.memory_space<vmem>>, vector<16xf32>,
    %get3A_1437 = vector.shape_cast %get3A_1436 : vector<16xf32> to vector<16xf32>
    %jit3A_1438 = arith.constant 0.000000e+00 : f32
    %broadcast_in_dim3A_1439 = vector.broadcast %jit3A_1438 : f32 to vector<16xf32>
    %select_n3A_1440 = arith.select %and3A_1427, %get3A_1437, %broadcast_in_dim3A_1439 : vector<16xi1>, vector<16xf32>
    %add3A_1441 = arith.addf %add3A_1417, %select_n3A_1440 : vector<16xf32>
    %add3A_1442 = arith.constant 224 : i32
    %add3A_1443 = arith.addi %min3A_5, %add3A_1442 : i32
    %add3A_1444 = vector.broadcast %add3A_1443 : i32 to vector<16xi32>
    %add3A_1445 = arith.addi %add3A_1444, %iota3A : vector<16xi32>
    %ge3A_1446 = vector.broadcast %mul3A_2 : i32 to vector<16xi32>
    %ge3A_1447 = arith.cmpi sge, %add3A_1445, %ge3A_1446 : vector<16xi32>
    %lt3A_1448 = arith.constant 10000 : i32
    %lt3A_1449 = vector.broadcast %lt3A_1448 : i32 to vector<16xi32>
    %lt3A_1450 = arith.cmpi slt, %add3A_1445, %lt3A_1449 : vector<16xi32>
    %and3A_1451 = arith.andi %ge3A_1447, %lt3A_1450 : vector<16xi1>
    %get3A_1452 = arith.constant 224 : index
    %get3A_1453 = tpu.vector_load %arg15[%get3A_1452] {strides = array<i32>} : memref<384xf32, #tpu.memory_space<vmem>>, vector<16xf32>,
    %get3A_1454 = vector.shape_cast %get3A_1453 : vector<16xf32> to vector<16xf32>
    %jit3A_1455 = arith.constant 0.000000e+00 : f32
    %broadcast_in_dim3A_1456 = vector.broadcast %jit3A_1455 : f32 to vector<16xf32>
    %select_n3A_1457 = arith.select %and3A_1451, %get3A_1454, %broadcast_in_dim3A_1456 : vector<16xi1>, vector<16xf32>
    %add3A_1458 = arith.addf %add3A_1434, %select_n3A_1457 : vector<16xf32>
    %get3A_1459 = arith.constant 224 : index
    %get3A_1460 = tpu.vector_load %arg16[%get3A_1459] {strides = array<i32>} : memref<384xf32, #tpu.memory_space<vmem>>, vector<16xf32>,
    %get3A_1461 = vector.shape_cast %get3A_1460 : vector<16xf32> to vector<16xf32>
    %jit3A_1462 = arith.constant 0.000000e+00 : f32
    %broadcast_in_dim3A_1463 = vector.broadcast %jit3A_1462 : f32 to vector<16xf32>
    %select_n3A_1464 = arith.select %and3A_1451, %get3A_1461, %broadcast_in_dim3A_1463 : vector<16xi1>, vector<16xf32>
    %add3A_1465 = arith.addf %add3A_1441, %select_n3A_1464 : vector<16xf32>
    %add3A_1466 = arith.constant 240 : i32
    %add3A_1467 = arith.addi %min3A_5, %add3A_1466 : i32
    %add3A_1468 = vector.broadcast %add3A_1467 : i32 to vector<16xi32>
    %add3A_1469 = arith.addi %add3A_1468, %iota3A : vector<16xi32>
    %ge3A_1470 = vector.broadcast %mul3A_2 : i32 to vector<16xi32>
    %ge3A_1471 = arith.cmpi sge, %add3A_1469, %ge3A_1470 : vector<16xi32>
    %lt3A_1472 = arith.constant 10000 : i32
    %lt3A_1473 = vector.broadcast %lt3A_1472 : i32 to vector<16xi32>
    %lt3A_1474 = arith.cmpi slt, %add3A_1469, %lt3A_1473 : vector<16xi32>
    %and3A_1475 = arith.andi %ge3A_1471, %lt3A_1474 : vector<16xi1>
    %get3A_1476 = arith.constant 240 : index
    %get3A_1477 = tpu.vector_load %arg15[%get3A_1476] {strides = array<i32>} : memref<384xf32, #tpu.memory_space<vmem>>, vector<16xf32>,
    %get3A_1478 = vector.shape_cast %get3A_1477 : vector<16xf32> to vector<16xf32>
    %jit3A_1479 = arith.constant 0.000000e+00 : f32
    %broadcast_in_dim3A_1480 = vector.broadcast %jit3A_1479 : f32 to vector<16xf32>
    %select_n3A_1481 = arith.select %and3A_1475, %get3A_1478, %broadcast_in_dim3A_1480 : vector<16xi1>, vector<16xf32>
    %add3A_1482 = arith.addf %add3A_1458, %select_n3A_1481 : vector<16xf32>
    %get3A_1483 = arith.constant 240 : index
    %get3A_1484 = tpu.vector_load %arg16[%get3A_1483] {strides = array<i32>} : memref<384xf32, #tpu.memory_space<vmem>>, vector<16xf32>,
    %get3A_1485 = vector.shape_cast %get3A_1484 : vector<16xf32> to vector<16xf32>
    %jit3A_1486 = arith.constant 0.000000e+00 : f32
    %broadcast_in_dim3A_1487 = vector.broadcast %jit3A_1486 : f32 to vector<16xf32>
    %select_n3A_1488 = arith.select %and3A_1475, %get3A_1485, %broadcast_in_dim3A_1487 : vector<16xi1>, vector<16xf32>
    %add3A_1489 = arith.addf %add3A_1465, %select_n3A_1488 : vector<16xf32>
    %add3A_1490 = arith.constant 256 : i32
    %add3A_1491 = arith.addi %min3A_5, %add3A_1490 : i32
    %add3A_1492 = vector.broadcast %add3A_1491 : i32 to vector<16xi32>
    %add3A_1493 = arith.addi %add3A_1492, %iota3A : vector<16xi32>
    %ge3A_1494 = vector.broadcast %mul3A_2 : i32 to vector<16xi32>
    %ge3A_1495 = arith.cmpi sge, %add3A_1493, %ge3A_1494 : vector<16xi32>
    %lt3A_1496 = arith.constant 10000 : i32
    %lt3A_1497 = vector.broadcast %lt3A_1496 : i32 to vector<16xi32>
    %lt3A_1498 = arith.cmpi slt, %add3A_1493, %lt3A_1497 : vector<16xi32>
    %and3A_1499 = arith.andi %ge3A_1495, %lt3A_1498 : vector<16xi1>
    %get3A_1500 = arith.constant 256 : index
    %get3A_1501 = tpu.vector_load %arg15[%get3A_1500] {strides = array<i32>} : memref<384xf32, #tpu.memory_space<vmem>>, vector<16xf32>,
    %get3A_1502 = vector.shape_cast %get3A_1501 : vector<16xf32> to vector<16xf32>
    %jit3A_1503 = arith.constant 0.000000e+00 : f32
    %broadcast_in_dim3A_1504 = vector.broadcast %jit3A_1503 : f32 to vector<16xf32>
    %select_n3A_1505 = arith.select %and3A_1499, %get3A_1502, %broadcast_in_dim3A_1504 : vector<16xi1>, vector<16xf32>
    %add3A_1506 = arith.addf %add3A_1482, %select_n3A_1505 : vector<16xf32>
    %get3A_1507 = arith.constant 256 : index
    %get3A_1508 = tpu.vector_load %arg16[%get3A_1507] {strides = array<i32>} : memref<384xf32, #tpu.memory_space<vmem>>, vector<16xf32>,
    %get3A_1509 = vector.shape_cast %get3A_1508 : vector<16xf32> to vector<16xf32>
    %jit3A_1510 = arith.constant 0.000000e+00 : f32
    %broadcast_in_dim3A_1511 = vector.broadcast %jit3A_1510 : f32 to vector<16xf32>
    %select_n3A_1512 = arith.select %and3A_1499, %get3A_1509, %broadcast_in_dim3A_1511 : vector<16xi1>, vector<16xf32>
    %add3A_1513 = arith.addf %add3A_1489, %select_n3A_1512 : vector<16xf32>
    %add3A_1514 = arith.constant 272 : i32
    %add3A_1515 = arith.addi %min3A_5, %add3A_1514 : i32
    %add3A_1516 = vector.broadcast %add3A_1515 : i32 to vector<16xi32>
    %add3A_1517 = arith.addi %add3A_1516, %iota3A : vector<16xi32>
    %ge3A_1518 = vector.broadcast %mul3A_2 : i32 to vector<16xi32>
    %ge3A_1519 = arith.cmpi sge, %add3A_1517, %ge3A_1518 : vector<16xi32>
    %lt3A_1520 = arith.constant 10000 : i32
    %lt3A_1521 = vector.broadcast %lt3A_1520 : i32 to vector<16xi32>
    %lt3A_1522 = arith.cmpi slt, %add3A_1517, %lt3A_1521 : vector<16xi32>
    %and3A_1523 = arith.andi %ge3A_1519, %lt3A_1522 : vector<16xi1>
    %get3A_1524 = arith.constant 272 : index
    %get3A_1525 = tpu.vector_load %arg15[%get3A_1524] {strides = array<i32>} : memref<384xf32, #tpu.memory_space<vmem>>, vector<16xf32>,
    %get3A_1526 = vector.shape_cast %get3A_1525 : vector<16xf32> to vector<16xf32>
    %jit3A_1527 = arith.constant 0.000000e+00 : f32
    %broadcast_in_dim3A_1528 = vector.broadcast %jit3A_1527 : f32 to vector<16xf32>
    %select_n3A_1529 = arith.select %and3A_1523, %get3A_1526, %broadcast_in_dim3A_1528 : vector<16xi1>, vector<16xf32>
    %add3A_1530 = arith.addf %add3A_1506, %select_n3A_1529 : vector<16xf32>
    %get3A_1531 = arith.constant 272 : index
    %get3A_1532 = tpu.vector_load %arg16[%get3A_1531] {strides = array<i32>} : memref<384xf32, #tpu.memory_space<vmem>>, vector<16xf32>,
    %get3A_1533 = vector.shape_cast %get3A_1532 : vector<16xf32> to vector<16xf32>
    %jit3A_1534 = arith.constant 0.000000e+00 : f32
    %broadcast_in_dim3A_1535 = vector.broadcast %jit3A_1534 : f32 to vector<16xf32>
    %select_n3A_1536 = arith.select %and3A_1523, %get3A_1533, %broadcast_in_dim3A_1535 : vector<16xi1>, vector<16xf32>
    %add3A_1537 = arith.addf %add3A_1513, %select_n3A_1536 : vector<16xf32>
    %add3A_1538 = arith.constant 288 : i32
    %add3A_1539 = arith.addi %min3A_5, %add3A_1538 : i32
    %add3A_1540 = vector.broadcast %add3A_1539 : i32 to vector<16xi32>
    %add3A_1541 = arith.addi %add3A_1540, %iota3A : vector<16xi32>
    %ge3A_1542 = vector.broadcast %mul3A_2 : i32 to vector<16xi32>
    %ge3A_1543 = arith.cmpi sge, %add3A_1541, %ge3A_1542 : vector<16xi32>
    %lt3A_1544 = arith.constant 10000 : i32
    %lt3A_1545 = vector.broadcast %lt3A_1544 : i32 to vector<16xi32>
    %lt3A_1546 = arith.cmpi slt, %add3A_1541, %lt3A_1545 : vector<16xi32>
    %and3A_1547 = arith.andi %ge3A_1543, %lt3A_1546 : vector<16xi1>
    %get3A_1548 = arith.constant 288 : index
    %get3A_1549 = tpu.vector_load %arg15[%get3A_1548] {strides = array<i32>} : memref<384xf32, #tpu.memory_space<vmem>>, vector<16xf32>,
    %get3A_1550 = vector.shape_cast %get3A_1549 : vector<16xf32> to vector<16xf32>
    %jit3A_1551 = arith.constant 0.000000e+00 : f32
    %broadcast_in_dim3A_1552 = vector.broadcast %jit3A_1551 : f32 to vector<16xf32>
    %select_n3A_1553 = arith.select %and3A_1547, %get3A_1550, %broadcast_in_dim3A_1552 : vector<16xi1>, vector<16xf32>
    %add3A_1554 = arith.addf %add3A_1530, %select_n3A_1553 : vector<16xf32>
    %get3A_1555 = arith.constant 288 : index
    %get3A_1556 = tpu.vector_load %arg16[%get3A_1555] {strides = array<i32>} : memref<384xf32, #tpu.memory_space<vmem>>, vector<16xf32>,
    %get3A_1557 = vector.shape_cast %get3A_1556 : vector<16xf32> to vector<16xf32>
    %jit3A_1558 = arith.constant 0.000000e+00 : f32
    %broadcast_in_dim3A_1559 = vector.broadcast %jit3A_1558 : f32 to vector<16xf32>
    %select_n3A_1560 = arith.select %and3A_1547, %get3A_1557, %broadcast_in_dim3A_1559 : vector<16xi1>, vector<16xf32>
    %add3A_1561 = arith.addf %add3A_1537, %select_n3A_1560 : vector<16xf32>
    %add3A_1562 = arith.constant 304 : i32
    %add3A_1563 = arith.addi %min3A_5, %add3A_1562 : i32
    %add3A_1564 = vector.broadcast %add3A_1563 : i32 to vector<16xi32>
    %add3A_1565 = arith.addi %add3A_1564, %iota3A : vector<16xi32>
    %ge3A_1566 = vector.broadcast %mul3A_2 : i32 to vector<16xi32>
    %ge3A_1567 = arith.cmpi sge, %add3A_1565, %ge3A_1566 : vector<16xi32>
    %lt3A_1568 = arith.constant 10000 : i32
    %lt3A_1569 = vector.broadcast %lt3A_1568 : i32 to vector<16xi32>
    %lt3A_1570 = arith.cmpi slt, %add3A_1565, %lt3A_1569 : vector<16xi32>
    %and3A_1571 = arith.andi %ge3A_1567, %lt3A_1570 : vector<16xi1>
    %get3A_1572 = arith.constant 304 : index
    %get3A_1573 = tpu.vector_load %arg15[%get3A_1572] {strides = array<i32>} : memref<384xf32, #tpu.memory_space<vmem>>, vector<16xf32>,
    %get3A_1574 = vector.shape_cast %get3A_1573 : vector<16xf32> to vector<16xf32>
    %jit3A_1575 = arith.constant 0.000000e+00 : f32
    %broadcast_in_dim3A_1576 = vector.broadcast %jit3A_1575 : f32 to vector<16xf32>
    %select_n3A_1577 = arith.select %and3A_1571, %get3A_1574, %broadcast_in_dim3A_1576 : vector<16xi1>, vector<16xf32>
    %add3A_1578 = arith.addf %add3A_1554, %select_n3A_1577 : vector<16xf32>
    %get3A_1579 = arith.constant 304 : index
    %get3A_1580 = tpu.vector_load %arg16[%get3A_1579] {strides = array<i32>} : memref<384xf32, #tpu.memory_space<vmem>>, vector<16xf32>,
    %get3A_1581 = vector.shape_cast %get3A_1580 : vector<16xf32> to vector<16xf32>
    %jit3A_1582 = arith.constant 0.000000e+00 : f32
    %broadcast_in_dim3A_1583 = vector.broadcast %jit3A_1582 : f32 to vector<16xf32>
    %select_n3A_1584 = arith.select %and3A_1571, %get3A_1581, %broadcast_in_dim3A_1583 : vector<16xi1>, vector<16xf32>
    %add3A_1585 = arith.addf %add3A_1561, %select_n3A_1584 : vector<16xf32>
    %add3A_1586 = arith.constant 320 : i32
    %add3A_1587 = arith.addi %min3A_5, %add3A_1586 : i32
    %add3A_1588 = vector.broadcast %add3A_1587 : i32 to vector<16xi32>
    %add3A_1589 = arith.addi %add3A_1588, %iota3A : vector<16xi32>
    %ge3A_1590 = vector.broadcast %mul3A_2 : i32 to vector<16xi32>
    %ge3A_1591 = arith.cmpi sge, %add3A_1589, %ge3A_1590 : vector<16xi32>
    %lt3A_1592 = arith.constant 10000 : i32
    %lt3A_1593 = vector.broadcast %lt3A_1592 : i32 to vector<16xi32>
    %lt3A_1594 = arith.cmpi slt, %add3A_1589, %lt3A_1593 : vector<16xi32>
    %and3A_1595 = arith.andi %ge3A_1591, %lt3A_1594 : vector<16xi1>
    %get3A_1596 = arith.constant 320 : index
    %get3A_1597 = tpu.vector_load %arg15[%get3A_1596] {strides = array<i32>} : memref<384xf32, #tpu.memory_space<vmem>>, vector<16xf32>,
    %get3A_1598 = vector.shape_cast %get3A_1597 : vector<16xf32> to vector<16xf32>
    %jit3A_1599 = arith.constant 0.000000e+00 : f32
    %broadcast_in_dim3A_1600 = vector.broadcast %jit3A_1599 : f32 to vector<16xf32>
    %select_n3A_1601 = arith.select %and3A_1595, %get3A_1598, %broadcast_in_dim3A_1600 : vector<16xi1>, vector<16xf32>
    %add3A_1602 = arith.addf %add3A_1578, %select_n3A_1601 : vector<16xf32>
    %get3A_1603 = arith.constant 320 : index
    %get3A_1604 = tpu.vector_load %arg16[%get3A_1603] {strides = array<i32>} : memref<384xf32, #tpu.memory_space<vmem>>, vector<16xf32>,
    %get3A_1605 = vector.shape_cast %get3A_1604 : vector<16xf32> to vector<16xf32>
    %jit3A_1606 = arith.constant 0.000000e+00 : f32
    %broadcast_in_dim3A_1607 = vector.broadcast %jit3A_1606 : f32 to vector<16xf32>
    %select_n3A_1608 = arith.select %and3A_1595, %get3A_1605, %broadcast_in_dim3A_1607 : vector<16xi1>, vector<16xf32>
    %add3A_1609 = arith.addf %add3A_1585, %select_n3A_1608 : vector<16xf32>
    %add3A_1610 = arith.constant 336 : i32
    %add3A_1611 = arith.addi %min3A_5, %add3A_1610 : i32
    %add3A_1612 = vector.broadcast %add3A_1611 : i32 to vector<16xi32>
    %add3A_1613 = arith.addi %add3A_1612, %iota3A : vector<16xi32>
    %ge3A_1614 = vector.broadcast %mul3A_2 : i32 to vector<16xi32>
    %ge3A_1615 = arith.cmpi sge, %add3A_1613, %ge3A_1614 : vector<16xi32>
    %lt3A_1616 = arith.constant 10000 : i32
    %lt3A_1617 = vector.broadcast %lt3A_1616 : i32 to vector<16xi32>
    %lt3A_1618 = arith.cmpi slt, %add3A_1613, %lt3A_1617 : vector<16xi32>
    %and3A_1619 = arith.andi %ge3A_1615, %lt3A_1618 : vector<16xi1>
    %get3A_1620 = arith.constant 336 : index
    %get3A_1621 = tpu.vector_load %arg15[%get3A_1620] {strides = array<i32>} : memref<384xf32, #tpu.memory_space<vmem>>, vector<16xf32>,
    %get3A_1622 = vector.shape_cast %get3A_1621 : vector<16xf32> to vector<16xf32>
    %jit3A_1623 = arith.constant 0.000000e+00 : f32
    %broadcast_in_dim3A_1624 = vector.broadcast %jit3A_1623 : f32 to vector<16xf32>
    %select_n3A_1625 = arith.select %and3A_1619, %get3A_1622, %broadcast_in_dim3A_1624 : vector<16xi1>, vector<16xf32>
    %add3A_1626 = arith.addf %add3A_1602, %select_n3A_1625 : vector<16xf32>
    %get3A_1627 = arith.constant 336 : index
    %get3A_1628 = tpu.vector_load %arg16[%get3A_1627] {strides = array<i32>} : memref<384xf32, #tpu.memory_space<vmem>>, vector<16xf32>,
    %get3A_1629 = vector.shape_cast %get3A_1628 : vector<16xf32> to vector<16xf32>
    %jit3A_1630 = arith.constant 0.000000e+00 : f32
    %broadcast_in_dim3A_1631 = vector.broadcast %jit3A_1630 : f32 to vector<16xf32>
    %select_n3A_1632 = arith.select %and3A_1619, %get3A_1629, %broadcast_in_dim3A_1631 : vector<16xi1>, vector<16xf32>
    %add3A_1633 = arith.addf %add3A_1609, %select_n3A_1632 : vector<16xf32>
    %add3A_1634 = arith.constant 352 : i32
    %add3A_1635 = arith.addi %min3A_5, %add3A_1634 : i32
    %add3A_1636 = vector.broadcast %add3A_1635 : i32 to vector<16xi32>
    %add3A_1637 = arith.addi %add3A_1636, %iota3A : vector<16xi32>
    %ge3A_1638 = vector.broadcast %mul3A_2 : i32 to vector<16xi32>
    %ge3A_1639 = arith.cmpi sge, %add3A_1637, %ge3A_1638 : vector<16xi32>
    %lt3A_1640 = arith.constant 10000 : i32
    %lt3A_1641 = vector.broadcast %lt3A_1640 : i32 to vector<16xi32>
    %lt3A_1642 = arith.cmpi slt, %add3A_1637, %lt3A_1641 : vector<16xi32>
    %and3A_1643 = arith.andi %ge3A_1639, %lt3A_1642 : vector<16xi1>
    %get3A_1644 = arith.constant 352 : index
    %get3A_1645 = tpu.vector_load %arg15[%get3A_1644] {strides = array<i32>} : memref<384xf32, #tpu.memory_space<vmem>>, vector<16xf32>,
    %get3A_1646 = vector.shape_cast %get3A_1645 : vector<16xf32> to vector<16xf32>
    %jit3A_1647 = arith.constant 0.000000e+00 : f32
    %broadcast_in_dim3A_1648 = vector.broadcast %jit3A_1647 : f32 to vector<16xf32>
    %select_n3A_1649 = arith.select %and3A_1643, %get3A_1646, %broadcast_in_dim3A_1648 : vector<16xi1>, vector<16xf32>
    %add3A_1650 = arith.addf %add3A_1626, %select_n3A_1649 : vector<16xf32>
    %get3A_1651 = arith.constant 352 : index
    %get3A_1652 = tpu.vector_load %arg16[%get3A_1651] {strides = array<i32>} : memref<384xf32, #tpu.memory_space<vmem>>, vector<16xf32>,
    %get3A_1653 = vector.shape_cast %get3A_1652 : vector<16xf32> to vector<16xf32>
    %jit3A_1654 = arith.constant 0.000000e+00 : f32
    %broadcast_in_dim3A_1655 = vector.broadcast %jit3A_1654 : f32 to vector<16xf32>
    %select_n3A_1656 = arith.select %and3A_1643, %get3A_1653, %broadcast_in_dim3A_1655 : vector<16xi1>, vector<16xf32>
    %add3A_1657 = arith.addf %add3A_1633, %select_n3A_1656 : vector<16xf32>
    %add3A_1658 = arith.constant 368 : i32
    %add3A_1659 = arith.addi %min3A_5, %add3A_1658 : i32
    %add3A_1660 = vector.broadcast %add3A_1659 : i32 to vector<16xi32>
    %add3A_1661 = arith.addi %add3A_1660, %iota3A : vector<16xi32>
    %ge3A_1662 = vector.broadcast %mul3A_2 : i32 to vector<16xi32>
    %ge3A_1663 = arith.cmpi sge, %add3A_1661, %ge3A_1662 : vector<16xi32>
    %lt3A_1664 = arith.constant 10000 : i32
    %lt3A_1665 = vector.broadcast %lt3A_1664 : i32 to vector<16xi32>
    %lt3A_1666 = arith.cmpi slt, %add3A_1661, %lt3A_1665 : vector<16xi32>
    %and3A_1667 = arith.andi %ge3A_1663, %lt3A_1666 : vector<16xi1>
    %get3A_1668 = arith.constant 368 : index
    %get3A_1669 = tpu.vector_load %arg15[%get3A_1668] {strides = array<i32>} : memref<384xf32, #tpu.memory_space<vmem>>, vector<16xf32>,
    %get3A_1670 = vector.shape_cast %get3A_1669 : vector<16xf32> to vector<16xf32>
    %jit3A_1671 = arith.constant 0.000000e+00 : f32
    %broadcast_in_dim3A_1672 = vector.broadcast %jit3A_1671 : f32 to vector<16xf32>
    %select_n3A_1673 = arith.select %and3A_1667, %get3A_1670, %broadcast_in_dim3A_1672 : vector<16xi1>, vector<16xf32>
    %add3A_1674 = arith.addf %add3A_1650, %select_n3A_1673 : vector<16xf32>
    %get3A_1675 = arith.constant 368 : index
    %get3A_1676 = tpu.vector_load %arg16[%get3A_1675] {strides = array<i32>} : memref<384xf32, #tpu.memory_space<vmem>>, vector<16xf32>,
    %get3A_1677 = vector.shape_cast %get3A_1676 : vector<16xf32> to vector<16xf32>
    %jit3A_1678 = arith.constant 0.000000e+00 : f32
    %broadcast_in_dim3A_1679 = vector.broadcast %jit3A_1678 : f32 to vector<16xf32>
    %select_n3A_1680 = arith.select %and3A_1667, %get3A_1677, %broadcast_in_dim3A_1679 : vector<16xi1>, vector<16xf32>
    %add3A_1681 = arith.addf %add3A_1657, %select_n3A_1680 : vector<16xf32>
    %add3A_1682 = arith.constant 0 : i32
    %add3A_1683 = arith.addi %min3A_7, %add3A_1682 : i32
    %add3A_1684 = vector.broadcast %add3A_1683 : i32 to vector<16xi32>
    %add3A_1685 = arith.addi %add3A_1684, %iota3A : vector<16xi32>
    %ge3A_1686 = vector.broadcast %mul3A_4 : i32 to vector<16xi32>
    %ge3A_1687 = arith.cmpi sge, %add3A_1685, %ge3A_1686 : vector<16xi32>
    %lt3A_1688 = arith.constant 4000 : i32
    %lt3A_1689 = vector.broadcast %lt3A_1688 : i32 to vector<16xi32>
    %lt3A_1690 = arith.cmpi slt, %add3A_1685, %lt3A_1689 : vector<16xi32>
    %and3A_1691 = arith.andi %ge3A_1687, %lt3A_1690 : vector<16xi1>
    %get3A_1692 = arith.constant 0 : index
    %get3A_1693 = tpu.vector_load %arg17[%get3A_1692] {strides = array<i32>} : memref<128xf32, #tpu.memory_space<vmem>>, vector<16xf32>,
    %get3A_1694 = vector.shape_cast %get3A_1693 : vector<16xf32> to vector<16xf32>
    %jit3A_1695 = arith.constant 0.000000e+00 : f32
    %broadcast_in_dim3A_1696 = vector.broadcast %jit3A_1695 : f32 to vector<16xf32>
    %select_n3A_1697 = arith.select %and3A_1691, %get3A_1694, %broadcast_in_dim3A_1696 : vector<16xi1>, vector<16xf32>
    %add3A_1698 = arith.addf %broadcast_in_dim3A_1109, %select_n3A_1697 : vector<16xf32>
    %add3A_1699 = arith.constant 16 : i32
    %add3A_1700 = arith.addi %min3A_7, %add3A_1699 : i32
    %add3A_1701 = vector.broadcast %add3A_1700 : i32 to vector<16xi32>
    %add3A_1702 = arith.addi %add3A_1701, %iota3A : vector<16xi32>
    %ge3A_1703 = vector.broadcast %mul3A_4 : i32 to vector<16xi32>
    %ge3A_1704 = arith.cmpi sge, %add3A_1702, %ge3A_1703 : vector<16xi32>
    %lt3A_1705 = arith.constant 4000 : i32
    %lt3A_1706 = vector.broadcast %lt3A_1705 : i32 to vector<16xi32>
    %lt3A_1707 = arith.cmpi slt, %add3A_1702, %lt3A_1706 : vector<16xi32>
    %and3A_1708 = arith.andi %ge3A_1704, %lt3A_1707 : vector<16xi1>
    %get3A_1709 = arith.constant 16 : index
    %get3A_1710 = tpu.vector_load %arg17[%get3A_1709] {strides = array<i32>} : memref<128xf32, #tpu.memory_space<vmem>>, vector<16xf32>,
    %get3A_1711 = vector.shape_cast %get3A_1710 : vector<16xf32> to vector<16xf32>
    %jit3A_1712 = arith.constant 0.000000e+00 : f32
    %broadcast_in_dim3A_1713 = vector.broadcast %jit3A_1712 : f32 to vector<16xf32>
    %select_n3A_1714 = arith.select %and3A_1708, %get3A_1711, %broadcast_in_dim3A_1713 : vector<16xi1>, vector<16xf32>
    %add3A_1715 = arith.addf %add3A_1698, %select_n3A_1714 : vector<16xf32>
    %add3A_1716 = arith.constant 32 : i32
    %add3A_1717 = arith.addi %min3A_7, %add3A_1716 : i32
    %add3A_1718 = vector.broadcast %add3A_1717 : i32 to vector<16xi32>
    %add3A_1719 = arith.addi %add3A_1718, %iota3A : vector<16xi32>
    %ge3A_1720 = vector.broadcast %mul3A_4 : i32 to vector<16xi32>
    %ge3A_1721 = arith.cmpi sge, %add3A_1719, %ge3A_1720 : vector<16xi32>
    %lt3A_1722 = arith.constant 4000 : i32
    %lt3A_1723 = vector.broadcast %lt3A_1722 : i32 to vector<16xi32>
    %lt3A_1724 = arith.cmpi slt, %add3A_1719, %lt3A_1723 : vector<16xi32>
    %and3A_1725 = arith.andi %ge3A_1721, %lt3A_1724 : vector<16xi1>
    %get3A_1726 = arith.constant 32 : index
    %get3A_1727 = tpu.vector_load %arg17[%get3A_1726] {strides = array<i32>} : memref<128xf32, #tpu.memory_space<vmem>>, vector<16xf32>,
    %get3A_1728 = vector.shape_cast %get3A_1727 : vector<16xf32> to vector<16xf32>
    %jit3A_1729 = arith.constant 0.000000e+00 : f32
    %broadcast_in_dim3A_1730 = vector.broadcast %jit3A_1729 : f32 to vector<16xf32>
    %select_n3A_1731 = arith.select %and3A_1725, %get3A_1728, %broadcast_in_dim3A_1730 : vector<16xi1>, vector<16xf32>
    %add3A_1732 = arith.addf %add3A_1715, %select_n3A_1731 : vector<16xf32>
    %add3A_1733 = arith.constant 48 : i32
    %add3A_1734 = arith.addi %min3A_7, %add3A_1733 : i32
    %add3A_1735 = vector.broadcast %add3A_1734 : i32 to vector<16xi32>
    %add3A_1736 = arith.addi %add3A_1735, %iota3A : vector<16xi32>
    %ge3A_1737 = vector.broadcast %mul3A_4 : i32 to vector<16xi32>
    %ge3A_1738 = arith.cmpi sge, %add3A_1736, %ge3A_1737 : vector<16xi32>
    %lt3A_1739 = arith.constant 4000 : i32
    %lt3A_1740 = vector.broadcast %lt3A_1739 : i32 to vector<16xi32>
    %lt3A_1741 = arith.cmpi slt, %add3A_1736, %lt3A_1740 : vector<16xi32>
    %and3A_1742 = arith.andi %ge3A_1738, %lt3A_1741 : vector<16xi1>
    %get3A_1743 = arith.constant 48 : index
    %get3A_1744 = tpu.vector_load %arg17[%get3A_1743] {strides = array<i32>} : memref<128xf32, #tpu.memory_space<vmem>>, vector<16xf32>,
    %get3A_1745 = vector.shape_cast %get3A_1744 : vector<16xf32> to vector<16xf32>
    %jit3A_1746 = arith.constant 0.000000e+00 : f32
    %broadcast_in_dim3A_1747 = vector.broadcast %jit3A_1746 : f32 to vector<16xf32>
    %select_n3A_1748 = arith.select %and3A_1742, %get3A_1745, %broadcast_in_dim3A_1747 : vector<16xi1>, vector<16xf32>
    %add3A_1749 = arith.addf %add3A_1732, %select_n3A_1748 : vector<16xf32>
    %add3A_1750 = arith.constant 64 : i32
    %add3A_1751 = arith.addi %min3A_7, %add3A_1750 : i32
    %add3A_1752 = vector.broadcast %add3A_1751 : i32 to vector<16xi32>
    %add3A_1753 = arith.addi %add3A_1752, %iota3A : vector<16xi32>
    %ge3A_1754 = vector.broadcast %mul3A_4 : i32 to vector<16xi32>
    %ge3A_1755 = arith.cmpi sge, %add3A_1753, %ge3A_1754 : vector<16xi32>
    %lt3A_1756 = arith.constant 4000 : i32
    %lt3A_1757 = vector.broadcast %lt3A_1756 : i32 to vector<16xi32>
    %lt3A_1758 = arith.cmpi slt, %add3A_1753, %lt3A_1757 : vector<16xi32>
    %and3A_1759 = arith.andi %ge3A_1755, %lt3A_1758 : vector<16xi1>
    %get3A_1760 = arith.constant 64 : index
    %get3A_1761 = tpu.vector_load %arg17[%get3A_1760] {strides = array<i32>} : memref<128xf32, #tpu.memory_space<vmem>>, vector<16xf32>,
    %get3A_1762 = vector.shape_cast %get3A_1761 : vector<16xf32> to vector<16xf32>
    %jit3A_1763 = arith.constant 0.000000e+00 : f32
    %broadcast_in_dim3A_1764 = vector.broadcast %jit3A_1763 : f32 to vector<16xf32>
    %select_n3A_1765 = arith.select %and3A_1759, %get3A_1762, %broadcast_in_dim3A_1764 : vector<16xi1>, vector<16xf32>
    %add3A_1766 = arith.addf %add3A_1749, %select_n3A_1765 : vector<16xf32>
    %add3A_1767 = arith.constant 80 : i32
    %add3A_1768 = arith.addi %min3A_7, %add3A_1767 : i32
    %add3A_1769 = vector.broadcast %add3A_1768 : i32 to vector<16xi32>
    %add3A_1770 = arith.addi %add3A_1769, %iota3A : vector<16xi32>
    %ge3A_1771 = vector.broadcast %mul3A_4 : i32 to vector<16xi32>
    %ge3A_1772 = arith.cmpi sge, %add3A_1770, %ge3A_1771 : vector<16xi32>
    %lt3A_1773 = arith.constant 4000 : i32
    %lt3A_1774 = vector.broadcast %lt3A_1773 : i32 to vector<16xi32>
    %lt3A_1775 = arith.cmpi slt, %add3A_1770, %lt3A_1774 : vector<16xi32>
    %and3A_1776 = arith.andi %ge3A_1772, %lt3A_1775 : vector<16xi1>
    %get3A_1777 = arith.constant 80 : index
    %get3A_1778 = tpu.vector_load %arg17[%get3A_1777] {strides = array<i32>} : memref<128xf32, #tpu.memory_space<vmem>>, vector<16xf32>,
    %get3A_1779 = vector.shape_cast %get3A_1778 : vector<16xf32> to vector<16xf32>
    %jit3A_1780 = arith.constant 0.000000e+00 : f32
    %broadcast_in_dim3A_1781 = vector.broadcast %jit3A_1780 : f32 to vector<16xf32>
    %select_n3A_1782 = arith.select %and3A_1776, %get3A_1779, %broadcast_in_dim3A_1781 : vector<16xi1>, vector<16xf32>
    %add3A_1783 = arith.addf %add3A_1766, %select_n3A_1782 : vector<16xf32>
    %add3A_1784 = arith.constant 96 : i32
    %add3A_1785 = arith.addi %min3A_7, %add3A_1784 : i32
    %add3A_1786 = vector.broadcast %add3A_1785 : i32 to vector<16xi32>
    %add3A_1787 = arith.addi %add3A_1786, %iota3A : vector<16xi32>
    %ge3A_1788 = vector.broadcast %mul3A_4 : i32 to vector<16xi32>
    %ge3A_1789 = arith.cmpi sge, %add3A_1787, %ge3A_1788 : vector<16xi32>
    %lt3A_1790 = arith.constant 4000 : i32
    %lt3A_1791 = vector.broadcast %lt3A_1790 : i32 to vector<16xi32>
    %lt3A_1792 = arith.cmpi slt, %add3A_1787, %lt3A_1791 : vector<16xi32>
    %and3A_1793 = arith.andi %ge3A_1789, %lt3A_1792 : vector<16xi1>
    %get3A_1794 = arith.constant 96 : index
    %get3A_1795 = tpu.vector_load %arg17[%get3A_1794] {strides = array<i32>} : memref<128xf32, #tpu.memory_space<vmem>>, vector<16xf32>,
    %get3A_1796 = vector.shape_cast %get3A_1795 : vector<16xf32> to vector<16xf32>
    %jit3A_1797 = arith.constant 0.000000e+00 : f32
    %broadcast_in_dim3A_1798 = vector.broadcast %jit3A_1797 : f32 to vector<16xf32>
    %select_n3A_1799 = arith.select %and3A_1793, %get3A_1796, %broadcast_in_dim3A_1798 : vector<16xi1>, vector<16xf32>
    %add3A_1800 = arith.addf %add3A_1783, %select_n3A_1799 : vector<16xf32>
    %add3A_1801 = arith.constant 112 : i32
    %add3A_1802 = arith.addi %min3A_7, %add3A_1801 : i32
    %add3A_1803 = vector.broadcast %add3A_1802 : i32 to vector<16xi32>
    %add3A_1804 = arith.addi %add3A_1803, %iota3A : vector<16xi32>
    %ge3A_1805 = vector.broadcast %mul3A_4 : i32 to vector<16xi32>
    %ge3A_1806 = arith.cmpi sge, %add3A_1804, %ge3A_1805 : vector<16xi32>
    %lt3A_1807 = arith.constant 4000 : i32
    %lt3A_1808 = vector.broadcast %lt3A_1807 : i32 to vector<16xi32>
    %lt3A_1809 = arith.cmpi slt, %add3A_1804, %lt3A_1808 : vector<16xi32>
    %and3A_1810 = arith.andi %ge3A_1806, %lt3A_1809 : vector<16xi1>
    %get3A_1811 = arith.constant 112 : index
    %get3A_1812 = tpu.vector_load %arg17[%get3A_1811] {strides = array<i32>} : memref<128xf32, #tpu.memory_space<vmem>>, vector<16xf32>,
    %get3A_1813 = vector.shape_cast %get3A_1812 : vector<16xf32> to vector<16xf32>
    %jit3A_1814 = arith.constant 0.000000e+00 : f32
    %broadcast_in_dim3A_1815 = vector.broadcast %jit3A_1814 : f32 to vector<16xf32>
    %select_n3A_1816 = arith.select %and3A_1810, %get3A_1813, %broadcast_in_dim3A_1815 : vector<16xi1>, vector<16xf32>
    %add3A_1817 = arith.addf %add3A_1800, %select_n3A_1816 : vector<16xf32>
    %swap3A_1818 = arith.constant 0 : index
    %swap3A_1819 = tpu.vector_load %arg18[%swap3A_1818] {strides = array<i32>} : memref<48xf32, #tpu.memory_space<vmem>>, vector<16xf32>,
    %swap3A_1820 = vector.shape_cast %swap3A_1819 : vector<16xf32> to vector<16xf32>
    %swap3A_1821 = vector.shape_cast %add3A_1674 : vector<16xf32> to vector<16xf32>
    tpu.vector_store %arg18[%swap3A_1818], %swap3A_1821 {strides = array<i32>} : memref<48xf32, #tpu.memory_space<vmem>>, vector<16xf32>,
    %swap3A_1822 = arith.constant 16 : index
    %swap3A_1823 = tpu.vector_load %arg18[%swap3A_1822] {strides = array<i32>} : memref<48xf32, #tpu.memory_space<vmem>>, vector<16xf32>,
    %swap3A_1824 = vector.shape_cast %swap3A_1823 : vector<16xf32> to vector<16xf32>
    %swap3A_1825 = vector.shape_cast %add3A_1681 : vector<16xf32> to vector<16xf32>
    tpu.vector_store %arg18[%swap3A_1822], %swap3A_1825 {strides = array<i32>} : memref<48xf32, #tpu.memory_space<vmem>>, vector<16xf32>,
    %swap3A_1826 = arith.constant 32 : index
    %swap3A_1827 = tpu.vector_load %arg18[%swap3A_1826] {strides = array<i32>} : memref<48xf32, #tpu.memory_space<vmem>>, vector<16xf32>,
    %swap3A_1828 = vector.shape_cast %swap3A_1827 : vector<16xf32> to vector<16xf32>
    %swap3A_1829 = vector.shape_cast %add3A_1817 : vector<16xf32> to vector<16xf32>
    tpu.vector_store %arg18[%swap3A_1826], %swap3A_1829 {strides = array<i32>} : memref<48xf32, #tpu.memory_space<vmem>>, vector<16xf32>,
    "tpu.region"() ({
      %run_scoped3A = tpu.sem_alloc : memref<!tpu.dma_semaphore, #tpu.memory_space<semaphore_mem>>
      %dma_start3A_1830 = arith.constant 0 : i32
      %dma_start3A_1831 = tpu.memref_slice %arg7[%add3A, %dma_start3A_1830] : memref<32x48xf32, #tpu.memory_space<hbm>> -> memref<1x48xf32, #tpu.memory_space<hbm>>
      %dma_start3A_1832 = tpu.memref_squeeze %dma_start3A_1831 : memref<1x48xf32, #tpu.memory_space<hbm>> -> memref<48xf32, #tpu.memory_space<hbm>>
      %dma_start3A_1833 = arith.constant 0 : i32
      %dma_start3A_1834 = tpu.memref_slice %arg7[%add3A, %dma_start3A_1833] : memref<32x48xf32, #tpu.memory_space<hbm>> -> memref<1x48xf32, #tpu.memory_space<hbm>>
      %dma_start3A_1835 = tpu.memref_squeeze %dma_start3A_1834 : memref<1x48xf32, #tpu.memory_space<hbm>> -> memref<48xf32, #tpu.memory_space<hbm>>
      tpu.enqueue_dma source(%arg18 : memref<48xf32, #tpu.memory_space<vmem>>) target(%dma_start3A_1835 : memref<48xf32, #tpu.memory_space<hbm>>) target_semaphore(%run_scoped3A : memref<!tpu.dma_semaphore, #tpu.memory_space<semaphore_mem>>)
      %dma_wait3A_1836 = arith.constant 0 : i32
      %dma_wait3A_1837 = tpu.memref_slice %arg7[%add3A, %dma_wait3A_1836] : memref<32x48xf32, #tpu.memory_space<hbm>> -> memref<1x48xf32, #tpu.memory_space<hbm>>
      %dma_wait3A_1838 = tpu.memref_squeeze %dma_wait3A_1837 : memref<1x48xf32, #tpu.memory_space<hbm>> -> memref<48xf32, #tpu.memory_space<hbm>>
      %dma_wait3A_1839 = arith.constant 0 : i32
      %dma_wait3A_1840 = tpu.memref_slice %arg7[%add3A, %dma_wait3A_1839] : memref<32x48xf32, #tpu.memory_space<hbm>> -> memref<1x48xf32, #tpu.memory_space<hbm>>
      %dma_wait3A_1841 = tpu.memref_squeeze %dma_wait3A_1840 : memref<1x48xf32, #tpu.memory_space<hbm>> -> memref<48xf32, #tpu.memory_space<hbm>>
      tpu.wait_dma2 semaphore(%run_scoped3A : memref<!tpu.dma_semaphore, #tpu.memory_space<semaphore_mem>>) src(%arg18 : memref<48xf32, #tpu.memory_space<vmem>>) dst(%dma_wait3A_1841 : memref<48xf32, #tpu.memory_space<hbm>>)
      tpu.yield
    }) : () -> ()
    return
  }
}

module attributes {stable_mosaic.version = 14 : i64} {
  func.func @_tc_body(%arg0: i32, %arg1: memref<1500x512xf32, #tpu.memory_space<vmem>>, %arg2: memref<1500x512xf32, #tpu.memory_space<vmem>>, %arg3: memref<13x1504x128xf32, #tpu.memory_space<vmem>>, %arg4: memref<1x1xf32, #tpu.memory_space<vmem>>) attributes {dimension_semantics = [#tpu.dimension_semantics<arbitrary>], iteration_bounds = array<i64: 4>, scalar_prefetch = 0 : i64, scratch_operands = 0 : i64, tpu.core_type = #tpu.core_type<tc>, window_params = [{transform_indices = @transform_0, window_bounds = array<i64: 1500, 512>}, {transform_indices = @transform_1, window_bounds = array<i64: 1500, 512>}, {pipeline_mode = #tpu.pipeline_mode<synchronous>, transform_indices = @transform_2, window_bounds = array<i64: 13, 1504, 128>}, {pipeline_mode = #tpu.pipeline_mode<synchronous>, transform_indices = @transform_3, window_bounds = array<i64: 1, 1>}]} {
    %get3A = arith.constant 0 : index
    %get3A_0 = arith.constant 0 : index
    %get3A_1 = vector.load %arg1[%get3A, %get3A_0] : memref<1500x512xf32, #tpu.memory_space<vmem>>, vector<1500x512xf32>
    %get3A_2 = arith.constant 0 : index
    %get3A_3 = arith.constant 0 : index
    %get3A_4 = vector.load %arg2[%get3A_2, %get3A_3] : memref<1500x512xf32, #tpu.memory_space<vmem>>, vector<1500x512xf32>
    %abs3A = math.absf %get3A_1 : vector<1500x512xf32>
    %neg3A = arith.constant 0.000000e+00 : f32
    %neg3A_5 = vector.broadcast %neg3A : f32 to vector<1500x512xf32>
    %neg3A_6 = arith.subf %neg3A_5, %abs3A : vector<1500x512xf32>
    %exp3A = math.exp %neg3A_6 : vector<1500x512xf32>
    %max3A = arith.constant 0.000000e+00 : f32
    %max3A_7 = vector.broadcast %max3A : f32 to vector<1500x512xf32>
    %max3A_8 = arith.maximumf %get3A_1, %max3A_7 : vector<1500x512xf32>
    %mul3A = arith.mulf %get3A_1, %get3A_4 : vector<1500x512xf32>
    %sub3A = arith.subf %max3A_8, %mul3A : vector<1500x512xf32>
    %log1p3A = math.log1p %exp3A : vector<1500x512xf32>
    %add3A = arith.addf %sub3A, %log1p3A : vector<1500x512xf32>
    %reduce_sum3A = vector.shape_cast %add3A : vector<1500x512xf32> to vector<1x1500x512xf32>
    %reduce_sum3A_9 = arith.constant dense<0.000000e+00> : vector<1xf32>
    %reduce_sum3A_10 = vector.multi_reduction <add>, %reduce_sum3A, %reduce_sum3A_9 [1, 2] : vector<1x1500x512xf32> to vector<1xf32>
    %reduce_sum3A_11 = vector.shape_cast %reduce_sum3A_10 : vector<1xf32> to vector<1x1x1xf32>
    %reduce_sum3A_12 = vector.extract %reduce_sum3A_11[0, 0, 0] : f32 from vector<1x1x1xf32>
    %add3A_13 = arith.constant 1.000000e+00 : f32
    %add3A_14 = vector.broadcast %add3A_13 : f32 to vector<1500x512xf32>
    %add3A_15 = arith.addf %add3A_14, %exp3A : vector<1500x512xf32>
    %div3A = arith.constant 1.000000e+00 : f32
    %div3A_16 = vector.broadcast %div3A : f32 to vector<1500x512xf32>
    %div3A_17 = arith.divf %div3A_16, %add3A_15 : vector<1500x512xf32>
    %ge3A = arith.constant 0.000000e+00 : f32
    %ge3A_18 = vector.broadcast %ge3A : f32 to vector<1500x512xf32>
    %ge3A_19 = arith.cmpf oge, %get3A_1, %ge3A_18 : vector<1500x512xf32>
    %sub3A_20 = arith.constant 1.000000e+00 : f32
    %sub3A_21 = vector.broadcast %sub3A_20 : f32 to vector<1500x512xf32>
    %sub3A_22 = arith.subf %sub3A_21, %div3A_17 : vector<1500x512xf32>
    %select_n3A = arith.select %ge3A_19, %div3A_17, %sub3A_22 : vector<1500x512xi1>, vector<1500x512xf32>
    %dot_general3A = arith.constant dense<0.000000e+00> : vector<1500x1500xf32>
    %dot_general3A_23 = tpu.matmul %select_n3A, %select_n3A, %dot_general3A {dimension_numbers = #tpu.dot_dimension_numbers<[1], [1], [0], [0], [0, 0, 1, 0], [], []>, transpose_lhs_hint = false} : vector<1500x512xf32>, vector<1500x512xf32>, vector<1500x1500xf32> -> vector<1500x1500xf32>
    %reduce_sum3A_24 = arith.constant dense<0.000000e+00> : vector<1500xf32>
    %reduce_sum3A_25 = vector.multi_reduction <add>, %select_n3A, %reduce_sum3A_24 [1] : vector<1500x512xf32> to vector<1500xf32>
    %broadcast_in_dim3A = vector.shape_cast %reduce_sum3A_25 : vector<1500xf32> to vector<1500x1xf32>
    %eq3A = arith.constant 0 : i32
    %eq3A_26 = arith.cmpi eq, %arg0, %eq3A : i32
    %convert_element_type3A = arith.extui %eq3A_26 : i1 to i32
    %cond3A = arith.constant 0 : i32
    %cond3A_27 = arith.cmpi ne, %convert_element_type3A, %cond3A : i32
    scf.if %cond3A_27 {
      %slice3A = vector.extract_strided_slice %dot_general3A_23 {offsets = [0, 0], sizes = [1500, 128], strides = [1, 1]} : vector<1500x1500xf32> to vector<1500x128xf32>
      %swap3A = arith.constant 0 : index
      %swap3A_32 = arith.constant 0 : index
      %swap3A_33 = arith.constant 0 : index
      %swap3A_34 = vector.load %arg3[%swap3A, %swap3A_32, %swap3A_33] : memref<13x1504x128xf32, #tpu.memory_space<vmem>>, vector<1x1500x128xf32>
      %swap3A_35 = vector.shape_cast %swap3A_34 : vector<1x1500x128xf32> to vector<1500x128xf32>
      %swap3A_36 = vector.shape_cast %slice3A : vector<1500x128xf32> to vector<1x1500x128xf32>
      tpu.vector_store %arg3[%swap3A, %swap3A_32, %swap3A_33], %swap3A_36 {strides = array<i32>} : memref<13x1504x128xf32, #tpu.memory_space<vmem>>, vector<1x1500x128xf32>,
      %slice3A_37 = vector.extract_strided_slice %dot_general3A_23 {offsets = [0, 128], sizes = [1500, 128], strides = [1, 1]} : vector<1500x1500xf32> to vector<1500x128xf32>
      %swap3A_38 = arith.constant 1 : index
      %swap3A_39 = arith.constant 0 : index
      %swap3A_40 = arith.constant 0 : index
      %swap3A_41 = vector.load %arg3[%swap3A_38, %swap3A_39, %swap3A_40] : memref<13x1504x128xf32, #tpu.memory_space<vmem>>, vector<1x1500x128xf32>
      %swap3A_42 = vector.shape_cast %swap3A_41 : vector<1x1500x128xf32> to vector<1500x128xf32>
      %swap3A_43 = vector.shape_cast %slice3A_37 : vector<1500x128xf32> to vector<1x1500x128xf32>
      tpu.vector_store %arg3[%swap3A_38, %swap3A_39, %swap3A_40], %swap3A_43 {strides = array<i32>} : memref<13x1504x128xf32, #tpu.memory_space<vmem>>, vector<1x1500x128xf32>,
      %slice3A_44 = vector.extract_strided_slice %dot_general3A_23 {offsets = [0, 256], sizes = [1500, 128], strides = [1, 1]} : vector<1500x1500xf32> to vector<1500x128xf32>
      %swap3A_45 = arith.constant 2 : index
      %swap3A_46 = arith.constant 0 : index
      %swap3A_47 = arith.constant 0 : index
      %swap3A_48 = vector.load %arg3[%swap3A_45, %swap3A_46, %swap3A_47] : memref<13x1504x128xf32, #tpu.memory_space<vmem>>, vector<1x1500x128xf32>
      %swap3A_49 = vector.shape_cast %swap3A_48 : vector<1x1500x128xf32> to vector<1500x128xf32>
      %swap3A_50 = vector.shape_cast %slice3A_44 : vector<1500x128xf32> to vector<1x1500x128xf32>
      tpu.vector_store %arg3[%swap3A_45, %swap3A_46, %swap3A_47], %swap3A_50 {strides = array<i32>} : memref<13x1504x128xf32, #tpu.memory_space<vmem>>, vector<1x1500x128xf32>,
      %slice3A_51 = vector.extract_strided_slice %dot_general3A_23 {offsets = [0, 384], sizes = [1500, 128], strides = [1, 1]} : vector<1500x1500xf32> to vector<1500x128xf32>
      %swap3A_52 = arith.constant 3 : index
      %swap3A_53 = arith.constant 0 : index
      %swap3A_54 = arith.constant 0 : index
      %swap3A_55 = vector.load %arg3[%swap3A_52, %swap3A_53, %swap3A_54] : memref<13x1504x128xf32, #tpu.memory_space<vmem>>, vector<1x1500x128xf32>
      %swap3A_56 = vector.shape_cast %swap3A_55 : vector<1x1500x128xf32> to vector<1500x128xf32>
      %swap3A_57 = vector.shape_cast %slice3A_51 : vector<1500x128xf32> to vector<1x1500x128xf32>
      tpu.vector_store %arg3[%swap3A_52, %swap3A_53, %swap3A_54], %swap3A_57 {strides = array<i32>} : memref<13x1504x128xf32, #tpu.memory_space<vmem>>, vector<1x1500x128xf32>,
      %slice3A_58 = vector.extract_strided_slice %dot_general3A_23 {offsets = [0, 512], sizes = [1500, 128], strides = [1, 1]} : vector<1500x1500xf32> to vector<1500x128xf32>
      %swap3A_59 = arith.constant 4 : index
      %swap3A_60 = arith.constant 0 : index
      %swap3A_61 = arith.constant 0 : index
      %swap3A_62 = vector.load %arg3[%swap3A_59, %swap3A_60, %swap3A_61] : memref<13x1504x128xf32, #tpu.memory_space<vmem>>, vector<1x1500x128xf32>
      %swap3A_63 = vector.shape_cast %swap3A_62 : vector<1x1500x128xf32> to vector<1500x128xf32>
      %swap3A_64 = vector.shape_cast %slice3A_58 : vector<1500x128xf32> to vector<1x1500x128xf32>
      tpu.vector_store %arg3[%swap3A_59, %swap3A_60, %swap3A_61], %swap3A_64 {strides = array<i32>} : memref<13x1504x128xf32, #tpu.memory_space<vmem>>, vector<1x1500x128xf32>,
      %slice3A_65 = vector.extract_strided_slice %dot_general3A_23 {offsets = [0, 640], sizes = [1500, 128], strides = [1, 1]} : vector<1500x1500xf32> to vector<1500x128xf32>
      %swap3A_66 = arith.constant 5 : index
      %swap3A_67 = arith.constant 0 : index
      %swap3A_68 = arith.constant 0 : index
      %swap3A_69 = vector.load %arg3[%swap3A_66, %swap3A_67, %swap3A_68] : memref<13x1504x128xf32, #tpu.memory_space<vmem>>, vector<1x1500x128xf32>
      %swap3A_70 = vector.shape_cast %swap3A_69 : vector<1x1500x128xf32> to vector<1500x128xf32>
      %swap3A_71 = vector.shape_cast %slice3A_65 : vector<1500x128xf32> to vector<1x1500x128xf32>
      tpu.vector_store %arg3[%swap3A_66, %swap3A_67, %swap3A_68], %swap3A_71 {strides = array<i32>} : memref<13x1504x128xf32, #tpu.memory_space<vmem>>, vector<1x1500x128xf32>,
      %slice3A_72 = vector.extract_strided_slice %dot_general3A_23 {offsets = [0, 768], sizes = [1500, 128], strides = [1, 1]} : vector<1500x1500xf32> to vector<1500x128xf32>
      %swap3A_73 = arith.constant 6 : index
      %swap3A_74 = arith.constant 0 : index
      %swap3A_75 = arith.constant 0 : index
      %swap3A_76 = vector.load %arg3[%swap3A_73, %swap3A_74, %swap3A_75] : memref<13x1504x128xf32, #tpu.memory_space<vmem>>, vector<1x1500x128xf32>
      %swap3A_77 = vector.shape_cast %swap3A_76 : vector<1x1500x128xf32> to vector<1500x128xf32>
      %swap3A_78 = vector.shape_cast %slice3A_72 : vector<1500x128xf32> to vector<1x1500x128xf32>
      tpu.vector_store %arg3[%swap3A_73, %swap3A_74, %swap3A_75], %swap3A_78 {strides = array<i32>} : memref<13x1504x128xf32, #tpu.memory_space<vmem>>, vector<1x1500x128xf32>,
      %slice3A_79 = vector.extract_strided_slice %dot_general3A_23 {offsets = [0, 896], sizes = [1500, 128], strides = [1, 1]} : vector<1500x1500xf32> to vector<1500x128xf32>
      %swap3A_80 = arith.constant 7 : index
      %swap3A_81 = arith.constant 0 : index
      %swap3A_82 = arith.constant 0 : index
      %swap3A_83 = vector.load %arg3[%swap3A_80, %swap3A_81, %swap3A_82] : memref<13x1504x128xf32, #tpu.memory_space<vmem>>, vector<1x1500x128xf32>
      %swap3A_84 = vector.shape_cast %swap3A_83 : vector<1x1500x128xf32> to vector<1500x128xf32>
      %swap3A_85 = vector.shape_cast %slice3A_79 : vector<1500x128xf32> to vector<1x1500x128xf32>
      tpu.vector_store %arg3[%swap3A_80, %swap3A_81, %swap3A_82], %swap3A_85 {strides = array<i32>} : memref<13x1504x128xf32, #tpu.memory_space<vmem>>, vector<1x1500x128xf32>,
      %slice3A_86 = vector.extract_strided_slice %dot_general3A_23 {offsets = [0, 1024], sizes = [1500, 128], strides = [1, 1]} : vector<1500x1500xf32> to vector<1500x128xf32>
      %swap3A_87 = arith.constant 8 : index
      %swap3A_88 = arith.constant 0 : index
      %swap3A_89 = arith.constant 0 : index
      %swap3A_90 = vector.load %arg3[%swap3A_87, %swap3A_88, %swap3A_89] : memref<13x1504x128xf32, #tpu.memory_space<vmem>>, vector<1x1500x128xf32>
      %swap3A_91 = vector.shape_cast %swap3A_90 : vector<1x1500x128xf32> to vector<1500x128xf32>
      %swap3A_92 = vector.shape_cast %slice3A_86 : vector<1500x128xf32> to vector<1x1500x128xf32>
      tpu.vector_store %arg3[%swap3A_87, %swap3A_88, %swap3A_89], %swap3A_92 {strides = array<i32>} : memref<13x1504x128xf32, #tpu.memory_space<vmem>>, vector<1x1500x128xf32>,
      %slice3A_93 = vector.extract_strided_slice %dot_general3A_23 {offsets = [0, 1152], sizes = [1500, 128], strides = [1, 1]} : vector<1500x1500xf32> to vector<1500x128xf32>
      %swap3A_94 = arith.constant 9 : index
      %swap3A_95 = arith.constant 0 : index
      %swap3A_96 = arith.constant 0 : index
      %swap3A_97 = vector.load %arg3[%swap3A_94, %swap3A_95, %swap3A_96] : memref<13x1504x128xf32, #tpu.memory_space<vmem>>, vector<1x1500x128xf32>
      %swap3A_98 = vector.shape_cast %swap3A_97 : vector<1x1500x128xf32> to vector<1500x128xf32>
      %swap3A_99 = vector.shape_cast %slice3A_93 : vector<1500x128xf32> to vector<1x1500x128xf32>
      tpu.vector_store %arg3[%swap3A_94, %swap3A_95, %swap3A_96], %swap3A_99 {strides = array<i32>} : memref<13x1504x128xf32, #tpu.memory_space<vmem>>, vector<1x1500x128xf32>,
      %slice3A_100 = vector.extract_strided_slice %dot_general3A_23 {offsets = [0, 1280], sizes = [1500, 128], strides = [1, 1]} : vector<1500x1500xf32> to vector<1500x128xf32>
      %swap3A_101 = arith.constant 10 : index
      %swap3A_102 = arith.constant 0 : index
      %swap3A_103 = arith.constant 0 : index
      %swap3A_104 = vector.load %arg3[%swap3A_101, %swap3A_102, %swap3A_103] : memref<13x1504x128xf32, #tpu.memory_space<vmem>>, vector<1x1500x128xf32>
      %swap3A_105 = vector.shape_cast %swap3A_104 : vector<1x1500x128xf32> to vector<1500x128xf32>
      %swap3A_106 = vector.shape_cast %slice3A_100 : vector<1500x128xf32> to vector<1x1500x128xf32>
      tpu.vector_store %arg3[%swap3A_101, %swap3A_102, %swap3A_103], %swap3A_106 {strides = array<i32>} : memref<13x1504x128xf32, #tpu.memory_space<vmem>>, vector<1x1500x128xf32>,
      %slice3A_107 = vector.extract_strided_slice %dot_general3A_23 {offsets = [0, 1408], sizes = [1500, 92], strides = [1, 1]} : vector<1500x1500xf32> to vector<1500x92xf32>
      %swap3A_108 = arith.constant 11 : index
      %swap3A_109 = arith.constant 0 : index
      %swap3A_110 = arith.constant 0 : index
      %swap3A_111 = vector.load %arg3[%swap3A_108, %swap3A_109, %swap3A_110] : memref<13x1504x128xf32, #tpu.memory_space<vmem>>, vector<1x1500x92xf32>
      %swap3A_112 = vector.shape_cast %swap3A_111 : vector<1x1500x92xf32> to vector<1500x92xf32>
      %swap3A_113 = vector.shape_cast %slice3A_107 : vector<1500x92xf32> to vector<1x1500x92xf32>
      tpu.vector_store %arg3[%swap3A_108, %swap3A_109, %swap3A_110], %swap3A_113 {strides = array<i32>} : memref<13x1504x128xf32, #tpu.memory_space<vmem>>, vector<1x1500x92xf32>,
      %swap3A_114 = arith.constant 12 : index
      %swap3A_115 = arith.constant 0 : index
      %swap3A_116 = arith.constant 0 : index
      %swap3A_117 = vector.load %arg3[%swap3A_114, %swap3A_115, %swap3A_116] : memref<13x1504x128xf32, #tpu.memory_space<vmem>>, vector<1x1500x1xf32>
      %swap3A_118 = vector.shape_cast %swap3A_117 : vector<1x1500x1xf32> to vector<1500x1xf32>
      %swap3A_119 = vector.shape_cast %broadcast_in_dim3A : vector<1500x1xf32> to vector<1x1500x1xf32>
      tpu.vector_store %arg3[%swap3A_114, %swap3A_115, %swap3A_116], %swap3A_119 {strides = array<i32>} : memref<13x1504x128xf32, #tpu.memory_space<vmem>>, vector<1x1500x1xf32>,
      %reshape3A = vector.broadcast %reduce_sum3A_12 : f32 to vector<1x1xf32>
      %swap3A_120 = arith.constant 0 : index
      %swap3A_121 = arith.constant 0 : index
      %swap3A_122 = vector.load %arg4[%swap3A_120, %swap3A_121] : memref<1x1xf32, #tpu.memory_space<vmem>>, vector<1x1xf32>
      tpu.vector_store %arg4[%swap3A_120, %swap3A_121], %reshape3A {strides = array<i32>} : memref<1x1xf32, #tpu.memory_space<vmem>>, vector<1x1xf32>,
    } else {
    }
    %gt3A = arith.constant 0 : i32
    %gt3A_28 = arith.cmpi sgt, %arg0, %gt3A : i32
    %convert_element_type3A_29 = arith.extui %gt3A_28 : i1 to i32
    %cond3A_30 = arith.constant 0 : i32
    %cond3A_31 = arith.cmpi ne, %convert_element_type3A_29, %cond3A_30 : i32
    scf.if %cond3A_31 {
      %get3A_32 = arith.constant 0 : index
      %get3A_33 = arith.constant 0 : index
      %get3A_34 = arith.constant 0 : index
      %get3A_35 = vector.load %arg3[%get3A_32, %get3A_33, %get3A_34] : memref<13x1504x128xf32, #tpu.memory_space<vmem>>, vector<1x1500x128xf32>
      %get3A_36 = vector.shape_cast %get3A_35 : vector<1x1500x128xf32> to vector<1500x128xf32>
      %slice3A = vector.extract_strided_slice %dot_general3A_23 {offsets = [0, 0], sizes = [1500, 128], strides = [1, 1]} : vector<1500x1500xf32> to vector<1500x128xf32>
      %add3A_37 = arith.addf %get3A_36, %slice3A : vector<1500x128xf32>
      %swap3A = arith.constant 0 : index
      %swap3A_38 = arith.constant 0 : index
      %swap3A_39 = arith.constant 0 : index
      %swap3A_40 = vector.load %arg3[%swap3A, %swap3A_38, %swap3A_39] : memref<13x1504x128xf32, #tpu.memory_space<vmem>>, vector<1x1500x128xf32>
      %swap3A_41 = vector.shape_cast %swap3A_40 : vector<1x1500x128xf32> to vector<1500x128xf32>
      %swap3A_42 = vector.shape_cast %add3A_37 : vector<1500x128xf32> to vector<1x1500x128xf32>
      tpu.vector_store %arg3[%swap3A, %swap3A_38, %swap3A_39], %swap3A_42 {strides = array<i32>} : memref<13x1504x128xf32, #tpu.memory_space<vmem>>, vector<1x1500x128xf32>,
      %get3A_43 = arith.constant 1 : index
      %get3A_44 = arith.constant 0 : index
      %get3A_45 = arith.constant 0 : index
      %get3A_46 = vector.load %arg3[%get3A_43, %get3A_44, %get3A_45] : memref<13x1504x128xf32, #tpu.memory_space<vmem>>, vector<1x1500x128xf32>
      %get3A_47 = vector.shape_cast %get3A_46 : vector<1x1500x128xf32> to vector<1500x128xf32>
      %slice3A_48 = vector.extract_strided_slice %dot_general3A_23 {offsets = [0, 128], sizes = [1500, 128], strides = [1, 1]} : vector<1500x1500xf32> to vector<1500x128xf32>
      %add3A_49 = arith.addf %get3A_47, %slice3A_48 : vector<1500x128xf32>
      %swap3A_50 = arith.constant 1 : index
      %swap3A_51 = arith.constant 0 : index
      %swap3A_52 = arith.constant 0 : index
      %swap3A_53 = vector.load %arg3[%swap3A_50, %swap3A_51, %swap3A_52] : memref<13x1504x128xf32, #tpu.memory_space<vmem>>, vector<1x1500x128xf32>
      %swap3A_54 = vector.shape_cast %swap3A_53 : vector<1x1500x128xf32> to vector<1500x128xf32>
      %swap3A_55 = vector.shape_cast %add3A_49 : vector<1500x128xf32> to vector<1x1500x128xf32>
      tpu.vector_store %arg3[%swap3A_50, %swap3A_51, %swap3A_52], %swap3A_55 {strides = array<i32>} : memref<13x1504x128xf32, #tpu.memory_space<vmem>>, vector<1x1500x128xf32>,
      %get3A_56 = arith.constant 2 : index
      %get3A_57 = arith.constant 0 : index
      %get3A_58 = arith.constant 0 : index
      %get3A_59 = vector.load %arg3[%get3A_56, %get3A_57, %get3A_58] : memref<13x1504x128xf32, #tpu.memory_space<vmem>>, vector<1x1500x128xf32>
      %get3A_60 = vector.shape_cast %get3A_59 : vector<1x1500x128xf32> to vector<1500x128xf32>
      %slice3A_61 = vector.extract_strided_slice %dot_general3A_23 {offsets = [0, 256], sizes = [1500, 128], strides = [1, 1]} : vector<1500x1500xf32> to vector<1500x128xf32>
      %add3A_62 = arith.addf %get3A_60, %slice3A_61 : vector<1500x128xf32>
      %swap3A_63 = arith.constant 2 : index
      %swap3A_64 = arith.constant 0 : index
      %swap3A_65 = arith.constant 0 : index
      %swap3A_66 = vector.load %arg3[%swap3A_63, %swap3A_64, %swap3A_65] : memref<13x1504x128xf32, #tpu.memory_space<vmem>>, vector<1x1500x128xf32>
      %swap3A_67 = vector.shape_cast %swap3A_66 : vector<1x1500x128xf32> to vector<1500x128xf32>
      %swap3A_68 = vector.shape_cast %add3A_62 : vector<1500x128xf32> to vector<1x1500x128xf32>
      tpu.vector_store %arg3[%swap3A_63, %swap3A_64, %swap3A_65], %swap3A_68 {strides = array<i32>} : memref<13x1504x128xf32, #tpu.memory_space<vmem>>, vector<1x1500x128xf32>,
      %get3A_69 = arith.constant 3 : index
      %get3A_70 = arith.constant 0 : index
      %get3A_71 = arith.constant 0 : index
      %get3A_72 = vector.load %arg3[%get3A_69, %get3A_70, %get3A_71] : memref<13x1504x128xf32, #tpu.memory_space<vmem>>, vector<1x1500x128xf32>
      %get3A_73 = vector.shape_cast %get3A_72 : vector<1x1500x128xf32> to vector<1500x128xf32>
      %slice3A_74 = vector.extract_strided_slice %dot_general3A_23 {offsets = [0, 384], sizes = [1500, 128], strides = [1, 1]} : vector<1500x1500xf32> to vector<1500x128xf32>
      %add3A_75 = arith.addf %get3A_73, %slice3A_74 : vector<1500x128xf32>
      %swap3A_76 = arith.constant 3 : index
      %swap3A_77 = arith.constant 0 : index
      %swap3A_78 = arith.constant 0 : index
      %swap3A_79 = vector.load %arg3[%swap3A_76, %swap3A_77, %swap3A_78] : memref<13x1504x128xf32, #tpu.memory_space<vmem>>, vector<1x1500x128xf32>
      %swap3A_80 = vector.shape_cast %swap3A_79 : vector<1x1500x128xf32> to vector<1500x128xf32>
      %swap3A_81 = vector.shape_cast %add3A_75 : vector<1500x128xf32> to vector<1x1500x128xf32>
      tpu.vector_store %arg3[%swap3A_76, %swap3A_77, %swap3A_78], %swap3A_81 {strides = array<i32>} : memref<13x1504x128xf32, #tpu.memory_space<vmem>>, vector<1x1500x128xf32>,
      %get3A_82 = arith.constant 4 : index
      %get3A_83 = arith.constant 0 : index
      %get3A_84 = arith.constant 0 : index
      %get3A_85 = vector.load %arg3[%get3A_82, %get3A_83, %get3A_84] : memref<13x1504x128xf32, #tpu.memory_space<vmem>>, vector<1x1500x128xf32>
      %get3A_86 = vector.shape_cast %get3A_85 : vector<1x1500x128xf32> to vector<1500x128xf32>
      %slice3A_87 = vector.extract_strided_slice %dot_general3A_23 {offsets = [0, 512], sizes = [1500, 128], strides = [1, 1]} : vector<1500x1500xf32> to vector<1500x128xf32>
      %add3A_88 = arith.addf %get3A_86, %slice3A_87 : vector<1500x128xf32>
      %swap3A_89 = arith.constant 4 : index
      %swap3A_90 = arith.constant 0 : index
      %swap3A_91 = arith.constant 0 : index
      %swap3A_92 = vector.load %arg3[%swap3A_89, %swap3A_90, %swap3A_91] : memref<13x1504x128xf32, #tpu.memory_space<vmem>>, vector<1x1500x128xf32>
      %swap3A_93 = vector.shape_cast %swap3A_92 : vector<1x1500x128xf32> to vector<1500x128xf32>
      %swap3A_94 = vector.shape_cast %add3A_88 : vector<1500x128xf32> to vector<1x1500x128xf32>
      tpu.vector_store %arg3[%swap3A_89, %swap3A_90, %swap3A_91], %swap3A_94 {strides = array<i32>} : memref<13x1504x128xf32, #tpu.memory_space<vmem>>, vector<1x1500x128xf32>,
      %get3A_95 = arith.constant 5 : index
      %get3A_96 = arith.constant 0 : index
      %get3A_97 = arith.constant 0 : index
      %get3A_98 = vector.load %arg3[%get3A_95, %get3A_96, %get3A_97] : memref<13x1504x128xf32, #tpu.memory_space<vmem>>, vector<1x1500x128xf32>
      %get3A_99 = vector.shape_cast %get3A_98 : vector<1x1500x128xf32> to vector<1500x128xf32>
      %slice3A_100 = vector.extract_strided_slice %dot_general3A_23 {offsets = [0, 640], sizes = [1500, 128], strides = [1, 1]} : vector<1500x1500xf32> to vector<1500x128xf32>
      %add3A_101 = arith.addf %get3A_99, %slice3A_100 : vector<1500x128xf32>
      %swap3A_102 = arith.constant 5 : index
      %swap3A_103 = arith.constant 0 : index
      %swap3A_104 = arith.constant 0 : index
      %swap3A_105 = vector.load %arg3[%swap3A_102, %swap3A_103, %swap3A_104] : memref<13x1504x128xf32, #tpu.memory_space<vmem>>, vector<1x1500x128xf32>
      %swap3A_106 = vector.shape_cast %swap3A_105 : vector<1x1500x128xf32> to vector<1500x128xf32>
      %swap3A_107 = vector.shape_cast %add3A_101 : vector<1500x128xf32> to vector<1x1500x128xf32>
      tpu.vector_store %arg3[%swap3A_102, %swap3A_103, %swap3A_104], %swap3A_107 {strides = array<i32>} : memref<13x1504x128xf32, #tpu.memory_space<vmem>>, vector<1x1500x128xf32>,
      %get3A_108 = arith.constant 6 : index
      %get3A_109 = arith.constant 0 : index
      %get3A_110 = arith.constant 0 : index
      %get3A_111 = vector.load %arg3[%get3A_108, %get3A_109, %get3A_110] : memref<13x1504x128xf32, #tpu.memory_space<vmem>>, vector<1x1500x128xf32>
      %get3A_112 = vector.shape_cast %get3A_111 : vector<1x1500x128xf32> to vector<1500x128xf32>
      %slice3A_113 = vector.extract_strided_slice %dot_general3A_23 {offsets = [0, 768], sizes = [1500, 128], strides = [1, 1]} : vector<1500x1500xf32> to vector<1500x128xf32>
      %add3A_114 = arith.addf %get3A_112, %slice3A_113 : vector<1500x128xf32>
      %swap3A_115 = arith.constant 6 : index
      %swap3A_116 = arith.constant 0 : index
      %swap3A_117 = arith.constant 0 : index
      %swap3A_118 = vector.load %arg3[%swap3A_115, %swap3A_116, %swap3A_117] : memref<13x1504x128xf32, #tpu.memory_space<vmem>>, vector<1x1500x128xf32>
      %swap3A_119 = vector.shape_cast %swap3A_118 : vector<1x1500x128xf32> to vector<1500x128xf32>
      %swap3A_120 = vector.shape_cast %add3A_114 : vector<1500x128xf32> to vector<1x1500x128xf32>
      tpu.vector_store %arg3[%swap3A_115, %swap3A_116, %swap3A_117], %swap3A_120 {strides = array<i32>} : memref<13x1504x128xf32, #tpu.memory_space<vmem>>, vector<1x1500x128xf32>,
      %get3A_121 = arith.constant 7 : index
      %get3A_122 = arith.constant 0 : index
      %get3A_123 = arith.constant 0 : index
      %get3A_124 = vector.load %arg3[%get3A_121, %get3A_122, %get3A_123] : memref<13x1504x128xf32, #tpu.memory_space<vmem>>, vector<1x1500x128xf32>
      %get3A_125 = vector.shape_cast %get3A_124 : vector<1x1500x128xf32> to vector<1500x128xf32>
      %slice3A_126 = vector.extract_strided_slice %dot_general3A_23 {offsets = [0, 896], sizes = [1500, 128], strides = [1, 1]} : vector<1500x1500xf32> to vector<1500x128xf32>
      %add3A_127 = arith.addf %get3A_125, %slice3A_126 : vector<1500x128xf32>
      %swap3A_128 = arith.constant 7 : index
      %swap3A_129 = arith.constant 0 : index
      %swap3A_130 = arith.constant 0 : index
      %swap3A_131 = vector.load %arg3[%swap3A_128, %swap3A_129, %swap3A_130] : memref<13x1504x128xf32, #tpu.memory_space<vmem>>, vector<1x1500x128xf32>
      %swap3A_132 = vector.shape_cast %swap3A_131 : vector<1x1500x128xf32> to vector<1500x128xf32>
      %swap3A_133 = vector.shape_cast %add3A_127 : vector<1500x128xf32> to vector<1x1500x128xf32>
      tpu.vector_store %arg3[%swap3A_128, %swap3A_129, %swap3A_130], %swap3A_133 {strides = array<i32>} : memref<13x1504x128xf32, #tpu.memory_space<vmem>>, vector<1x1500x128xf32>,
      %get3A_134 = arith.constant 8 : index
      %get3A_135 = arith.constant 0 : index
      %get3A_136 = arith.constant 0 : index
      %get3A_137 = vector.load %arg3[%get3A_134, %get3A_135, %get3A_136] : memref<13x1504x128xf32, #tpu.memory_space<vmem>>, vector<1x1500x128xf32>
      %get3A_138 = vector.shape_cast %get3A_137 : vector<1x1500x128xf32> to vector<1500x128xf32>
      %slice3A_139 = vector.extract_strided_slice %dot_general3A_23 {offsets = [0, 1024], sizes = [1500, 128], strides = [1, 1]} : vector<1500x1500xf32> to vector<1500x128xf32>
      %add3A_140 = arith.addf %get3A_138, %slice3A_139 : vector<1500x128xf32>
      %swap3A_141 = arith.constant 8 : index
      %swap3A_142 = arith.constant 0 : index
      %swap3A_143 = arith.constant 0 : index
      %swap3A_144 = vector.load %arg3[%swap3A_141, %swap3A_142, %swap3A_143] : memref<13x1504x128xf32, #tpu.memory_space<vmem>>, vector<1x1500x128xf32>
      %swap3A_145 = vector.shape_cast %swap3A_144 : vector<1x1500x128xf32> to vector<1500x128xf32>
      %swap3A_146 = vector.shape_cast %add3A_140 : vector<1500x128xf32> to vector<1x1500x128xf32>
      tpu.vector_store %arg3[%swap3A_141, %swap3A_142, %swap3A_143], %swap3A_146 {strides = array<i32>} : memref<13x1504x128xf32, #tpu.memory_space<vmem>>, vector<1x1500x128xf32>,
      %get3A_147 = arith.constant 9 : index
      %get3A_148 = arith.constant 0 : index
      %get3A_149 = arith.constant 0 : index
      %get3A_150 = vector.load %arg3[%get3A_147, %get3A_148, %get3A_149] : memref<13x1504x128xf32, #tpu.memory_space<vmem>>, vector<1x1500x128xf32>
      %get3A_151 = vector.shape_cast %get3A_150 : vector<1x1500x128xf32> to vector<1500x128xf32>
      %slice3A_152 = vector.extract_strided_slice %dot_general3A_23 {offsets = [0, 1152], sizes = [1500, 128], strides = [1, 1]} : vector<1500x1500xf32> to vector<1500x128xf32>
      %add3A_153 = arith.addf %get3A_151, %slice3A_152 : vector<1500x128xf32>
      %swap3A_154 = arith.constant 9 : index
      %swap3A_155 = arith.constant 0 : index
      %swap3A_156 = arith.constant 0 : index
      %swap3A_157 = vector.load %arg3[%swap3A_154, %swap3A_155, %swap3A_156] : memref<13x1504x128xf32, #tpu.memory_space<vmem>>, vector<1x1500x128xf32>
      %swap3A_158 = vector.shape_cast %swap3A_157 : vector<1x1500x128xf32> to vector<1500x128xf32>
      %swap3A_159 = vector.shape_cast %add3A_153 : vector<1500x128xf32> to vector<1x1500x128xf32>
      tpu.vector_store %arg3[%swap3A_154, %swap3A_155, %swap3A_156], %swap3A_159 {strides = array<i32>} : memref<13x1504x128xf32, #tpu.memory_space<vmem>>, vector<1x1500x128xf32>,
      %get3A_160 = arith.constant 10 : index
      %get3A_161 = arith.constant 0 : index
      %get3A_162 = arith.constant 0 : index
      %get3A_163 = vector.load %arg3[%get3A_160, %get3A_161, %get3A_162] : memref<13x1504x128xf32, #tpu.memory_space<vmem>>, vector<1x1500x128xf32>
      %get3A_164 = vector.shape_cast %get3A_163 : vector<1x1500x128xf32> to vector<1500x128xf32>
      %slice3A_165 = vector.extract_strided_slice %dot_general3A_23 {offsets = [0, 1280], sizes = [1500, 128], strides = [1, 1]} : vector<1500x1500xf32> to vector<1500x128xf32>
      %add3A_166 = arith.addf %get3A_164, %slice3A_165 : vector<1500x128xf32>
      %swap3A_167 = arith.constant 10 : index
      %swap3A_168 = arith.constant 0 : index
      %swap3A_169 = arith.constant 0 : index
      %swap3A_170 = vector.load %arg3[%swap3A_167, %swap3A_168, %swap3A_169] : memref<13x1504x128xf32, #tpu.memory_space<vmem>>, vector<1x1500x128xf32>
      %swap3A_171 = vector.shape_cast %swap3A_170 : vector<1x1500x128xf32> to vector<1500x128xf32>
      %swap3A_172 = vector.shape_cast %add3A_166 : vector<1500x128xf32> to vector<1x1500x128xf32>
      tpu.vector_store %arg3[%swap3A_167, %swap3A_168, %swap3A_169], %swap3A_172 {strides = array<i32>} : memref<13x1504x128xf32, #tpu.memory_space<vmem>>, vector<1x1500x128xf32>,
      %get3A_173 = arith.constant 11 : index
      %get3A_174 = arith.constant 0 : index
      %get3A_175 = arith.constant 0 : index
      %get3A_176 = vector.load %arg3[%get3A_173, %get3A_174, %get3A_175] : memref<13x1504x128xf32, #tpu.memory_space<vmem>>, vector<1x1500x92xf32>
      %get3A_177 = vector.shape_cast %get3A_176 : vector<1x1500x92xf32> to vector<1500x92xf32>
      %slice3A_178 = vector.extract_strided_slice %dot_general3A_23 {offsets = [0, 1408], sizes = [1500, 92], strides = [1, 1]} : vector<1500x1500xf32> to vector<1500x92xf32>
      %add3A_179 = arith.addf %get3A_177, %slice3A_178 : vector<1500x92xf32>
      %swap3A_180 = arith.constant 11 : index
      %swap3A_181 = arith.constant 0 : index
      %swap3A_182 = arith.constant 0 : index
      %swap3A_183 = vector.load %arg3[%swap3A_180, %swap3A_181, %swap3A_182] : memref<13x1504x128xf32, #tpu.memory_space<vmem>>, vector<1x1500x92xf32>
      %swap3A_184 = vector.shape_cast %swap3A_183 : vector<1x1500x92xf32> to vector<1500x92xf32>
      %swap3A_185 = vector.shape_cast %add3A_179 : vector<1500x92xf32> to vector<1x1500x92xf32>
      tpu.vector_store %arg3[%swap3A_180, %swap3A_181, %swap3A_182], %swap3A_185 {strides = array<i32>} : memref<13x1504x128xf32, #tpu.memory_space<vmem>>, vector<1x1500x92xf32>,
      %get3A_186 = arith.constant 12 : index
      %get3A_187 = arith.constant 0 : index
      %get3A_188 = arith.constant 0 : index
      %get3A_189 = vector.load %arg3[%get3A_186, %get3A_187, %get3A_188] : memref<13x1504x128xf32, #tpu.memory_space<vmem>>, vector<1x1500x1xf32>
      %get3A_190 = vector.shape_cast %get3A_189 : vector<1x1500x1xf32> to vector<1500x1xf32>
      %add3A_191 = arith.addf %get3A_190, %broadcast_in_dim3A : vector<1500x1xf32>
      %swap3A_192 = arith.constant 12 : index
      %swap3A_193 = arith.constant 0 : index
      %swap3A_194 = arith.constant 0 : index
      %swap3A_195 = vector.load %arg3[%swap3A_192, %swap3A_193, %swap3A_194] : memref<13x1504x128xf32, #tpu.memory_space<vmem>>, vector<1x1500x1xf32>
      %swap3A_196 = vector.shape_cast %swap3A_195 : vector<1x1500x1xf32> to vector<1500x1xf32>
      %swap3A_197 = vector.shape_cast %add3A_191 : vector<1500x1xf32> to vector<1x1500x1xf32>
      tpu.vector_store %arg3[%swap3A_192, %swap3A_193, %swap3A_194], %swap3A_197 {strides = array<i32>} : memref<13x1504x128xf32, #tpu.memory_space<vmem>>, vector<1x1500x1xf32>,
      %get3A_198 = arith.constant 0 : index
      %get3A_199 = arith.constant 0 : index
      %get3A_200 = vector.load %arg4[%get3A_198, %get3A_199] : memref<1x1xf32, #tpu.memory_space<vmem>>, vector<1x1xf32>
      %reshape3A = vector.broadcast %reduce_sum3A_12 : f32 to vector<1x1xf32>
      %add3A_201 = arith.addf %get3A_200, %reshape3A : vector<1x1xf32>
      %swap3A_202 = arith.constant 0 : index
      %swap3A_203 = arith.constant 0 : index
      %swap3A_204 = vector.load %arg4[%swap3A_202, %swap3A_203] : memref<1x1xf32, #tpu.memory_space<vmem>>, vector<1x1xf32>
      tpu.vector_store %arg4[%swap3A_202, %swap3A_203], %add3A_201 {strides = array<i32>} : memref<1x1xf32, #tpu.memory_space<vmem>>, vector<1x1xf32>,
    } else {
    }
    return
  }
  func.func @transform_0(%arg0: i32) -> (i32, i32) {
    %c0_i32 = arith.constant 0 : i32
    %c0_i32_0 = arith.constant 0 : i32
    return %c0_i32, %arg0 : i32, i32
  }
  func.func @transform_1(%arg0: i32) -> (i32, i32) {
    %c0_i32 = arith.constant 0 : i32
    %c0_i32_0 = arith.constant 0 : i32
    return %c0_i32, %arg0 : i32, i32
  }
  func.func @transform_2(%arg0: i32) -> (i32, i32, i32) {
    %c0_i32 = arith.constant 0 : i32
    %c0_i32_0 = arith.constant 0 : i32
    %c0_i32_1 = arith.constant 0 : i32
    %c0_i32_2 = arith.constant 0 : i32
    return %c0_i32, %c0_i32_0, %c0_i32_1 : i32, i32, i32
  }
  func.func @transform_3(%arg0: i32) -> (i32, i32) {
    %c0_i32 = arith.constant 0 : i32
    %c0_i32_0 = arith.constant 0 : i32
    %c0_i32_1 = arith.constant 0 : i32
    return %c0_i32, %c0_i32_0 : i32, i32
  }
}

</mosaic_0001>

<sc_bundles>
// kernel: kernel.4.cloned.1.call-start
scs
__scs_entry_jumppad:
0x0: {  	(pc) =	sbr.rel $0x88, $3  }
0x1: {  	(tag) =	ssettag $0x0;
	lr =	simm.s32 $0x1  }
0x2: {  	[smem:$0x3F9B] =	sst lr;
	_ =	strace $0xD0000000  }
0x3: {  	_ = 	snop  }
0x4: {  	_ = 	snop  }
0x5: {  	_ = 	snop  }
0x6: {  	_ = 	snop  }
0x7: {  	_ = 	snop  }
__scs_overlays_trampoline_lowered:
0x8: {  	[smem:$0x3FAA] =	sst s0  }
0x9: {  	[smem:$0x3FAB] =	sst s1  }
0xa: {  	[smem:$0x3FAC] =	sst s2  }
0xb: {  	[smem:$0x3FAD] =	sst s3  }
0xc: {  	[smem:$0x3FAE] =	sst s4  }
0xd: {  	[smem:$0x3FAF] =	sst s5  }
0xe: {  	[smem:$0x3FB0] =	sst s6  }
0xf: {  	[smem:$0x3FB1] =	sst s7  }
0x10: {  	[smem:$0x3FB2] =	sst s8  }
0x11: {  	[smem:$0x3FB3] =	sst s9;
	s0 =	simm.s32 @!p0 $0x0  }
0x12: {  	s1 =	sld [smem:$0x3F99];
	s0 =	simm.s32 @p0 $0x1  }
0x13: {  	[smem:$0x3FB4] =	sst s0;
	s0 =	simm.s32 @!p1 $0x0  }
0x14: {  	s2 =	sld [smem:$0x3F98];
	s0 =	simm.s32 @p1 $0x1  }
0x15: {  	[smem:$0x3FB5] =	sst s0;
	s0 =	simm.s32 @!p2 $0x0  }
0x16: {  	s3 =	sld [smem:$0x3FDB];
	s0 =	simm.s32 @p2 $0x1  }
0x17: {  	s4 =	simm.s32 $0x1BF5;
	[smem:$0x3FB7] =	sst s0  }
0x18: {  	s0 =	sld [smem:$0x3F9A];
	_ =	swait.ge [sflag:s4], $0x0  }
0x19: {  	s7 =	sld [smem:$0x3F9B]  }
0x1a: {  	s8 =	sadd.s32 $0xFFFFE003, lr  }
0x1b: {  	s9 =	sadd.s32 $0xFFFFFEF7, lr;
	s5 =	simm.s32 $0xFFFFFFFF;
	p2 =	slt.u32 s8, $0xFFFFF086  }
0x1c: {  	p1 =	slt.u32 s9, $0xF7A;
	s5 =	simm.s32 @!p2 $0x0  }
0x1d: {  	s5 =	simm.s32 @p1 $0x1;
	p0 =	seq.s32 s7, s2  }
0x1e: {  	s7 =	smul.u32 @!p0 $0xF7A, s2;
	p2 =	seq.s32 @!p0 s5, $0x0  }
0x1f: {  	s9 =	smul.u32 $0xF7A, s1;
	s8 =	simm.s32 @!p0 $0x1BF5;
	p2 =	por !p2, p0  }
0x20: {  	[sflag:s8] =	ssyncset.s32 @!p0 $0xFFFFF086;
	s6 =	sadd.s32 @!p0 s3, s7;
	s7 =	simm.s32 @!p0 $0x108  }
0x21: {  	s3 =	sadd.s32 s3, s9;
	s6 =	sadd.s32 @!p0 $0x88, s6;
	s7 =	simm.s32 @p2 $0x1082  }
0x22: {  	[simem:s7], [sflag:s8] =	dma.local @!p0 [hbm:s6], $0xF7A  }
0x23: {  	s9 =	sor.u32 $0xD0000000, s2;
	s6 =	simm.s32 $0x108;
	_ =	swait.ge @!p0 [sflag:s8], $0x0  }
0x24: {  	s3 =	sadd.s32 $0x88, s3;
	s6 =	simm.s32 @!p1 $0x1082;
	[sflag:s4] =	ssyncset.s32 $0xFFFFF086  }
0x25: {  	[simem:s6], [sflag:s4] =	dma.local [hbm:s3], $0xF7A  }
0x26: {  	[smem:$0x3F9B] =	sst s1;
	(tag) =	ssettag s2;
	_ =	strace s9  }
0x27: {  	s1 =	sld [smem:$0x3FAB]  }
0x28: {  	s2 =	sld [smem:$0x3FAC]  }
0x29: {  	s4 =	sld [smem:$0x3FAE]  }
0x2a: {  	p0 =	seq.s32 s5, $0x0;
	s5 =	sld [smem:$0x3FAF]  }
0x2b: {  	s6 =	sld [smem:$0x3FB0]  }
0x2c: {  	s7 =	sld [smem:$0x3FB1]  }
0x2d: {  	s3 =	simm.s32 $0x108;
	s8 =	sld [smem:$0x3FB2]  }
0x2e: {  	s3 =	simm.s32 @!p0 $0x1082;
	s9 =	sld [smem:$0x3FB3]  }
0x2f: {  	lr =	sadd.s32 s0, s3;
	s0 =	sld [smem:$0x3FAA]  }
0x30: {  	s3 =	sld [smem:$0x3FAD]  }
0x31: {  	[smem:$0x3FB6] =	sst s10  }
0x32: {  	s10 =	sld [smem:$0x3FB4];
	_ =	sdelay $0x3  }
0x33: {  	p0 =	seq.s32 s10, $0x1;
	s10 =	sld [smem:$0x3FB6];
	_ =	sdelay $0x3  }
0x34: {  	[smem:$0x3FB6] =	sst s10  }
0x35: {  	s10 =	sld [smem:$0x3FB5];
	_ =	sdelay $0x3  }
0x36: {  	p1 =	seq.s32 s10, $0x1;
	s10 =	sld [smem:$0x3FB6];
	_ =	sdelay $0x3  }
0x37: {  	[smem:$0x3FB6] =	sst s10  }
0x38: {  	s10 =	sld [smem:$0x3FB7]  }
0x39: {  	_ = 	snop;
	(pc) =	sbr.ind lr, $3  }
0x3a: {  	_ = 	snop  }
0x3b: {  	_ = 	snop  }
0x3c: {  	p2 =	seq.s32 s10, $0x1;
	s10 =	sld [smem:$0x3FB6]  }
0x3d: {  	_ =	shalt  }
0x3e: {  	_ =	shalt  }
0x3f: {  	_ =	shalt  }
0x40: {  	_ =	shalt  }
0x41: {  	_ =	shalt  }
0x42: {  	_ =	shalt  }
0x43: {  	_ =	shalt  }
0x44: {  	_ =	shalt  }
0x45: {  	_ =	shalt  }
0x46: {  	_ =	shalt  }
0x47: {  	_ =	shalt  }
0x48: {  	_ =	shalt  }
0x49: {  	_ =	shalt  }
0x4a: {  	_ =	shalt  }
0x4b: {  	_ =	shalt  }
0x4c: {  	_ =	shalt  }
0x4d: {  	_ =	shalt  }
0x4e: {  	_ =	shalt  }
0x4f: {  	_ =	shalt  }
0x50: {  	_ =	shalt  }
0x51: {  	_ =	shalt  }
0x52: {  	_ =	shalt  }
0x53: {  	_ =	shalt  }
0x54: {  	_ =	shalt  }
0x55: {  	_ =	shalt  }
0x56: {  	_ =	shalt  }
0x57: {  	_ =	shalt  }
0x58: {  	_ =	shalt  }
0x59: {  	_ =	shalt  }
0x5a: {  	_ =	shalt  }
0x5b: {  	_ =	shalt  }
0x5c: {  	_ =	shalt  }
0x5d: {  	_ =	shalt  }
0x5e: {  	_ =	shalt  }
0x5f: {  	_ =	shalt  }
0x60: {  	_ =	shalt  }
0x61: {  	_ =	shalt  }
0x62: {  	_ =	shalt  }
0x63: {  	_ =	shalt  }
0x64: {  	_ =	shalt  }
0x65: {  	_ =	shalt  }
0x66: {  	_ =	shalt  }
0x67: {  	_ =	shalt  }
0x68: {  	_ =	shalt  }
0x69: {  	_ =	shalt  }
0x6a: {  	_ =	shalt  }
0x6b: {  	_ =	shalt  }
0x6c: {  	_ =	shalt  }
0x6d: {  	_ =	shalt  }
0x6e: {  	_ =	shalt  }
0x6f: {  	_ =	shalt  }
0x70: {  	_ =	shalt  }
0x71: {  	_ =	shalt  }
0x72: {  	_ =	shalt  }
0x73: {  	_ =	shalt  }
0x74: {  	_ =	shalt  }
0x75: {  	_ =	shalt  }
0x76: {  	_ =	shalt  }
0x77: {  	_ =	shalt  }
0x78: {  	_ =	shalt  }
0x79: {  	_ =	shalt  }
0x7a: {  	_ =	shalt  }
0x7b: {  	_ =	shalt  }
0x7c: {  	_ =	shalt  }
0x7d: {  	_ =	shalt  }
0x7e: {  	_ =	shalt  }
0x7f: {  	_ =	shalt  }
0x80: {  	_ =	shalt  }
0x81: {  	_ =	shalt  }
0x82: {  	_ =	shalt  }
0x83: {  	_ =	shalt  }
0x84: {  	_ =	shalt  }
0x85: {  	_ =	shalt  }
0x86: {  	_ =	shalt  }
0x87: {  	_ =	shalt  }
.Lfunc_end0:
.L_simem_size_0:
called_computation_lowered:
.L_overlay_start_0:
0x88: {  	s2 =	sld [smem:$0x3FD9]  }
0x89: {  	s3 =	sld [smem:$0x3FFE];
	_ =	sdelay $0x1  }
0x8a: {  	s1 =	srdreg.scid  }
0x8b: {  	s0 =	sand.u32 $0x1, s1  }
0x8c: {  	s17 =	sshll.u32 s0, $0xA;
	s2 =	sadd.s32 s3, s2  }
0x8d: {  	s2 =	sadd.s32 s2, s17  }
0x8e: {  	[smem:$0x3FC2] =	sst s2  }
0x8f: {  	_ = 	snop  }
0x90: {  	s2 =	sld [smem:$0x3FC7]  }
0x91: {  	s18 =	sld [smem:$0x3FC6]  }
0x92: {  	s4 =	sld [smem:$0x3FC5]  }
0x93: {  	s5 =	sld [smem:$0x3FC4];
	(tm) =	ssettm $0x1  }
0x94: {  	s6 =	sld [smem:$0x3FFB];
	_ =	sdelay $0x3  }
0x95: {  	_ =	strace s6  }
0x96: {  	s6 =	sld [smem:$0x3FFC];
	_ =	sdelay $0x3  }
0x97: {  	_ =	strace s6  }
0x98: {  	s6 =	sld [smem:$0x3FFD];
	_ =	sdelay $0x3  }
0x99: {  	_ =	strace s6  }
0x9a: {  	_ =	strace $0x8FFFFFFF  }
0x9b: {  	s19 =	sld [smem:$0x3FDB];
	_ =	sdelay $0x1  }
0x9c: {  	s7 =	simm.s32 $_scs_section_size  }
0x9d: {  	s8 =	simm.s32 $_size__tile_overlayer_lowered;
	s9 =	simm.s32 $_tile_overlayer_lowered  }
0x9e: {  	s22 =	simm.s32 $0x1BFF;
	s21 =	sshll.u32 s9, $0x1;
	s6 =	sadd.s32 s7, s19  }
0x9f: {  	s10 =	simm.s32 $0x0;
	s20 =	sshll.u32 s8, $0x1;
	s8 =	sadd.s32 s21, s6  }
0xa0: {  	[timem:s10], [sflag:s22] =	dma.local [hbm:s8], s20  }
0xa1: {  	_ =	swait.ge [sflag:s22], s20  }
0xa2: {  	s7 =	ssub.s32 $0x0, s20;
	[sflag:s22] =	ssyncset.done $0x0  }
0xa3: {  	[sflag:s22] =	ssyncadd.s32 s7;
	_ =	sdelay $0x1  }
0xa4: {  	s23 =	simm.s32 $0x1B8B  }
0xa5: {  	_ =	swait.ge [sflag:s23], $0x1  }
0xa6: {  	[sflag:s23] =	ssyncset.done $0x0  }
0xa7: {  	s25 =	simm.s32 $0x1B8E;
	s24 =	sld [smem:$0x3FFE];
	[sflag:s23] =	ssyncadd.s32 $0xFFFFFFFF  }
0xa8: {  	s26 =	simm.s32 $execute0_lowered;
	[smem:$0x3FD2] =	sst s25  }
0xa9: {  	s8 =	sshll.u32 s26, $0x1;
	_ =	strace $0x80000046;
	[dreg:$0x1] =	wrdreg $0xFFFFFFFF  }
0xaa: {  	s28 =	simm.s32 $_size_execute0_lowered;
	s6 =	sadd.s32 s6, s8;
	[dreg:$0x0] =	wrdreg $0x0  }
0xab: {  	s8 =	sshll.u32 s28, $0x1;
	[dreg:$0x2] =	wrdreg s6  }
0xac: {  	[dreg:$0x3] =	wrdreg s8  }
0xad: {  	[dreg:$0x4] =	wrdreg $0xC0  }
0xae: {  	_ =	task [dreg:s10], $0x5FFFF  }
0xaf: {  	[dreg:$0x1] =	wrdreg $0xFFFFFFFF  }
0xb0: {  	[dreg:$0x0] =	wrdreg $0x60  }
0xb1: {  	[dreg:$0x2] =	wrdreg s24  }
0xb2: {  	[dreg:$0x3] =	wrdreg s2  }
0xb3: {  	[dreg:$0x4] =	wrdreg s18  }
0xb4: {  	[dreg:$0x5] =	wrdreg s4  }
0xb5: {  	[dreg:$0x6] =	wrdreg s5  }
0xb6: {  	[dreg:$0x7] =	wrdreg $0x9  }
0xb7: {  	_ =	task.clear_ibuf [dreg:s10], $0x8FFFF;
	_ =	strace $0x90000046  }
0xb8: {  	s29 =	simm.s32 $0x9;
	_ =	strace $0x80000048  }
0xb9: {  	_ =	swait.ge [sflag:s29], $0x1  }
0xba: {  	[sflag:s29] =	ssyncadd.s32 $0xFFFFFFFF  }
0xbb: {  	_ =	strace $0x90000048  }
0xbc: {  	_ =	sfence  }
0xbd: {  	s30 =	sld [smem:$0x0];
	_ =	sdelay $0x2  }
0xbe: {  	s31 =	sshll.u32 s1, $0xD;
	s1 =	sshrl.u32 s1, $0x2  }
0xbf: {  	s3 =	sand.u32 $0x4000, s31;
	s1 =	sadd.s32 s1, s30  }
0xc0: {  	s0 =	sor.u32 s3, s0;
	s1 =	sshll.u32 s1, $0x11  }
0xc1: {  	s0 =	sor.u32 s1, s0  }
0xc2: {  	s0 =	sadd.s32 $0x8F2B, s0  }
0xc3: {  	[sflag:s0] =	ssyncadd.remote.s32 $0x1  }
0xc4: {  	_ =	sfence.sel $0xFFFF  }
0xc5: {  	[dreg:$0x0] =	wrdreg $0xFFFFFFFF;
	(pc) =	sbr.abs _section_cstart, $3  }
0xc6: {  	[dreg:$0x1] =	wrdreg $0xFFFFFFFF  }
0xc7: {  	_ =	task.clear_ibuf [dreg:s10], $0x2FFFF;
	_ =	strace $0x9FFFFFFF  }
0xc8: {  	(tm) =	ssettm $0x7FFFFFFF  }
0xc9: {  	_ =	shalt  }
tec
execute0_lowered:
.L_overlay_start_1:
0x0: {  	(tag) =	ssettag $0x1  }
0x1: {  	s1 =	srdreg.scid;
	s0 =	stileid.u32  }
0x2: {  	s7 =	sand.u32 $0x1, s1;
	s21 =	sshll.u32 s0, $0x1  }
0x3: {  	v0 =	vlaneseq.u32;
	v15 =	vimm.s32 $0x0;
	v19 =	vimm.s32 $0x0;
	s5 =	sor.u32 s7, s21  }
0x4: {  	v3 =	vimm.s32 $0x0;
	v23 =	vimm.s32 $0x0;
	v27 =	vimm.s32 $0x0;
	s4 =	smul.u32 $0x180, s5  }
0x5: {  	v31 =	vimm.s32 $0x0;
	v32 =	vimm.s32 $0x0;
	v36 =	vimm.s32 $0x0  }
0x6: {  	v40 =	vimm.s32 $0x0;
	v41 =	vimm.s32 $0x0;
	v45 =	vimm.s32 $0x0;
	s6 =	smin.u32 s4, $0x2590  }
0x7: {  	v49 =	vimm.s32 $0x0;
	v1 =	vmov s6;
	v2 =	vor.u32 s6, v0  }
0x8: {  	v50 =	vimm.s32 $0x0;
	s22 =	sadd.s32 $0x10, s6;
	s23 =	sor.u32 $0x20, s6;
	vm0 =	vge.u32 v2, s4;
	vm1 =	vlt.u32 v1, $0x2710  }
0x9: {  	s24 =	sadd.s32 $0x30, s6;
	v16 =	vmov s22;
	v17 =	vor.u32 s22, v0;
	v18 =	vor.u32 s23, v0  }
0xa: {  	s25 =	sor.u32 $0x40, s6;
	s26 =	sadd.s32 $0x50, s6;
	v20 =	vmov s23;
	v21 =	vmov s24;
	v22 =	vor.u32 s24, v0  }
0xb: {  	s2 =	sor.u32 $0x60, s6;
	v24 =	vmov s25;
	v25 =	vor.u32 s25, v0;
	v26 =	vor.u32 s26, v0  }
0xc: {  	s3 =	sadd.s32 $0x70, s6;
	s8 =	sadd.s32 $0x80, s6;
	v28 =	vmov s26;
	v29 =	vmov s2;
	v30 =	vor.u32 s2, v0  }
0xd: {  	s9 =	sadd.s32 $0x90, s6;
	v33 =	vmov s3;
	v34 =	vor.u32 s3, v0;
	v35 =	vor.u32 s8, v0  }
0xe: {  	s10 =	sadd.s32 $0xA0, s6;
	s11 =	sadd.s32 $0xB0, s6;
	v37 =	vmov s8;
	v38 =	vmov s9;
	v39 =	vor.u32 s9, v0  }
0xf: {  	s12 =	sadd.s32 $0xC0, s6;
	v42 =	vmov s10;
	v43 =	vor.u32 s10, v0;
	v44 =	vor.u32 s11, v0  }
0x10: {  	s13 =	sadd.s32 $0xD0, s6;
	s14 =	sadd.s32 $0xE0, s6;
	v46 =	vmov s11;
	v47 =	vmov s12;
	v48 =	vor.u32 s12, v0  }
0x11: {  	s15 =	sadd.s32 $0xF0, s6;
	v51 =	vmov s13;
	v52 =	vor.u32 s13, v0;
	v53 =	vor.u32 s14, v0  }
0x12: {  	v54 =	vmov s14;
	v55 =	vmov s15;
	vm0 =	vmand vm1, vm0  }
0x13: {  	s16 =	sadd.s32 $0x100, s6;
	vm1 =	vlt.u32 v16, $0x2710;
	v1 =	vsel vm0, $0xFFFFFFFF, v15;
	vm0 =	vge.u32 v17, s4  }
0x14: {  	v56 =	vor.u32 s15, v0;
	v57 =	vmov s16;
	vm0 =	vmand vm1, vm0  }
0x15: {  	s17 =	sadd.s32 $0x110, s6;
	vm1 =	vlt.u32 v20, $0x2710;
	v2 =	vsel vm0, $0xFFFFFFFF, v19;
	vm0 =	vge.u32 v18, s4  }
0x16: {  	v4 =	vor.u32 s16, v0;
	v58 =	vmov s17;
	vm0 =	vmand vm1, vm0  }
0x17: {  	s18 =	sadd.s32 $0x130, s6;
	vm1 =	vlt.u32 v21, $0x2710;
	v3 =	vsel vm0, $0xFFFFFFFF, v3;
	vm0 =	vge.u32 v22, s4  }
0x18: {  	v59 =	vor.u32 s17, v0;
	v5 =	vmov s18;
	vm0 =	vmand vm1, vm0  }
0x19: {  	s19 =	sadd.s32 $0x140, s6;
	[tilespmem:$0x1FE00] =	vst v1;
	vm1 =	vlt.u32 v24, $0x2710;
	v1 =	vsel vm0, $0xFFFFFFFF, v23;
	vm0 =	vge.u32 v25, s4  }
0x1a: {  	v6 =	vor.u32 s18, v0;
	v62 =	vmov s19;
	vm0 =	vmand vm1, vm0  }
0x1b: {  	s20 =	sadd.s32 $0x150, s6;
	[tilespmem:$0x1FE10] =	vst v2;
	vm1 =	vlt.u32 v28, $0x2710;
	v2 =	vsel vm0, $0xFFFFFFFF, v27;
	vm0 =	vge.u32 v26, s4  }
0x1c: {  	v63 =	vor.u32 s19, v0;
	v9 =	vmov s20;
	vm0 =	vmand vm1, vm0  }
0x1d: {  	[tilespmem:$0x1FE20] =	vst v3;
	vm1 =	vlt.u32 v29, $0x2710;
	v3 =	vsel vm0, $0xFFFFFFFF, v31;
	vm0 =	vge.u32 v30, s4  }
0x1e: {  	v10 =	vor.u32 s20, v0;
	vm2 =	vge.u32 v56, s4;
	vm0 =	vmand vm1, vm0  }
0x1f: {  	[tilespmem:$0x1FE30] =	vst v1;
	vm1 =	vlt.u32 v33, $0x2710;
	v1 =	vsel vm0, $0xFFFFFFFF, v32;
	vm0 =	vge.u32 v34, s4  }
0x20: {  	vm3 =	vlt.u32 v55, $0x2710;
	vm4 =	vge.u32 v4, s4;
	vm0 =	vmand vm1, vm0  }
0x21: {  	s2 =	sadd.s32 $0x120, s6;
	[tilespmem:$0x1FE40] =	vst v2;
	vm1 =	vlt.u32 v37, $0x2710;
	v2 =	vsel vm0, $0xFFFFFFFF, v36;
	vm0 =	vge.u32 v35, s4  }
0x22: {  	vm5 =	vlt.u32 v57, $0x2710;
	v60 =	vmov s2;
	vm0 =	vmand vm1, vm0  }
0x23: {  	[tilespmem:$0x1FE50] =	vst v3;
	vm1 =	vlt.u32 v38, $0x2710;
	v3 =	vsel vm0, $0xFFFFFFFF, v40;
	vm0 =	vge.u32 v39, s4  }
0x24: {  	v61 =	vor.u32 s2, v0;
	vm6 =	vlt.u32 v5, $0x2710;
	vm0 =	vmand vm1, vm0  }
0x25: {  	[tilespmem:$0x1FE60] =	vst v1;
	vm1 =	vlt.u32 v42, $0x2710;
	v1 =	vsel vm0, $0xFFFFFFFF, v41;
	vm0 =	vge.u32 v43, s4  }
0x26: {  	vm8 =	vge.u32 v10, s4;
	vm7 =	vlt.u32 v9, $0x2710;
	vm0 =	vmand vm1, vm0  }
0x27: {  	s3 =	sadd.s32 $0x170, s6;
	[tilespmem:$0x1FE70] =	vst v2;
	vm1 =	vlt.u32 v46, $0x2710;
	v2 =	vsel vm0, $0xFFFFFFFF, v45;
	vm0 =	vge.u32 v44, s4  }
0x28: {  	v14 =	vor.u32 s3, v0;
	vm15 =	vmand vm3, vm2;
	vm0 =	vmand vm1, vm0  }
0x29: {  	[tilespmem:$0x1FE80] =	vst v3;
	vm1 =	vlt.u32 v47, $0x2710;
	v3 =	vsel vm0, $0xFFFFFFFF, v49;
	vm0 =	vge.u32 v48, s4  }
0x2a: {  	vm2 =	vlt.u32 v58, $0x2710;
	vm3 =	vge.u32 v61, s4;
	vm0 =	vmand vm1, vm0  }
0x2b: {  	s25 =	sshll.u32 s5, $0x7;
	[tilespmem:$0x1FEF0] =	vst v1;
	vm1 =	vlt.u32 v51, $0x2710;
	v1 =	vsel vm0, $0xFFFFFFFF, v50;
	vm0 =	vge.u32 v52, s4  }
0x2c: {  	s13 =	smin.u32 s25, $0xF20;
	vm13 =	vmand vm1, vm0;
	vm0 =	vge.u32 v53, s4;
	vm1 =	vlt.u32 v54, $0x2710  }
0x2d: {  	s1 =	rddreg [dreg:$0x5];
	v16 =	vor.u32 s13, v0;
	v19 =	vimm.s32 $0x0;
	vm14 =	vmand vm1, vm0  }
0x2e: {  	s8 =	rddreg [dreg:$0x0];
	vm0 =	vmand vm5, vm4;
	vm1 =	vge.u32 v59, s4;
	vm4 =	vlt.u32 v60, $0x2710  }
0x2f: {  	s9 =	rddreg [dreg:$0x1];
	vm5 =	vge.u32 v6, s4;
	vm1 =	vmand vm2, vm1;
	vm2 =	vmand vm4, vm3  }
0x30: {  	s10 =	rddreg [dreg:$0x2];
	[tilespmem:$0x1FF60] =	vst v2;
	vm3 =	vmand vm6, vm5;
	vm4 =	vge.u32 v63, s4;
	vm5 =	vlt.u32 v62, $0x2710  }
0x31: {  	s11 =	rddreg [dreg:$0x3];
	s2 =	simm.s32 $0x0;
	[tilespmem:$0x1FFA0] =	vst v3;
	vm4 =	vmand vm5, vm4;
	vm5 =	vmand vm7, vm8;
	vm7 =	vge.u32 v14, s4  }
0x32: {  	[smem:$0x7FF] =	sst s2;
	v20 =	vimm.s32 $0x0;
	[tilespmem:$0x1FFE0] =	vst v1;
	vm8 =	vge.u32 v16, s25;
	v2 =	vsel vm7, $0xFFFFFFFF, v19  }
0x33: {  	s12 =	rddreg [dreg:$0x4];
	_ =	strace $0x80000047;
	v1 =	vsel vm8, $0xFFFFFFFF, v20;
	[tilespmem:$0x1FE90] =	vst v2  }
0x34: {  	s21 =	sadd.s32 $0x160, s6;
	[tilespmem:$0x1FEA0] =	vst v1;
	v21 =	vld [tilespmem:$0x1FE90]  }
0x35: {  	v11 =	vmov s21;
	v12 =	vor.u32 s21, v0;
	s14 =	sor.u32 $0x10, s13;
	v22 =	vld [tilespmem:$0x1FEA0]  }
0x36: {  	vm9 =	vge.u32 v12, s4;
	v13 =	vmov s3;
	v17 =	vmov s14  }
0x37: {  	v15 =	vmov s13;
	v18 =	vor.u32 s14, v0;
	vm11 =	vlt.u32 v17, $0xFA0  }
0x38: {  	vm10 =	vge.u32 v18, s25;
	v24 =	vimm.s32 $0x0;
	vm6 =	vlt.u32 v11, $0x2710  }
0x39: {  	vm6 =	vmand vm6, vm9;
	vm7 =	vlt.u32 v13, $0x2710;
	vm8 =	vnez.u8 v21  }
0x3a: {  	s24 =	sadd.s32 $0x20, s13;
	vm9 =	vne.s32 v15, $0xFA0;
	vm7 =	vmand vm7, vm8;
	vm8 =	vnez.u8 v22  }
0x3b: {  	v23 =	vimm.s32 $0x0;
	v25 =	vmov s24;
	vm8 =	vmand vm9, vm8  }
0x3c: {  	v26 =	vor.u32 s24, v0;
	v1 =	vsel vm8, $0xFFFFFFFF, v23;
	vm8 =	vmand vm11, vm10  }
0x3d: {  	v31 =	vimm.s32 $0x0;
	[tilespmem:$0x1FEB0] =	vst v1;
	v1 =	vsel vm8, $0xFFFFFFFF, v24;
	vm8 =	vge.u32 v26, s25  }
0x3e: {  	s15 =	sadd.s32 $0x30, s13;
	v32 =	vimm.s32 $0x0;
	[tilespmem:$0x1FEC0] =	vst v1;
	v2 =	vsel vm8, $0xFFFFFFFF, v31;
	vm8 =	vlt.u32 v25, $0xFA0  }
0x3f: {  	v28 =	vor.u32 s15, v0;
	[tilespmem:$0x1FEE0] =	vst v2;
	v1 =	vsel vm8, $0xFFFFFFFF, v32  }
0x40: {  	v33 =	vimm.s32 $0x0;
	vm8 =	vge.u32 v28, s25;
	[tilespmem:$0x1FED0] =	vst v1;
	v35 =	vld [tilespmem:$0x1FEE0]  }
0x41: {  	v1 =	vsel vm8, $0xFFFFFFFF, v33;
	v34 =	vld [tilespmem:$0x1FED0]  }
0x42: {  	[tilespmem:$0x1FF10] =	vst v1  }
0x43: {  	s26 =	sor.u32 $0x40, s13;
	v38 =	vld [tilespmem:$0x1FF10]  }
0x44: {  	v27 =	vmov s15;
	v29 =	vmov s26;
	v30 =	vor.u32 s26, v0  }
0x45: {  	vm12 =	vlt.u32 v29, $0xFA0;
	v37 =	vimm.s32 $0x0;
	v39 =	vimm.s32 $0x0  }
0x46: {  	s16 =	sor.u32 $0x50, s13;
	v40 =	vimm.s32 $0x0;
	vm9 =	vnez.u8 v35;
	vm8 =	vnez.u8 v34  }
0x47: {  	v42 =	vor.u32 s16, v0;
	v41 =	vmov s16;
	vm8 =	vmand vm8, vm9  }
0x48: {  	vm10 =	vlt.u32 v27, $0xFA0;
	v1 =	vsel vm8, $0xFFFFFFFF, v37;
	vm8 =	vnez.u8 v38  }
0x49: {  	s19 =	sadd.s32 $0x60, s13;
	v46 =	vimm.s32 $0x0;
	vm11 =	vge.u32 v30, s25;
	vm8 =	vmand vm10, vm8  }
0x4a: {  	s20 =	sadd.s32 $0x70, s13;
	v44 =	vor.u32 s19, v0;
	[tilespmem:$0x1FF00] =	vst v1;
	v1 =	vsel vm8, $0xFFFFFFFF, v39;
	vm8 =	vmand vm12, vm11  }
0x4b: {  	v0 =	vor.u32 s20, v0;
	[tilespmem:$0x1FF20] =	vst v1;
	v1 =	vsel vm8, $0xFFFFFFFF, v40;
	vm8 =	vge.u32 v42, s25  }
0x4c: {  	v47 =	vimm.s32 $0x0;
	v2 =	vsel vm8, $0xFFFFFFFF, v46;
	vm8 =	vge.u32 v44, s25  }
0x4d: {  	v48 =	vimm.s32 $0x0;
	[tilespmem:$0x1FF40] =	vst v2;
	v2 =	vsel vm8, $0xFFFFFFFF, v47;
	vm8 =	vge.u32 v0, s25  }
0x4e: {  	v49 =	vimm.s32 $0x0;
	v0 =	vsel vm8, $0xFFFFFFFF, v48;
	vm8 =	vlt.u32 v41, $0xFA0  }
0x4f: {  	v43 =	vmov s19;
	v36 =	vld [tilespmem:$0x1FEF0];
	[tilespmem:$0x1FFC0] =	vst v0;
	v0 =	vsel vm8, $0xFFFFFFFF, v49  }
0x50: {  	v50 =	vimm.s32 $0x0;
	v52 =	vld [tilespmem:$0x1FF40];
	vm8 =	vlt.u32 v43, $0xFA0;
	[tilespmem:$0x1FF50] =	vst v0  }
0x51: {  	v45 =	vmov s20;
	[tilespmem:$0x1FF80] =	vst v2;
	v0 =	vsel vm8, $0xFFFFFFFF, v50;
	v53 =	vld [tilespmem:$0x1FF50]  }
0x52: {  	s28 =	simm.s32 $0x700;
	s29 =	simm.s32 $0xA80;
	v51 =	vimm.s32 $0x0;
	v56 =	vld [tilespmem:$0x1FF80];
	vm8 =	vlt.u32 v45, $0xFA0;
	[tilespmem:$0x1FF90] =	vst v0  }
0x53: {  	s30 =	simm.s32 $0xB00;
	s31 =	simm.s32 $0x2;
	s7 =	ssub.s32 $0x2, s7;
	v0 =	vsel vm8, $0xFFFFFFFF, v51;
	v57 =	vld [tilespmem:$0x1FF90]  }
0x54: {  	s5 =	sshll.u32 s5, $0x4;
	s22 =	sshrl.u32 s7, $0x1;
	s6 =	sshrl.u32 s6, $0x3;
	v60 =	vld [tilespmem:$0x1FFC0];
	[tilespmem:$0x1FFD0] =	vst v0  }
0x55: {  	s17 =	simm.s32 $0x580;
	s18 =	simm.s32 $0x900;
	s21 =	simm.s32 $0x600;
	v61 =	vld [tilespmem:$0x1FFD0]  }
0x56: {  	s3 =	sadd.s32 $0x200, s8;
	s8 =	sadd.s32 s5, s8;
	s5 =	sadd.s32 s10, s6;
	v54 =	vld [tilespmem:$0x1FF60];
	vm8 =	vnez.u8 v52;
	vm10 =	vnez.u8 v53  }
0x57: {  	s10 =	simm.s32 $0x180;
	v55 =	vimm.s32 $0x0;
	s23 =	sshrl.u32 s13, $0x3;
	s8 =	sadd.s32 $0x4C800, s8;
	v58 =	vld [tilespmem:$0x1FFA0];
	vm8 =	vmand vm10, vm8  }
0x58: {  	s13 =	simm.s32 $0x1;
	s14 =	ssub.s32 s7, s22;
	s7 =	sadd.s32 s12, s23;
	v62 =	vld [tilespmem:$0x1FFE0];
	vm11 =	vnez.u8 v57;
	v0 =	vsel vm8, $0xFFFFFFFF, v55;
	vm8 =	vnez.u8 v56  }
0x59: {  	s12 =	simm.s32 $0x380;
	s22 =	simm.s32 $0x980;
	s15 =	simm.s32 $0x400;
	v59 =	vimm.s32 $0x0;
	vm8 =	vmand vm11, vm8  }
0x5a: {  	s24 =	simm.s32 $0x880;
	s26 =	simm.s32 $0xA00;
	s16 =	simm.s32 $0x780;
	vm12 =	vnez.u8 v61;
	[tilespmem:$0x1FF70] =	vst v0;
	v0 =	vsel vm8, $0xFFFFFFFF, v59;
	vm8 =	vnez.u8 v60  }
0x5b: {  	s19 =	simm.s32 $0x480;
	s20 =	simm.s32 $0x800;
	v63 =	vimm.s32 $0x0;
	s4 =	sadd.s32 s9, s6;
	[tilespmem:$0x1FF30] =	vst v1;
	vm8 =	vmand vm12, vm8  }
0x5c: {  	s6 =	sadd.s32 s11, s23;
	s9 =	smax.u32 s14, $0x1;
	s11 =	simm.s32 $0x300;
	vm9 =	vnez.u8 v36;
	[tilespmem:$0x1FFB0] =	vst v0;
	v0 =	vsel vm8, $0xFFFFFFFF, v63  }
0x5d: {  	s14 =	simm.s32 $0x80;
	s23 =	simm.s32 $0x500;
	s25 =	simm.s32 $0x680;
	vm10 =	vnez.u8 v54;
	vm11 =	vnez.u8 v58;
	vm12 =	vnez.u8 v62;
	[tilespmem:$0x1FFF0] =	vst v0  }
.LBB2_1:
0x5e: {  	[tilespmem:s2], [sflag:$0x1] =	stream.linear.gather [hbm4b:s4+s2], $0x180, $0x38;
	[tilespmem:$0xB80] =	vst v63  }
0x5f: {  	_ = 	snop  }
0x60: {  	[tilespmem:s10], [sflag:$0x1] =	stream.linear.gather [hbm4b:s5+s2], $0x180, $0x38;
	[tilespmem:$0xB80] =	vst v63  }
0x61: {  	_ = 	snop  }
0x62: {  	[tilespmem:s11], [sflag:$0x1] =	stream.linear.gather [hbm4b:s6+s2], $0x80, $0x38;
	[tilespmem:$0xB80] =	vst v63  }
0x63: {  	_ = 	snop  }
0x64: {  	[tilespmem:s12], [sflag:$0x1] =	stream.linear.gather [hbm4b:s7+s2], $0x80, $0x38;
	[tilespmem:$0xB80] =	vst v63  }
0x65: {  	_ =	swait.ge [sflag:s13], $0x180  }
0x66: {  	[sflag:s13] =	ssyncset.done $0x0  }
0x67: {  	[sflag:s13] =	ssyncadd.s32 $0xFFFFFE80  }
0x68: {  	_ =	swait.ge [sflag:s13], $0x180  }
0x69: {  	[sflag:s13] =	ssyncset.done $0x0  }
0x6a: {  	[sflag:s13] =	ssyncadd.s32 $0xFFFFFE80  }
0x6b: {  	_ =	swait.ge [sflag:s13], $0x80  }
0x6c: {  	[sflag:s13] =	ssyncset.done $0x0  }
0x6d: {  	[sflag:s13] =	ssyncadd.s32 $0xFFFFFF80  }
0x6e: {  	_ =	swait.ge [sflag:s13], $0x80  }
0x6f: {  	[sflag:s13] =	ssyncset.done $0x0  }
0x70: {  	[sflag:s13] =	ssyncadd.s32 $0xFFFFFF80  }
0x71: {  	v0 =	vld [tilespmem:$0x180]  }
0x72: {  	v1 =	vld [tilespmem:$0x0]  }
0x73: {  	v2 =	vld [tilespmem:$0x190]  }
0x74: {  	v3 =	vld [tilespmem:$0x10]  }
0x75: {  	v5 =	vld [tilespmem:$0x1A0]  }
0x76: {  	v6 =	vld [tilespmem:$0x20]  }
0x77: {  	v7 =	vld [tilespmem:$0x1B0]  }
0x78: {  	v10 =	vld [tilespmem:$0x1C0]  }
0x79: {  	v11 =	vld [tilespmem:$0x40]  }
0x7a: {  	v12 =	vld [tilespmem:$0x1D0]  }
0x7b: {  	v13 =	vld [tilespmem:$0x50]  }
0x7c: {  	v32 =	vld [tilespmem:$0x1E0]  }
0x7d: {  	v16 =	vld [tilespmem:$0x1F0]  }
0x7e: {  	v17 =	vld [tilespmem:$0x70]  }
0x7f: {  	v18 =	vld [tilespmem:$0x200]  }
0x80: {  	v19 =	vld [tilespmem:$0x80]  }
0x81: {  	v37 =	vld [tilespmem:$0x210]  }
0x82: {  	v39 =	vld [tilespmem:$0x90];
	v4 =	vshrl.u32 v0, $0x7;
	v1 =	vshll.u32 v1, $0x7  }
0x83: {  	v22 =	vld [tilespmem:$0x220];
	v0 =	vand.u32 $0x7F, v0;
	v8 =	vshrl.u32 v2, $0x7;
	v3 =	vshll.u32 v3, $0x7  }
0x84: {  	v43 =	vld [tilespmem:$0xA0];
	v9 =	vshrl.u32 v5, $0x7;
	v2 =	vand.u32 $0x7F, v2;
	v30 =	vshll.u32 v6, $0x7  }
0x85: {  	v46 =	vld [tilespmem:$0x230];
	v31 =	vshrl.u32 v7, $0x7;
	v5 =	vand.u32 $0x7F, v5;
	v7 =	vand.u32 $0x7F, v7  }
0x86: {  	v49 =	vld [tilespmem:$0xB0];
	v14 =	vshrl.u32 v10, $0x7;
	v11 =	vshll.u32 v11, $0x7;
	v15 =	vshrl.u32 v12, $0x7  }
0x87: {  	v52 =	vld [tilespmem:$0x240];
	v10 =	vand.u32 $0x7F, v10;
	v35 =	vshll.u32 v13, $0x7;
	v36 =	vshrl.u32 v32, $0x7  }
0x88: {  	v24 =	vld [tilespmem:$0xD0];
	v12 =	vand.u32 $0x7F, v12;
	v20 =	vshrl.u32 v16, $0x7;
	v17 =	vshll.u32 v17, $0x7  }
0x89: {  	v21 =	vshrl.u32 v18, $0x7;
	v41 =	vand.u32 $0x7F, v16;
	v44 =	vshll.u32 v19, $0x7  }
0x8a: {  	v29 =	vld [tilespmem:$0x30];
	v45 =	vshrl.u32 v37, $0x7;
	v48 =	vand.u32 $0x7F, v18;
	v51 =	vshll.u32 v39, $0x7  }
0x8b: {  	v34 =	vld [tilespmem:$0x60];
	v54 =	vand.u32 $0x7F, v37;
	v55 =	vshrl.u32 v22, $0x7;
	v60 =	vshll.u32 v43, $0x7  }
0x8c: {  	v61 =	vshrl.u32 v46, $0x7;
	v63 =	vand.u32 $0x7F, v22;
	v25 =	vshll.u32 v49, $0x7  }
0x8d: {  	v26 =	vshrl.u32 v52, $0x7;
	v37 =	vshll.u32 v24, $0x7;
	v4 =	vmul.u32 $0x2F000, v4  }
0x8e: {  	v62 =	vld [tilespmem:$0x250];
	v28 =	vmul.u32 $0x2F000, v8;
	v9 =	vmul.u32 $0x2F000, v9;
	v6 =	vmul.u32 $0x2F000, v31  }
0x8f: {  	v8 =	vshll.u32 v29, $0x7;
	v33 =	vmul.u32 $0x2F000, v14;
	v15 =	vmul.u32 $0x2F000, v15  }
0x90: {  	v13 =	vmul.u32 $0x2F000, v36;
	v14 =	vshll.u32 v34, $0x7;
	v38 =	vmul.u32 $0x2F000, v20  }
0x91: {  	v42 =	vmul.u32 $0x2F000, v21;
	v50 =	vadd.s32 $0x234000, v17;
	v57 =	vmul.u32 $0x2F000, v55  }
0x92: {  	v27 =	vld [tilespmem:$0x260];
	v59 =	vadd.s32 $0x234000, v51;
	v16 =	vmul.u32 $0x2F000, v61;
	v29 =	vand.u32 $0x7F, v46  }
0x93: {  	v31 =	vadd.s32 $0x234000, v60;
	v34 =	vshrl.u32 v62, $0x7;
	v49 =	vadd.s32 $0x234000, v37  }
0x94: {  	[tilespmem:$0x5F0] =	vst v50;
	v4 =	vadd.s32 v1, v4;
	v1 =	vadd.s32 $0x234000, v1;
	v9 =	vadd.s32 v30, v9  }
0x95: {  	[tilespmem:$0x610] =	vst v59;
	v6 =	vadd.s32 v8, v6;
	v8 =	vadd.s32 $0x234000, v8;
	v15 =	vadd.s32 v35, v15  }
0x96: {  	[tilespmem:$0x620] =	vst v31;
	v13 =	vadd.s32 v14, v13;
	v14 =	vadd.s32 $0x234000, v14;
	v40 =	vadd.s32 v17, v38  }
0x97: {  	[tilespmem:$0x650] =	vst v49;
	v47 =	vadd.s32 v44, v42;
	v38 =	vshrl.u32 v27, $0x7;
	v0 =	vor.u32 v0, v4  }
0x98: {  	v4 =	vadd.s32 v3, v28;
	v3 =	vadd.s32 $0x234000, v3;
	v5 =	vor.u32 v5, v9;
	[tilespmem:$0x580] =	vst v1  }
0x99: {  	v58 =	vld [tilespmem:$0xC0];
	v6 =	vor.u32 v7, v6;
	v7 =	vadd.s32 v11, v33;
	v11 =	vadd.s32 $0x234000, v11;
	[tilespmem:$0x5B0] =	vst v8  }
0x9a: {  	v39 =	vld [tilespmem:$0x280];
	v12 =	vor.u32 v12, v15;
	v9 =	vand.u32 $0x7F, v32;
	v1 =	vadd.s32 $0x234000, v44;
	[tilespmem:$0x5E0] =	vst v14  }
0x9b: {  	v36 =	vld [tilespmem:$0xF0];
	v28 =	vadd.s32 v25, v16;
	v8 =	vmul.u32 $0x2F000, v26;
	v33 =	vand.u32 $0x7F, v52;
	[tilespmem:$0x400] =	vst v0  }
0x9c: {  	v61 =	vld [tilespmem:$0x130];
	v16 =	vmul.u32 $0x2F000, v38;
	v2 =	vor.u32 v2, v4;
	v4 =	vadd.s32 $0x234000, v30;
	[tilespmem:$0x590] =	vst v3  }
0x9d: {  	v21 =	vld [tilespmem:$0x2C0];
	v7 =	vor.u32 v10, v7;
	v10 =	vadd.s32 $0x234000, v35;
	v9 =	vor.u32 v9, v13;
	[tilespmem:$0x420] =	vst v5  }
0x9e: {  	v50 =	vld [tilespmem:$0x2A0];
	v0 =	vor.u32 v41, v40;
	v13 =	vmul.u32 $0x2F000, v45;
	v5 =	vadd.s32 v60, v57;
	[tilespmem:$0x5C0] =	vst v11  }
0x9f: {  	v59 =	vld [tilespmem:$0x2B0];
	v11 =	vor.u32 v29, v28;
	v35 =	vmul.u32 $0x2F000, v34;
	v41 =	vand.u32 $0x7F, v62;
	[tilespmem:$0x410] =	vst v2  }
0xa0: {  	v60 =	vand.u32 $0x7F, v39;
	v2 =	vor.u32 v48, v47;
	[tilespmem:$0x440] =	vst v7;
	v5 =	vor.u32 v63, v5  }
0xa1: {  	v42 =	vld [tilespmem:$0x100];
	[tilespmem:$0x5D0] =	vst v10;
	v7 =	vadd.s32 $0x234000, v25;
	v47 =	vand.u32 $0x7F, v27;
	v10 =	vshll.u32 v36, $0x7  }
0xa2: {  	v24 =	vld [tilespmem:$0x140];
	[tilespmem:$0x430] =	vst v6;
	v34 =	vshll.u32 v61, $0x7;
	v53 =	vadd.s32 v51, v13;
	v13 =	vshll.u32 v58, $0x7  }
0xa3: {  	v32 =	vld [tilespmem:$0x270];
	[tilespmem:$0x450] =	vst v12;
	v40 =	vadd.s32 v37, v35;
	v63 =	vshrl.u32 v50, $0x7;
	v27 =	vand.u32 $0x7F, v50  }
0xa4: {  	v26 =	vld [tilespmem:$0x2D0];
	[tilespmem:$0x600] =	vst v1;
	v28 =	vshrl.u32 v59, $0x7;
	v35 =	vshrl.u32 v21, $0x7;
	v38 =	vand.u32 $0x7F, v59  }
0xa5: {  	v30 =	vld [tilespmem:$0xE0];
	[tilespmem:$0x5A0] =	vst v4;
	v56 =	vor.u32 v54, v53;
	v8 =	vadd.s32 v13, v8;
	v13 =	vadd.s32 $0x234000, v13  }
0xa6: {  	v45 =	vld [tilespmem:$0x290];
	[tilespmem:$0x470] =	vst v0;
	v0 =	vor.u32 v41, v40;
	v53 =	vshrl.u32 v39, $0x7;
	v57 =	vshll.u32 v42, $0x7  }
0xa7: {  	[tilespmem:$0x460] =	vst v9;
	v12 =	vmul.u32 $0x2F000, v63;
	v31 =	vmul.u32 $0x2F000, v28;
	v14 =	vmul.u32 $0x2F000, v35  }
0xa8: {  	[tilespmem:$0x4B0] =	vst v11;
	v40 =	vshll.u32 v24, $0x7;
	v8 =	vor.u32 v33, v8;
	v44 =	vshrl.u32 v32, $0x7  }
0xa9: {  	v48 =	vld [tilespmem:$0x110];
	[tilespmem:$0x490] =	vst v56;
	v52 =	vand.u32 $0x7F, v32;
	v54 =	vmul.u32 $0x2F000, v53;
	v56 =	vadd.s32 $0x234000, v10  }
0xaa: {  	v36 =	vld [tilespmem:$0x2E0];
	[tilespmem:$0x480] =	vst v2;
	v25 =	vadd.s32 $0x234000, v57;
	v41 =	vshrl.u32 v26, $0x7;
	v43 =	vshll.u32 v30, $0x7  }
0xab: {  	v55 =	vld [tilespmem:$0x120];
	[tilespmem:$0x4A0] =	vst v5;
	v9 =	vmul.u32 $0x2F000, v44;
	v58 =	vshrl.u32 v45, $0x7;
	v23 =	vand.u32 $0x7F, v45  }
0xac: {  	[tilespmem:$0x630] =	vst v7;
	v37 =	vadd.s32 v34, v31;
	v44 =	vand.u32 $0x7F, v21;
	v45 =	vadd.s32 $0x234000, v34  }
0xad: {  	v50 =	vld [tilespmem:$0x380];
	[tilespmem:$0x640] =	vst v13;
	v46 =	vadd.s32 v43, v16;
	v3 =	vadd.s32 $0x234000, v43;
	v6 =	vadd.s32 v57, v54  }
0xae: {  	v39 =	vld [tilespmem:$0x160];
	[tilespmem:$0x4D0] =	vst v0;
	v15 =	vmul.u32 $0x2F000, v58;
	v62 =	vshll.u32 v48, $0x7;
	v43 =	vadd.s32 v40, v14  }
0xaf: {  	v42 =	vld [tilespmem:$0x2F0];
	[tilespmem:$0x4C0] =	vst v8;
	v49 =	vshrl.u32 v36, $0x7;
	v58 =	vand.u32 $0x7F, v36;
	v2 =	vor.u32 v47, v46  }
0xb0: {  	v59 =	vld [tilespmem:$0x310];
	[tilespmem:$0x670] =	vst v56;
	v51 =	vadd.s32 v10, v9;
	v6 =	vor.u32 v60, v6;
	v9 =	vshll.u32 v55, $0x7  }
0xb1: {  	v28 =	vld [tilespmem:$0x330];
	v29 =	vadd.s32 $0x234000, v62;
	[tilespmem:$0x660] =	vst v3;
	v10 =	vand.u32 $0x7F, v26;
	v3 =	vadd.s32 $0x234000, v40  }
0xb2: {  	v32 =	vld [tilespmem:$0x150];
	[tilespmem:$0x680] =	vst v25;
	v21 =	vshrl.u32 v50, $0x7;
	v4 =	vor.u32 v52, v51;
	v22 =	vadd.s32 v62, v15  }
0xb3: {  	v56 =	vld [tilespmem:$0x300];
	v12 =	vadd.s32 v9, v12;
	v33 =	vadd.s32 $0x234000, v9;
	[tilespmem:$0x4E0] =	vst v2;
	v2 =	vor.u32 v38, v37  }
0xb4: {  	v25 =	vld [tilespmem:$0x320];
	[tilespmem:$0x6B0] =	vst v45;
	v51 =	vmul.u32 $0x2F000, v49;
	v54 =	vshll.u32 v39, $0x7;
	v55 =	vshrl.u32 v42, $0x7  }
0xb5: {  	v34 =	vld [tilespmem:$0x3D0];
	[tilespmem:$0x690] =	vst v29;
	v20 =	vand.u32 $0x7F, v42;
	v29 =	vand.u32 $0x7F, v50;
	v7 =	vor.u32 v23, v22  }
0xb6: {  	v31 =	vld [tilespmem:$0x3C0];
	v30 =	vor.u32 v27, v12;
	[tilespmem:$0x4F0] =	vst v4;
	v12 =	vmul.u32 $0x2F000, v41;
	v4 =	vor.u32 v44, v43  }
0xb7: {  	v47 =	vld [tilespmem:$0x170];
	[tilespmem:$0x500] =	vst v6;
	v46 =	vshll.u32 v32, $0x7;
	v60 =	vadd.s32 $0x234000, v54;
	v23 =	vmul.u32 $0x2F000, v21  }
0xb8: {  	v40 =	vld [tilespmem:$0x350];
	[tilespmem:$0x6C0] =	vst v3;
	v43 =	vshll.u32 v28, $0x7;
	v53 =	vadd.s32 $0x234000, v46;
	v57 =	vadd.s32 v54, v51  }
0xb9: {  	v52 =	vld [tilespmem:$0x390];
	[tilespmem:$0x520] =	vst v30;
	v27 =	vshll.u32 v56, $0x7;
	v30 =	vshll.u32 v59, $0x7;
	v38 =	vshll.u32 v25, $0x7  }
0xba: {  	v62 =	vld [tilespmem:$0x3A0];
	[tilespmem:$0x6A0] =	vst v33;
	v49 =	vshrl.u32 v34, $0x7;
	v59 =	vand.u32 $0x7F, v34;
	v48 =	vadd.s32 v46, v12  }
0xbb: {  	v37 =	vld [tilespmem:$0x340];
	[tilespmem:$0x530] =	vst v2;
	v12 =	vmul.u32 $0x2F000, v55;
	v0 =	vor.u32 v58, v57;
	v2 =	vadd.s32 v27, v23  }
0xbc: {  	v50 =	vld [tilespmem:$0x360];
	[tilespmem:$0x510] =	vst v7;
	v46 =	vshrl.u32 v31, $0x7;
	v55 =	vand.u32 $0x7F, v31;
	v6 =	vor.u32 v10, v48  }
0xbd: {  	v22 =	vld [tilespmem:$0x3B0];
	[tilespmem:$0x540] =	vst v4;
	v61 =	vshll.u32 v47, $0x7;
	v2 =	vor.u32 v29, v2;
	v56 =	vshll.u32 v40, $0x7  }
0xbe: {  	v44 =	vld [tilespmem:$0x3E0];
	[tilespmem:$0x6E0] =	vst v60;
	v63 =	vadd.s32 v61, v12;
	v24 =	vshrl.u32 v52, $0x7;
	v26 =	vadd.s32 $0x234000, v61  }
0xbf: {  	[tilespmem:$0x6D0] =	vst v53;
	v33 =	vshrl.u32 v62, $0x7;
	v35 =	vand.u32 $0x7F, v52;
	v42 =	vand.u32 $0x7F, v62  }
0xc0: {  	[tilespmem:$0x550] =	vst v6;
	v6 =	vmul.u32 $0x2F000, v46;
	v51 =	vshll.u32 v37, $0x7;
	v52 =	vmul.u32 $0x2F000, v49  }
0xc1: {  	[tilespmem:$0x560] =	vst v0;
	v47 =	vld [tilespmem:$0x3F0];
	v61 =	vshll.u32 v50, $0x7;
	v1 =	vor.u32 v20, v63;
	v12 =	vmul.u32 $0x2F000, v24  }
0xc2: {  	[tilespmem:$0x700] =	vst v2;
	v4 =	vmul.u32 $0x2F000, v33;
	v36 =	vshrl.u32 v22, $0x7;
	v48 =	vand.u32 $0x7F, v22  }
0xc3: {  	v53 =	vld [tilespmem:$0x370];
	[tilespmem:$0x6F0] =	vst v26;
	v58 =	vshrl.u32 v44, $0x7;
	v63 =	vand.u32 $0x7F, v44;
	v54 =	vadd.s32 v51, v6  }
0xc4: {  	v39 =	vmul.u32 $0x2F000, v36;
	[tilespmem:$0x570] =	vst v1;
	v32 =	vadd.s32 v30, v12;
	v2 =	vor.u32 v55, v54  }
0xc5: {  	v41 =	vadd.s32 v38, v4;
	v4 =	vmul.u32 $0x2F000, v58;
	v3 =	vor.u32 v35, v32;
	[tilespmem:$0x740] =	vst v2  }
0xc6: {  	v0 =	vor.u32 v42, v41;
	v45 =	vadd.s32 v43, v39;
	v60 =	vshrl.u32 v47, $0x7;
	[tilespmem:$0x710] =	vst v3  }
0xc7: {  	v57 =	vadd.s32 v56, v52;
	v1 =	vor.u32 v48, v45;
	[tilespmem:$0x720] =	vst v0;
	v62 =	vmul.u32 $0x2F000, v60  }
0xc8: {  	v9 =	vshll.u32 v53, $0x7;
	v0 =	vor.u32 v59, v57;
	[tilespmem:$0x730] =	vst v1;
	v1 =	vadd.s32 v61, v4  }
0xc9: {  	v12 =	vand.u32 $0x7F, v47;
	[tilespmem:$0x750] =	vst v0;
	v10 =	vor.u32 v63, v1;
	v11 =	vadd.s32 v9, v62  }
0xca: {  	[tilespmem:$0x760] =	vst v10;
	v13 =	vor.u32 v12, v11  }
0xcb: {  	[tilespmem:$0x770] =	vst v13  }
0xcc: {  	[tilespmem:s16], [sflag:$0x1] =	stream.indirect.gather [hbm4b:s3+s14], $0x1, s15, s14, $0xb8;
	[tilespmem:$0xB80] =	vst v63  }
0xcd: {  	_ = 	snop  }
0xce: {  	[tilespmem:s18], [sflag:$0x1] =	stream.indirect.gather [hbm4b:s3+s14], $0x1, s17, s14, $0xb8;
	[tilespmem:$0xB80] =	vst v63  }
0xcf: {  	_ = 	snop  }
0xd0: {  	[tilespmem:s20], [sflag:$0x1] =	stream.indirect.gather [hbm4b:s3+s14], $0x1, s19, s14, $0xb8;
	[tilespmem:$0xB80] =	vst v63  }
0xd1: {  	_ = 	snop  }
0xd2: {  	[tilespmem:s22], [sflag:$0x1] =	stream.indirect.gather [hbm4b:s3+s14], $0x1, s21, s14, $0xb8;
	[tilespmem:$0xB80] =	vst v63  }
0xd3: {  	_ = 	snop  }
0xd4: {  	[tilespmem:s24], [sflag:$0x1] =	stream.indirect.gather [hbm4b:s3+s14], $0x1, s23, s14, $0xb8;
	[tilespmem:$0xB80] =	vst v63  }
0xd5: {  	_ = 	snop  }
0xd6: {  	[tilespmem:s26], [sflag:$0x1] =	stream.indirect.gather [hbm4b:s3+s14], $0x1, s25, s14, $0xb8;
	[tilespmem:$0xB80] =	vst v63  }
0xd7: {  	_ = 	snop  }
0xd8: {  	[tilespmem:s29], [sflag:$0x1] =	stream.indirect.gather [hbm4b:s3+s14], $0x1, s28, s14, $0xb8;
	[tilespmem:$0xB80] =	vst v63  }
0xd9: {  	_ =	swait.ge [sflag:s13], $0x80  }
0xda: {  	[sflag:s13] =	ssyncset.done $0x0  }
0xdb: {  	[sflag:s13] =	ssyncadd.s32 $0xFFFFFF80  }
0xdc: {  	_ =	swait.ge [sflag:s13], $0x80  }
0xdd: {  	[sflag:s13] =	ssyncset.done $0x0  }
0xde: {  	[sflag:s13] =	ssyncadd.s32 $0xFFFFFF80  }
0xdf: {  	_ =	swait.ge [sflag:s13], $0x80  }
0xe0: {  	[sflag:s13] =	ssyncset.done $0x0  }
0xe1: {  	[sflag:s13] =	ssyncadd.s32 $0xFFFFFF80  }
0xe2: {  	_ =	swait.ge [sflag:s13], $0x80  }
0xe3: {  	[sflag:s13] =	ssyncset.done $0x0  }
0xe4: {  	[sflag:s13] =	ssyncadd.s32 $0xFFFFFF80  }
0xe5: {  	_ =	swait.ge [sflag:s13], $0x80  }
0xe6: {  	[sflag:s13] =	ssyncset.done $0x0  }
0xe7: {  	[sflag:s13] =	ssyncadd.s32 $0xFFFFFF80  }
0xe8: {  	_ =	swait.ge [sflag:s13], $0x80  }
0xe9: {  	[sflag:s13] =	ssyncset.done $0x0  }
0xea: {  	[sflag:s13] =	ssyncadd.s32 $0xFFFFFF80  }
0xeb: {  	_ =	swait.ge [sflag:s13], $0x80  }
0xec: {  	v27 =	vld [tilespmem:$0x1FE00]  }
0xed: {  	v29 =	vld [tilespmem:$0x1FE10]  }
0xee: {  	v32 =	vld [tilespmem:$0x1FE20]  }
0xef: {  	v36 =	vld [tilespmem:$0x1FE30]  }
0xf0: {  	v40 =	vld [tilespmem:$0x1FE40]  }
0xf1: {  	v44 =	vld [tilespmem:$0x1FE50]  }
0xf2: {  	v48 =	vld [tilespmem:$0x1FE60]  }
0xf3: {  	[sflag:s13] =	ssyncset.done $0x0;
	v52 =	vld [tilespmem:$0x1FE70]  }
0xf4: {  	v55 =	vld [tilespmem:$0x1FE80];
	[sflag:s13] =	ssyncadd.s32 $0xFFFFFF80  }
0xf5: {  	v14 =	vld [tilespmem:$0x780]  }
0xf6: {  	v15 =	vld [tilespmem:$0x900]  }
0xf7: {  	v16 =	vld [tilespmem:$0x790]  }
0xf8: {  	v17 =	vld [tilespmem:$0x910]  }
0xf9: {  	v18 =	vld [tilespmem:$0x7A0]  }
0xfa: {  	v19 =	vld [tilespmem:$0x920]  }
0xfb: {  	v20 =	vld [tilespmem:$0x7B0]  }
0xfc: {  	v21 =	vld [tilespmem:$0x930]  }
0xfd: {  	v22 =	vld [tilespmem:$0x7C0]  }
0xfe: {  	v23 =	vld [tilespmem:$0x940]  }
0xff: {  	v24 =	vld [tilespmem:$0x7D0]  }
0x100: {  	v25 =	vld [tilespmem:$0x950]  }
0x101: {  	v26 =	vld [tilespmem:$0x7E0]  }
0x102: {  	v28 =	vld [tilespmem:$0x960]  }
0x103: {  	v30 =	vld [tilespmem:$0x7F0]  }
0x104: {  	v31 =	vld [tilespmem:$0x970]  }
0x105: {  	v34 =	vld [tilespmem:$0x800]  }
0x106: {  	v35 =	vld [tilespmem:$0x980]  }
0x107: {  	v38 =	vld [tilespmem:$0x810]  }
0x108: {  	v39 =	vld [tilespmem:$0x990]  }
0x109: {  	v42 =	vld [tilespmem:$0x820];
	v0 =	vadd.f32 $0.0e+00, v14;
	v1 =	vadd.f32 $0.0e+00, v15  }
0x10a: {  	v43 =	vld [tilespmem:$0x9A0];
	vm8 =	vnez.u8 v27  }
0x10b: {  	v46 =	vld [tilespmem:$0x830];
	v0 =	vnsel vm8, $0x0, v0;
	v1 =	vnsel vm8, $0x0, v1;
	vm8 =	vnez.u8 v29  }
0x10c: {  	v47 =	vld [tilespmem:$0x9B0];
	v2 =	vnsel vm8, $0x0, v16  }
0x10d: {  	v50 =	vld [tilespmem:$0x840];
	v3 =	vnsel vm8, $0x0, v17;
	vm8 =	vnez.u8 v32;
	v0 =	vadd.f32 v2, v0  }
0x10e: {  	v51 =	vld [tilespmem:$0x9C0];
	v1 =	vadd.f32 v3, v1;
	v3 =	vnsel vm8, $0x0, v18  }
0x10f: {  	v53 =	vld [tilespmem:$0x850];
	v33 =	vnsel vm8, $0x0, v19;
	vm8 =	vnez.u8 v36;
	v0 =	vadd.f32 v3, v0  }
0x110: {  	v54 =	vld [tilespmem:$0x9D0];
	v4 =	vnsel vm8, $0x0, v20;
	v1 =	vadd.f32 v33, v1  }
0x111: {  	v56 =	vld [tilespmem:$0x860];
	v37 =	vnsel vm8, $0x0, v21;
	vm8 =	vnez.u8 v40;
	v0 =	vadd.f32 v4, v0  }
0x112: {  	v57 =	vld [tilespmem:$0x9E0];
	v6 =	vnsel vm8, $0x0, v22;
	v1 =	vadd.f32 v37, v1  }
0x113: {  	v59 =	vld [tilespmem:$0x870];
	v41 =	vnsel vm8, $0x0, v23;
	vm8 =	vnez.u8 v44;
	v0 =	vadd.f32 v6, v0  }
0x114: {  	v60 =	vld [tilespmem:$0x9F0];
	v8 =	vnsel vm8, $0x0, v24;
	v1 =	vadd.f32 v41, v1  }
0x115: {  	v62 =	vld [tilespmem:$0x880];
	v45 =	vnsel vm8, $0x0, v25;
	vm8 =	vnez.u8 v48;
	v0 =	vadd.f32 v8, v0  }
0x116: {  	v63 =	vld [tilespmem:$0xA00];
	v10 =	vnsel vm8, $0x0, v26;
	v1 =	vadd.f32 v45, v1  }
0x117: {  	v27 =	vld [tilespmem:$0xA80];
	v49 =	vnsel vm8, $0x0, v28;
	vm8 =	vnez.u8 v52;
	v0 =	vadd.f32 v10, v0  }
0x118: {  	v58 =	vnsel vm9, $0x0, v38;
	v38 =	vld [tilespmem:$0x1FEB0];
	v12 =	vnsel vm8, $0x0, v30;
	v1 =	vadd.f32 v49, v1  }
0x119: {  	v29 =	vld [tilespmem:$0xA90];
	v2 =	vnsel vm8, $0x0, v31;
	vm8 =	vnez.u8 v55;
	v0 =	vadd.f32 v12, v0  }
0x11a: {  	v17 =	vld [tilespmem:$0x890];
	v5 =	vnsel vm8, $0x0, v34;
	v1 =	vadd.f32 v2, v1  }
0x11b: {  	v32 =	vld [tilespmem:$0xAA0];
	v3 =	vnsel vm8, $0x0, v35;
	v0 =	vadd.f32 v5, v0  }
0x11c: {  	v18 =	vld [tilespmem:$0xA10];
	v1 =	vadd.f32 v3, v1  }
0x11d: {  	v19 =	vnsel vm12, $0x0, v50;
	v50 =	vld [tilespmem:$0xAE0];
	v4 =	vnsel vm9, $0x0, v39;
	v0 =	vadd.f32 v58, v0  }
0x11e: {  	v61 =	vnsel vm10, $0x0, v42;
	v20 =	vld [tilespmem:$0x8A0];
	v1 =	vadd.f32 v4, v1  }
0x11f: {  	v21 =	vld [tilespmem:$0xA20];
	v6 =	vnsel vm10, $0x0, v43;
	v0 =	vadd.f32 v61, v0  }
0x120: {  	v16 =	vnsel vm11, $0x0, v46;
	v23 =	vld [tilespmem:$0x8B0];
	v1 =	vadd.f32 v6, v1  }
0x121: {  	v44 =	vld [tilespmem:$0x1FF00];
	v8 =	vnsel vm11, $0x0, v47;
	v0 =	vadd.f32 v16, v0  }
0x122: {  	v7 =	vnsel vm15, $0x0, v59;
	v22 =	vnsel vm13, $0x0, v53;
	v53 =	vld [tilespmem:$0x1FF30];
	v1 =	vadd.f32 v8, v1  }
0x123: {  	v25 =	vnsel vm14, $0x0, v56;
	v26 =	vld [tilespmem:$0x8C0];
	v10 =	vnsel vm12, $0x0, v51;
	v0 =	vadd.f32 v19, v0  }
0x124: {  	v33 =	vnsel vm1, $0x0, v17;
	v37 =	vld [tilespmem:$0x8E0];
	v30 =	vnsel vm0, $0x0, v62;
	v1 =	vadd.f32 v10, v1  }
0x125: {  	v39 =	vld [tilespmem:$0x1FEC0];
	v36 =	vnsel vm2, $0x0, v20;
	v2 =	vnsel vm13, $0x0, v54;
	v0 =	vadd.f32 v22, v0  }
0x126: {  	v24 =	vld [tilespmem:$0xA30];
	vm8 =	vnez.u8 v38;
	v40 =	vnsel vm2, $0x0, v21;
	v1 =	vadd.f32 v2, v1  }
0x127: {  	v48 =	vld [tilespmem:$0x1FF20];
	v42 =	vnsel vm3, $0x0, v23;
	v3 =	vnsel vm14, $0x0, v57;
	v0 =	vadd.f32 v25, v0  }
0x128: {  	v28 =	vld [tilespmem:$0xA40];
	v46 =	vnsel vm4, $0x0, v26;
	v1 =	vadd.f32 v3, v1;
	v3 =	vadd.f32 $0.0e+00, v27  }
0x129: {  	v31 =	vld [tilespmem:$0x8D0];
	v56 =	vnsel vm6, $0x0, v37;
	v4 =	vnsel vm15, $0x0, v60;
	v0 =	vadd.f32 v7, v0  }
0x12a: {  	v35 =	vld [tilespmem:$0xAB0];
	v1 =	vadd.f32 v4, v1;
	v3 =	vnsel vm8, $0x0, v3;
	vm8 =	vnez.u8 v39  }
0x12b: {  	v55 =	vld [tilespmem:$0xAF0];
	v5 =	vnsel vm0, $0x0, v63;
	v4 =	vnsel vm8, $0x0, v29;
	v0 =	vadd.f32 v30, v0  }
0x12c: {  	v41 =	vld [tilespmem:$0xAC0];
	vm8 =	vnez.u8 v44;
	v1 =	vadd.f32 v5, v1;
	v3 =	vadd.f32 v4, v3  }
0x12d: {  	v57 =	vld [tilespmem:$0x1FF70];
	v6 =	vnsel vm1, $0x0, v18;
	v5 =	vnsel vm8, $0x0, v32;
	v0 =	vadd.f32 v33, v0  }
0x12e: {  	v45 =	vld [tilespmem:$0xAD0];
	vm8 =	vnez.u8 v48;
	v1 =	vadd.f32 v6, v1;
	v3 =	vadd.f32 v5, v3  }
0x12f: {  	v49 =	vnsel vm4, $0x0, v28;
	v61 =	vld [tilespmem:$0x1FFB0];
	v6 =	vnsel vm8, $0x0, v35;
	v0 =	vadd.f32 v36, v0  }
0x130: {  	v34 =	vld [tilespmem:$0xA50];
	vm8 =	vnez.u8 v53;
	v1 =	vadd.f32 v40, v1;
	v3 =	vadd.f32 v6, v3  }
0x131: {  	v63 =	vld [tilespmem:$0x1FFF0];
	v2 =	vnsel vm3, $0x0, v24;
	v4 =	vnsel vm8, $0x0, v41;
	v0 =	vadd.f32 v42, v0  }
0x132: {  	v43 =	vld [tilespmem:$0xA60];
	vm8 =	vnez.u8 v57;
	v1 =	vadd.f32 v2, v1;
	v3 =	vadd.f32 v4, v3  }
0x133: {  	v47 =	vld [tilespmem:$0x8F0];
	v51 =	vnsel vm5, $0x0, v31;
	v5 =	vnsel vm8, $0x0, v45;
	v0 =	vadd.f32 v46, v0  }
0x134: {  	v52 =	vld [tilespmem:$0xA70];
	vm8 =	vnez.u8 v61;
	v1 =	vadd.f32 v49, v1;
	v58 =	vadd.f32 v5, v3  }
0x135: {  	v54 =	vnsel vm5, $0x0, v34;
	v5 =	vnsel vm8, $0x0, v50;
	v0 =	vadd.f32 v51, v0  }
0x136: {  	vm8 =	vnez.u8 v63;
	v1 =	vadd.f32 v54, v1;
	v2 =	vadd.f32 v5, v58  }
0x137: {  	v59 =	vnsel vm6, $0x0, v43;
	v3 =	vnsel vm8, $0x0, v55;
	v0 =	vadd.f32 v56, v0  }
0x138: {  	v60 =	vnsel vm7, $0x0, v47;
	v1 =	vadd.f32 v59, v1;
	v2 =	vadd.f32 v3, v2  }
0x139: {  	v62 =	vnsel vm7, $0x0, v52;
	v0 =	vadd.f32 v60, v0  }
0x13a: {  	v1 =	vadd.f32 v62, v1;
	[tilespmem:$0xB20] =	vst v2  }
0x13b: {  	p0 =	sne.s32 s9, $0x1;
	[tilespmem:$0xB00] =	vst v0  }
.Ltmp0:
0x13c: {  	[tilespmem:$0xB10] =	vst v1;
	(pc) =	sbr.rel @p0 .LBB2_1-.Ltmp0, $4  }
0x13d: {  	[hbm4b:s8+s2] =	stream.linear.scatter [tilespmem:s30], [sflag:$0x2], $0x80, $0x38;
	[tilespmem:$0xB80] =	vst v63  }
0x13e: {  	_ =	swait.ge [sflag:s31], $0x80  }
0x13f: {  	[sflag:s31] =	ssyncset.done $0x0  }
0x140: {  	s9 =	sadd.s32 $0xFFFFFFFF, s9;
	[sflag:s31] =	ssyncadd.s32 $0xFFFFFF80  }
0x141: {  	_ =	sfence.sel $0x180000  }
0x142: {  	[bflag:$0x0] =	sbarrier.arrive $0xFFFF  }
0x143: {  	p0 =	sne.s32 s0, $0x0;
	_ =	strace $0x90000047  }
0x144: {  	s0 =	sadd.s32 @!p0 $0x100000, s1;
	[bflag:$0x2] =	sbarrier.arrive $0xFFFF  }
0x145: {  	[sflag:s0] =	ssyncadd.tile.s32 @!p0 $0x1;
	_ =	shalt  }
.Lfunc_end2:
_tile_overlayer_lowered:
.L_overlay_start_2:
0x146: {  	(tag) =	ssettag $0x2  }
0x147: {  	s0 =	rddreg [dreg:$0x0];
	s2 =	stileid.u32  }
0x148: {  	s1 =	rddreg [dreg:$0x1];
	p0 =	sne.s32 s2, $0x0  }
0x149: {  	s3 =	rddreg [dreg:$0x2];
	[bflag:$0x3] =	sbarrier.arrive $0xFFFF;
	s2 =	simm.s32 @!p0 $0x1C02  }
0x14a: {  	[timem:s3], [sflag:s2] =	dma.local @!p0 [hbm:s0], s1  }
0x14b: {  	s0 =	simm.s32 @!p0 $0x2  }
0x14c: {  	_ =	swait.ge @!p0 [sflag:s0], s1  }
0x14d: {  	s1 =	ssub.s32 @!p0 $0x0, s1;
	[sflag:s0] =	ssyncset.done @!p0 $0x0  }
0x14e: {  	[sflag:s0] =	ssyncadd.s32 @!p0 s1  }
0x14f: {  	[bflag:$0x3] =	sbarrier.arrive $0xFFFF  }
0x150: {  	_ =	shalt  }

</sc_bundles>
